<compile_context>
chip_gen: v7x
topology: tpu7x:2x2x1
jax: 0.10.2.dev20260603
libtpu: 0.0.44.dev20260713+nightly
codegen_flags: <defaults>
</compile_context>

<pallas_src>
import jax
import jax.numpy as jnp
from jax import lax
from jax.experimental import pallas as pl
from jax.experimental.pallas import tpu as pltpu
from jax.experimental.pallas import tpu_sc as plsc

LANES = 16
UNROLL = 4


def _pick_block(total: int, budget_words: int, d: int) -> int:
    best = 0
    c = 128
    while c * (d + 1) <= budget_words:
        if total % c == 0:
            best = c
        c += 128
    if best == 0:
        raise ValueError("no valid block size")
    return best


def kernel(x, bessel_weights, bessel_values, r_values):
    E = x.shape[0]
    V, D = bessel_values.shape
    VP = ((V + LANES - 1) // LANES) * LANES
    TABW = D * VP

    info = plsc.get_sparse_core_info()
    NC, NS = info.num_cores, info.num_subcores
    NW = NC * NS

    budget = 131000 - TABW - D * LANES - 2 * LANES
    C = _pick_block(E, budget, 2 * D + 1)
    NBLK = E // C

    tab_t = jnp.pad(bessel_values.T, ((0, 0), (0, VP - V))).reshape(-1)
    rmax = r_values[V - 1]
    inv_dr = jnp.float32(V - 1) / rmax
    params = jnp.stack([jnp.broadcast_to(rmax, (LANES,)),
                        jnp.broadcast_to(inv_dr, (LANES,))])
    w_b = jnp.broadcast_to(bessel_weights[:, None], (D, LANES))

    mesh = plsc.VectorSubcoreMesh(core_axis_name="c", subcore_axis_name="s")

    def body(x_hbm, tab_hbm, w_hbm, par_hbm, out_hbm, tr_v, x_v, out_v, w_v,
             par_v, sem00, sem01, sem10, sem11, sx0, sx1):
        wid = lax.axis_index("s") * NC + lax.axis_index("c")

        pltpu.sync_copy(tab_hbm, tr_v)
        pltpu.sync_copy(w_hbm, w_v)
        pltpu.sync_copy(par_hbm, par_v)

        rmax_v = par_v[0, :]
        inv_v = par_v[1, :]

        for c in range(D):
            wvec = w_v[c, :]

            def sbody(g, _, c=c, wvec=wvec):
                off = c * VP + g * LANES
                tr_v[pl.ds(off, LANES)] = tr_v[pl.ds(off, LANES)] * wvec
                return 0

            lax.fori_loop(0, VP // LANES, sbody, 0)

        iota = lax.iota(jnp.int32, LANES)
        nb_w = (NBLK - wid + NW - 1) // NW
        sems = [[sem00, sem01], [sem10, sem11]]
        sxs = [sx0, sx1]
        H = C * D // 2

        def do_block(i, b):
            base = (wid + i * NW) * C

            @pl.when(i + 1 < nb_w)
            def _prefetch_next_x():
                nbase = (wid + (i + 1) * NW) * C
                pltpu.async_copy(x_hbm.at[pl.ds(nbase, C)], x_v.at[1 - b],
                                 sxs[1 - b])

            pltpu.make_async_copy(x_hbm.at[pl.ds(base, C)], x_v.at[b],
                                  sxs[b]).wait()
            xb = x_v.at[b]
            ob = out_v.at[b]

            @pl.when(i >= 2)
            def _wait_prev():
                for h in range(2):
                    pltpu.make_async_copy(
                        ob.at[pl.ds(h * H, H)],
                        out_hbm.at[pl.ds(base * D + h * H, H)], sems[b][h]).wait()

            def grp(gq, _):
                for u in range(UNROLL):
                    g = gq * UNROLL + u
                    xv = xb[pl.ds(g * LANES, LANES)]
                    xc = jnp.minimum(xv, rmax_v)
                    t = xc * inv_v
                    it = t.astype(jnp.int32)
                    it = jnp.where(it.astype(jnp.float32) < t, it + 1, it)
                    it = jnp.minimum(jnp.maximum(it, 0), V - 1)
                    sidx = (g >> 3) * (D * 128) + (g & 7) * LANES + iota
                    for c in range(D):
                        val = plsc.load_gather(tr_v, [it + c * VP])
                        plsc.store_scatter(ob, [sidx + c * 128], val)
                return 0

            lax.fori_loop(0, C // (LANES * UNROLL), grp, 0)
            for h in range(2):
                pltpu.async_copy(ob.at[pl.ds(h * H, H)],
                                 out_hbm.at[pl.ds(base * D + h * H, H)],
                                 sems[b][h])

        @pl.when(nb_w > 0)
        def _prime_x():
            pltpu.async_copy(x_hbm.at[pl.ds(wid * C, C)], x_v.at[0], sxs[0])

        def blk2(i2, _):
            for b in range(2):
                i = i2 * 2 + b

                @pl.when(i < nb_w)
                def _():
                    do_block(i, b)
            return 0

        lax.fori_loop(0, (nb_w + 1) // 2, blk2, 0)
        for b in range(2):

            @pl.when(nb_w > b)
            def _drain():
                for h in range(2):
                    pltpu.make_async_copy(
                        out_v.at[b].at[pl.ds(h * H, H)],
                        out_hbm.at[pl.ds(h * H, H)], sems[b][h]).wait()

    run = pl.kernel(
        body,
        out_type=jax.ShapeDtypeStruct((E * D,), jnp.float32),
        mesh=mesh,
        compiler_params=pltpu.CompilerParams(
            needs_layout_passes=False, use_tc_tiling_on_sc=False,
            disable_bounds_checks=True),
        scratch_types=[
            pltpu.VMEM((TABW,), jnp.float32),
            pltpu.VMEM((2, C), jnp.float32),
            pltpu.VMEM((2, C * D), jnp.float32),
            pltpu.VMEM((D, LANES), jnp.float32),
            pltpu.VMEM((2, LANES), jnp.float32),
            pltpu.SemaphoreType.DMA,
            pltpu.SemaphoreType.DMA,
            pltpu.SemaphoreType.DMA,
            pltpu.SemaphoreType.DMA,
            pltpu.SemaphoreType.DMA,
            pltpu.SemaphoreType.DMA,
        ],
    )
    out_tiles = run(x, tab_t, w_b, params)
    return out_tiles.reshape(E // 128, D, 128).transpose(0, 2, 1).reshape(E, D)

# --- scband reference (transcript-rebuilt; emitter-appended) ---
"""Pipeline reference for scband-bessel-basis-41506563948775 (READ-ONLY COPY).

The authoritative reference and input builder live on the scoring server;
editing this copy changes nothing except your own understanding.
"""

import jax, jax.numpy as jnp
import numpy as np

R_MAX = 5.0
NUM_BASIS = 8
ACCURACY = 0.001
NUM_POINTS = int(R_MAX / ACCURACY)  # 5000
N_EDGES = 6400000


def _spherical_jn_table(nmax, x):
    """Spherical Bessel j_0..j_nmax at points x via Miller downward recurrence (float64)."""
    x = np.asarray(x, dtype=np.float64)
    safe = np.where(x == 0.0, 1.0, x)
    M = nmax + 15
    jp = np.zeros_like(safe)
    jc = np.full_like(safe, 1e-30)
    out = np.zeros((nmax + 1,) + x.shape, dtype=np.float64)
    for n in range(M, -1, -1):
        if n <= nmax:
            out[n] = jc
        if n > 0:
            jm = (2.0 * n + 1.0) / safe * jc - jp
            jp, jc = jc, jm
    j0_true = np.where(x == 0.0, 1.0, np.sin(safe) / safe)
    j1_true = np.where(x == 0.0, 0.0, np.sin(safe) / safe ** 2 - np.cos(safe) / safe)
    den0 = np.where(out[0] == 0.0, 1.0, out[0])
    den1 = np.where(out[1] == 0.0, 1.0, out[1])
    scale = np.where(np.abs(j0_true) >= np.abs(j1_true), j0_true / den0, j1_true / den1)
    out = out * scale
    zero = (x == 0.0)
    if np.any(zero):
        for n in range(nmax + 1):
            out[n] = np.where(zero, 1.0 if n == 0 else 0.0, out[n])
    return out


def setup_inputs(seed: int = 0) -> dict:
    key = jax.random.key(seed)
    # edge distances; slightly exceed r_max so the clip path is exercised
    x = jax.random.uniform(jax.random.fold_in(key, 0), (N_EDGES,), dtype=jnp.float32,
                           minval=0.0, maxval=1.2 * R_MAX)
    r_np = np.linspace(0.0, R_MAX, NUM_POINTS)
    jn = _spherical_jn_table(NUM_BASIS - 1, r_np)        # [num_basis, num_points]
    bessel_np = np.round(jn.T.astype(np.float32), 6)      # [num_points, num_basis]
    r_values = jnp.asarray(r_np, dtype=jnp.float32)
    bessel_values = jnp.asarray(bessel_np, dtype=jnp.float32)
    bessel_weights = jnp.ones((NUM_BASIS,), dtype=jnp.float32)
    return {"x": x, "bessel_weights": bessel_weights,
            "bessel_values": bessel_values, "r_values": r_values}


def reference(x, bessel_weights, bessel_values, r_values):
    xc = jnp.minimum(x, r_values.max())
    idcs = jnp.searchsorted(r_values, xc)          # [N] int indices into table
    gathered = bessel_values[idcs]                 # gather -> [N, num_basis]
    return jnp.einsum('i,ji->ji', bessel_weights, gathered)

if __name__ == "__main__":
    import jax
    _d = setup_inputs()
    print(jax.jit(kernel)(*tuple(_d.values())))

</pallas_src>

<mosaic_0001>
#map = affine_map<(d0, d1) -> (0)>
#map1 = affine_map<(d0, d1) -> (0, 0)>
module attributes {stable_mosaic.version = 14 : i64} {
  func.func @body(%arg0: i32, %arg1: i32, %arg2: memref<6400000xf32, #tpu.memory_space<hbm>>, %arg3: memref<40064xf32, #tpu.memory_space<hbm>>, %arg4: memref<8x16xf32, #tpu.memory_space<hbm>>, %arg5: memref<2x16xf32, #tpu.memory_space<hbm>>, %arg6: memref<51200000xf32, #tpu.memory_space<hbm>>, %arg7: memref<40064xf32, #tpu.memory_space<vmem>>, %arg8: memref<2x3200xf32, #tpu.memory_space<vmem>>, %arg9: memref<2x25600xf32, #tpu.memory_space<vmem>>, %arg10: memref<8x16xf32, #tpu.memory_space<vmem>>, %arg11: memref<2x16xf32, #tpu.memory_space<vmem>>, %arg12: memref<!tpu.dma_semaphore, #tpu.memory_space<semaphore_mem>>, %arg13: memref<!tpu.dma_semaphore, #tpu.memory_space<semaphore_mem>>, %arg14: memref<!tpu.dma_semaphore, #tpu.memory_space<semaphore_mem>>, %arg15: memref<!tpu.dma_semaphore, #tpu.memory_space<semaphore_mem>>, %arg16: memref<!tpu.dma_semaphore, #tpu.memory_space<semaphore_mem>>, %arg17: memref<!tpu.dma_semaphore, #tpu.memory_space<semaphore_mem>>) attributes {dimension_semantics = [#tpu.dimension_semantics<core_parallel>, #tpu.dimension_semantics<subcore_parallel>], iteration_bounds = array<i64: 2, 16>, scalar_prefetch = 0 : i64, scratch_operands = 11 : i64, tpu.core_type = #tpu.core_type<sc_vector_subcore>, window_params = [{transform_indices = #map}, {transform_indices = #map}, {transform_indices = #map1}, {transform_indices = #map1}, {transform_indices = #map}]} {
    %mul3A = arith.constant 2 : i32
    %mul3A_0 = arith.muli %arg1, %mul3A : i32
    %add3A = arith.addi %mul3A_0, %arg0 : i32
    "tpu.region"() ({
      %run_scoped3A = tpu.sem_alloc : memref<!tpu.dma_semaphore, #tpu.memory_space<semaphore_mem>>
      tpu.enqueue_dma source(%arg3 : memref<40064xf32, #tpu.memory_space<hbm>>) target(%arg7 : memref<40064xf32, #tpu.memory_space<vmem>>) target_semaphore(%run_scoped3A : memref<!tpu.dma_semaphore, #tpu.memory_space<semaphore_mem>>)
      tpu.wait_dma2 semaphore(%run_scoped3A : memref<!tpu.dma_semaphore, #tpu.memory_space<semaphore_mem>>) src(%arg3 : memref<40064xf32, #tpu.memory_space<hbm>>) dst(%arg7 : memref<40064xf32, #tpu.memory_space<vmem>>)
      tpu.yield
    }) : () -> ()
    "tpu.region"() ({
      %run_scoped3A = tpu.sem_alloc : memref<!tpu.dma_semaphore, #tpu.memory_space<semaphore_mem>>
      tpu.enqueue_dma source(%arg4 : memref<8x16xf32, #tpu.memory_space<hbm>>) target(%arg10 : memref<8x16xf32, #tpu.memory_space<vmem>>) target_semaphore(%run_scoped3A : memref<!tpu.dma_semaphore, #tpu.memory_space<semaphore_mem>>)
      tpu.wait_dma2 semaphore(%run_scoped3A : memref<!tpu.dma_semaphore, #tpu.memory_space<semaphore_mem>>) src(%arg4 : memref<8x16xf32, #tpu.memory_space<hbm>>) dst(%arg10 : memref<8x16xf32, #tpu.memory_space<vmem>>)
      tpu.yield
    }) : () -> ()
    "tpu.region"() ({
      %run_scoped3A = tpu.sem_alloc : memref<!tpu.dma_semaphore, #tpu.memory_space<semaphore_mem>>
      tpu.enqueue_dma source(%arg5 : memref<2x16xf32, #tpu.memory_space<hbm>>) target(%arg11 : memref<2x16xf32, #tpu.memory_space<vmem>>) target_semaphore(%run_scoped3A : memref<!tpu.dma_semaphore, #tpu.memory_space<semaphore_mem>>)
      tpu.wait_dma2 semaphore(%run_scoped3A : memref<!tpu.dma_semaphore, #tpu.memory_space<semaphore_mem>>) src(%arg5 : memref<2x16xf32, #tpu.memory_space<hbm>>) dst(%arg11 : memref<2x16xf32, #tpu.memory_space<vmem>>)
      tpu.yield
    }) : () -> ()
    %get3A = arith.constant 0 : i32
    %get3A_1 = arith.index_cast %get3A : i32 to index
    %get3A_2 = arith.constant 0 : index
    %get3A_3 = tpu.vector_load %arg11[%get3A_1, %get3A_2] {strides = array<i32>} : memref<2x16xf32, #tpu.memory_space<vmem>>, vector<16xf32>,
    %get3A_4 = arith.constant 1 : i32
    %get3A_5 = arith.index_cast %get3A_4 : i32 to index
    %get3A_6 = arith.constant 0 : index
    %get3A_7 = tpu.vector_load %arg11[%get3A_5, %get3A_6] {strides = array<i32>} : memref<2x16xf32, #tpu.memory_space<vmem>>, vector<16xf32>,
    %get3A_8 = arith.constant 0 : i32
    %get3A_9 = arith.index_cast %get3A_8 : i32 to index
    %get3A_10 = arith.constant 0 : index
    %get3A_11 = tpu.vector_load %arg10[%get3A_9, %get3A_10] {strides = array<i32>} : memref<8x16xf32, #tpu.memory_space<vmem>>, vector<16xf32>,
    %scan3A = arith.constant 0 : i32
    %scan3A_12 = arith.constant 0 : i32
    %scan3A_13 = arith.constant 313 : i32
    %scan3A_14 = arith.addi %scan3A_12, %scan3A_13 : i32
    %scan3A_15 = arith.constant 1 : i32
    %scan3A_16 = scf.for %scan3A_166 = %scan3A_12 to %scan3A_14 step %scan3A_15 iter_args(%scan3A_167 = %scan3A) -> (i32)  : i32 {
      %mul3A_168 = arith.constant 16 : i32
      %mul3A_169 = arith.muli %scan3A_166, %mul3A_168 : i32
      %add3A_170 = arith.constant 0 : i32
      %add3A_171 = arith.addi %add3A_170, %mul3A_169 : i32
      %get3A_172 = arith.index_cast %add3A_171 : i32 to index
      %get3A_173 = tpu.vector_load %arg7[%get3A_172] {strides = array<i32>} : memref<40064xf32, #tpu.memory_space<vmem>>, vector<16xf32>,
      %mul3A_174 = arith.mulf %get3A_173, %get3A_11 : vector<16xf32>
      %swap3A = arith.index_cast %add3A_171 : i32 to index
      %swap3A_175 = tpu.vector_load %arg7[%swap3A] {strides = array<i32>} : memref<40064xf32, #tpu.memory_space<vmem>>, vector<16xf32>,
      tpu.vector_store %arg7[%swap3A], %mul3A_174 {strides = array<i32>} : memref<40064xf32, #tpu.memory_space<vmem>>, vector<16xf32>,
      %scan3A_176 = arith.constant 0 : i32
      scf.yield %scan3A_176 : i32
    }
    %scan3A_17 = arith.constant 313 : i32
    %get3A_18 = arith.constant 1 : i32
    %get3A_19 = arith.index_cast %get3A_18 : i32 to index
    %get3A_20 = arith.constant 0 : index
    %get3A_21 = tpu.vector_load %arg10[%get3A_19, %get3A_20] {strides = array<i32>} : memref<8x16xf32, #tpu.memory_space<vmem>>, vector<16xf32>,
    %scan3A_22 = arith.constant 0 : i32
    %scan3A_23 = arith.constant 0 : i32
    %scan3A_24 = arith.constant 313 : i32
    %scan3A_25 = arith.addi %scan3A_23, %scan3A_24 : i32
    %scan3A_26 = arith.constant 1 : i32
    %scan3A_27 = scf.for %scan3A_166 = %scan3A_23 to %scan3A_25 step %scan3A_26 iter_args(%scan3A_167 = %scan3A_22) -> (i32)  : i32 {
      %mul3A_168 = arith.constant 16 : i32
      %mul3A_169 = arith.muli %scan3A_166, %mul3A_168 : i32
      %add3A_170 = arith.constant 5008 : i32
      %add3A_171 = arith.addi %add3A_170, %mul3A_169 : i32
      %get3A_172 = arith.index_cast %add3A_171 : i32 to index
      %get3A_173 = tpu.vector_load %arg7[%get3A_172] {strides = array<i32>} : memref<40064xf32, #tpu.memory_space<vmem>>, vector<16xf32>,
      %mul3A_174 = arith.mulf %get3A_173, %get3A_21 : vector<16xf32>
      %swap3A = arith.index_cast %add3A_171 : i32 to index
      %swap3A_175 = tpu.vector_load %arg7[%swap3A] {strides = array<i32>} : memref<40064xf32, #tpu.memory_space<vmem>>, vector<16xf32>,
      tpu.vector_store %arg7[%swap3A], %mul3A_174 {strides = array<i32>} : memref<40064xf32, #tpu.memory_space<vmem>>, vector<16xf32>,
      %scan3A_176 = arith.constant 0 : i32
      scf.yield %scan3A_176 : i32
    }
    %scan3A_28 = arith.constant 313 : i32
    %get3A_29 = arith.constant 2 : i32
    %get3A_30 = arith.index_cast %get3A_29 : i32 to index
    %get3A_31 = arith.constant 0 : index
    %get3A_32 = tpu.vector_load %arg10[%get3A_30, %get3A_31] {strides = array<i32>} : memref<8x16xf32, #tpu.memory_space<vmem>>, vector<16xf32>,
    %scan3A_33 = arith.constant 0 : i32
    %scan3A_34 = arith.constant 0 : i32
    %scan3A_35 = arith.constant 313 : i32
    %scan3A_36 = arith.addi %scan3A_34, %scan3A_35 : i32
    %scan3A_37 = arith.constant 1 : i32
    %scan3A_38 = scf.for %scan3A_166 = %scan3A_34 to %scan3A_36 step %scan3A_37 iter_args(%scan3A_167 = %scan3A_33) -> (i32)  : i32 {
      %mul3A_168 = arith.constant 16 : i32
      %mul3A_169 = arith.muli %scan3A_166, %mul3A_168 : i32
      %add3A_170 = arith.constant 10016 : i32
      %add3A_171 = arith.addi %add3A_170, %mul3A_169 : i32
      %get3A_172 = arith.index_cast %add3A_171 : i32 to index
      %get3A_173 = tpu.vector_load %arg7[%get3A_172] {strides = array<i32>} : memref<40064xf32, #tpu.memory_space<vmem>>, vector<16xf32>,
      %mul3A_174 = arith.mulf %get3A_173, %get3A_32 : vector<16xf32>
      %swap3A = arith.index_cast %add3A_171 : i32 to index
      %swap3A_175 = tpu.vector_load %arg7[%swap3A] {strides = array<i32>} : memref<40064xf32, #tpu.memory_space<vmem>>, vector<16xf32>,
      tpu.vector_store %arg7[%swap3A], %mul3A_174 {strides = array<i32>} : memref<40064xf32, #tpu.memory_space<vmem>>, vector<16xf32>,
      %scan3A_176 = arith.constant 0 : i32
      scf.yield %scan3A_176 : i32
    }
    %scan3A_39 = arith.constant 313 : i32
    %get3A_40 = arith.constant 3 : i32
    %get3A_41 = arith.index_cast %get3A_40 : i32 to index
    %get3A_42 = arith.constant 0 : index
    %get3A_43 = tpu.vector_load %arg10[%get3A_41, %get3A_42] {strides = array<i32>} : memref<8x16xf32, #tpu.memory_space<vmem>>, vector<16xf32>,
    %scan3A_44 = arith.constant 0 : i32
    %scan3A_45 = arith.constant 0 : i32
    %scan3A_46 = arith.constant 313 : i32
    %scan3A_47 = arith.addi %scan3A_45, %scan3A_46 : i32
    %scan3A_48 = arith.constant 1 : i32
    %scan3A_49 = scf.for %scan3A_166 = %scan3A_45 to %scan3A_47 step %scan3A_48 iter_args(%scan3A_167 = %scan3A_44) -> (i32)  : i32 {
      %mul3A_168 = arith.constant 16 : i32
      %mul3A_169 = arith.muli %scan3A_166, %mul3A_168 : i32
      %add3A_170 = arith.constant 15024 : i32
      %add3A_171 = arith.addi %add3A_170, %mul3A_169 : i32
      %get3A_172 = arith.index_cast %add3A_171 : i32 to index
      %get3A_173 = tpu.vector_load %arg7[%get3A_172] {strides = array<i32>} : memref<40064xf32, #tpu.memory_space<vmem>>, vector<16xf32>,
      %mul3A_174 = arith.mulf %get3A_173, %get3A_43 : vector<16xf32>
      %swap3A = arith.index_cast %add3A_171 : i32 to index
      %swap3A_175 = tpu.vector_load %arg7[%swap3A] {strides = array<i32>} : memref<40064xf32, #tpu.memory_space<vmem>>, vector<16xf32>,
      tpu.vector_store %arg7[%swap3A], %mul3A_174 {strides = array<i32>} : memref<40064xf32, #tpu.memory_space<vmem>>, vector<16xf32>,
      %scan3A_176 = arith.constant 0 : i32
      scf.yield %scan3A_176 : i32
    }
    %scan3A_50 = arith.constant 313 : i32
    %get3A_51 = arith.constant 4 : i32
    %get3A_52 = arith.index_cast %get3A_51 : i32 to index
    %get3A_53 = arith.constant 0 : index
    %get3A_54 = tpu.vector_load %arg10[%get3A_52, %get3A_53] {strides = array<i32>} : memref<8x16xf32, #tpu.memory_space<vmem>>, vector<16xf32>,
    %scan3A_55 = arith.constant 0 : i32
    %scan3A_56 = arith.constant 0 : i32
    %scan3A_57 = arith.constant 313 : i32
    %scan3A_58 = arith.addi %scan3A_56, %scan3A_57 : i32
    %scan3A_59 = arith.constant 1 : i32
    %scan3A_60 = scf.for %scan3A_166 = %scan3A_56 to %scan3A_58 step %scan3A_59 iter_args(%scan3A_167 = %scan3A_55) -> (i32)  : i32 {
      %mul3A_168 = arith.constant 16 : i32
      %mul3A_169 = arith.muli %scan3A_166, %mul3A_168 : i32
      %add3A_170 = arith.constant 20032 : i32
      %add3A_171 = arith.addi %add3A_170, %mul3A_169 : i32
      %get3A_172 = arith.index_cast %add3A_171 : i32 to index
      %get3A_173 = tpu.vector_load %arg7[%get3A_172] {strides = array<i32>} : memref<40064xf32, #tpu.memory_space<vmem>>, vector<16xf32>,
      %mul3A_174 = arith.mulf %get3A_173, %get3A_54 : vector<16xf32>
      %swap3A = arith.index_cast %add3A_171 : i32 to index
      %swap3A_175 = tpu.vector_load %arg7[%swap3A] {strides = array<i32>} : memref<40064xf32, #tpu.memory_space<vmem>>, vector<16xf32>,
      tpu.vector_store %arg7[%swap3A], %mul3A_174 {strides = array<i32>} : memref<40064xf32, #tpu.memory_space<vmem>>, vector<16xf32>,
      %scan3A_176 = arith.constant 0 : i32
      scf.yield %scan3A_176 : i32
    }
    %scan3A_61 = arith.constant 313 : i32
    %get3A_62 = arith.constant 5 : i32
    %get3A_63 = arith.index_cast %get3A_62 : i32 to index
    %get3A_64 = arith.constant 0 : index
    %get3A_65 = tpu.vector_load %arg10[%get3A_63, %get3A_64] {strides = array<i32>} : memref<8x16xf32, #tpu.memory_space<vmem>>, vector<16xf32>,
    %scan3A_66 = arith.constant 0 : i32
    %scan3A_67 = arith.constant 0 : i32
    %scan3A_68 = arith.constant 313 : i32
    %scan3A_69 = arith.addi %scan3A_67, %scan3A_68 : i32
    %scan3A_70 = arith.constant 1 : i32
    %scan3A_71 = scf.for %scan3A_166 = %scan3A_67 to %scan3A_69 step %scan3A_70 iter_args(%scan3A_167 = %scan3A_66) -> (i32)  : i32 {
      %mul3A_168 = arith.constant 16 : i32
      %mul3A_169 = arith.muli %scan3A_166, %mul3A_168 : i32
      %add3A_170 = arith.constant 25040 : i32
      %add3A_171 = arith.addi %add3A_170, %mul3A_169 : i32
      %get3A_172 = arith.index_cast %add3A_171 : i32 to index
      %get3A_173 = tpu.vector_load %arg7[%get3A_172] {strides = array<i32>} : memref<40064xf32, #tpu.memory_space<vmem>>, vector<16xf32>,
      %mul3A_174 = arith.mulf %get3A_173, %get3A_65 : vector<16xf32>
      %swap3A = arith.index_cast %add3A_171 : i32 to index
      %swap3A_175 = tpu.vector_load %arg7[%swap3A] {strides = array<i32>} : memref<40064xf32, #tpu.memory_space<vmem>>, vector<16xf32>,
      tpu.vector_store %arg7[%swap3A], %mul3A_174 {strides = array<i32>} : memref<40064xf32, #tpu.memory_space<vmem>>, vector<16xf32>,
      %scan3A_176 = arith.constant 0 : i32
      scf.yield %scan3A_176 : i32
    }
    %scan3A_72 = arith.constant 313 : i32
    %get3A_73 = arith.constant 6 : i32
    %get3A_74 = arith.index_cast %get3A_73 : i32 to index
    %get3A_75 = arith.constant 0 : index
    %get3A_76 = tpu.vector_load %arg10[%get3A_74, %get3A_75] {strides = array<i32>} : memref<8x16xf32, #tpu.memory_space<vmem>>, vector<16xf32>,
    %scan3A_77 = arith.constant 0 : i32
    %scan3A_78 = arith.constant 0 : i32
    %scan3A_79 = arith.constant 313 : i32
    %scan3A_80 = arith.addi %scan3A_78, %scan3A_79 : i32
    %scan3A_81 = arith.constant 1 : i32
    %scan3A_82 = scf.for %scan3A_166 = %scan3A_78 to %scan3A_80 step %scan3A_81 iter_args(%scan3A_167 = %scan3A_77) -> (i32)  : i32 {
      %mul3A_168 = arith.constant 16 : i32
      %mul3A_169 = arith.muli %scan3A_166, %mul3A_168 : i32
      %add3A_170 = arith.constant 30048 : i32
      %add3A_171 = arith.addi %add3A_170, %mul3A_169 : i32
      %get3A_172 = arith.index_cast %add3A_171 : i32 to index
      %get3A_173 = tpu.vector_load %arg7[%get3A_172] {strides = array<i32>} : memref<40064xf32, #tpu.memory_space<vmem>>, vector<16xf32>,
      %mul3A_174 = arith.mulf %get3A_173, %get3A_76 : vector<16xf32>
      %swap3A = arith.index_cast %add3A_171 : i32 to index
      %swap3A_175 = tpu.vector_load %arg7[%swap3A] {strides = array<i32>} : memref<40064xf32, #tpu.memory_space<vmem>>, vector<16xf32>,
      tpu.vector_store %arg7[%swap3A], %mul3A_174 {strides = array<i32>} : memref<40064xf32, #tpu.memory_space<vmem>>, vector<16xf32>,
      %scan3A_176 = arith.constant 0 : i32
      scf.yield %scan3A_176 : i32
    }
    %scan3A_83 = arith.constant 313 : i32
    %get3A_84 = arith.constant 7 : i32
    %get3A_85 = arith.index_cast %get3A_84 : i32 to index
    %get3A_86 = arith.constant 0 : index
    %get3A_87 = tpu.vector_load %arg10[%get3A_85, %get3A_86] {strides = array<i32>} : memref<8x16xf32, #tpu.memory_space<vmem>>, vector<16xf32>,
    %scan3A_88 = arith.constant 0 : i32
    %scan3A_89 = arith.constant 0 : i32
    %scan3A_90 = arith.constant 313 : i32
    %scan3A_91 = arith.addi %scan3A_89, %scan3A_90 : i32
    %scan3A_92 = arith.constant 1 : i32
    %scan3A_93 = scf.for %scan3A_166 = %scan3A_89 to %scan3A_91 step %scan3A_92 iter_args(%scan3A_167 = %scan3A_88) -> (i32)  : i32 {
      %mul3A_168 = arith.constant 16 : i32
      %mul3A_169 = arith.muli %scan3A_166, %mul3A_168 : i32
      %add3A_170 = arith.constant 35056 : i32
      %add3A_171 = arith.addi %add3A_170, %mul3A_169 : i32
      %get3A_172 = arith.index_cast %add3A_171 : i32 to index
      %get3A_173 = tpu.vector_load %arg7[%get3A_172] {strides = array<i32>} : memref<40064xf32, #tpu.memory_space<vmem>>, vector<16xf32>,
      %mul3A_174 = arith.mulf %get3A_173, %get3A_87 : vector<16xf32>
      %swap3A = arith.index_cast %add3A_171 : i32 to index
      %swap3A_175 = tpu.vector_load %arg7[%swap3A] {strides = array<i32>} : memref<40064xf32, #tpu.memory_space<vmem>>, vector<16xf32>,
      tpu.vector_store %arg7[%swap3A], %mul3A_174 {strides = array<i32>} : memref<40064xf32, #tpu.memory_space<vmem>>, vector<16xf32>,
      %scan3A_176 = arith.constant 0 : i32
      scf.yield %scan3A_176 : i32
    }
    %scan3A_94 = arith.constant 313 : i32
    %iota3A = tpu.iota {dimensions = array<i32: 0>} : vector<16xi32>
    %sub3A = arith.constant 2000 : i32
    %sub3A_95 = arith.subi %sub3A, %add3A : i32
    %add3A_96 = arith.constant 32 : i32
    %add3A_97 = arith.addi %sub3A_95, %add3A_96 : i32
    %sub3A_98 = arith.constant 1 : i32
    %sub3A_99 = arith.subi %add3A_97, %sub3A_98 : i32
    %jit3A = arith.constant 32 : i32
    %div3A = arith.divsi %sub3A_99, %jit3A : i32
    %sign3A = arith.constant 0 : i32
    %sign3A_100 = arith.cmpi sgt, %sub3A_99, %sign3A : i32
    %sign3A_101 = arith.extui %sign3A_100 : i1 to i32
    %sign3A_102 = arith.constant 0 : i32
    %sign3A_103 = arith.cmpi slt, %sub3A_99, %sign3A_102 : i32
    %sign3A_104 = arith.extui %sign3A_103 : i1 to i32
    %sign3A_105 = arith.subi %sign3A_101, %sign3A_104 : i32
    %sign3A_106 = arith.constant 0 : i32
    %sign3A_107 = arith.cmpi sgt, %jit3A, %sign3A_106 : i32
    %sign3A_108 = arith.extui %sign3A_107 : i1 to i32
    %sign3A_109 = arith.constant 0 : i32
    %sign3A_110 = arith.cmpi slt, %jit3A, %sign3A_109 : i32
    %sign3A_111 = arith.extui %sign3A_110 : i1 to i32
    %sign3A_112 = arith.subi %sign3A_108, %sign3A_111 : i32
    %ne3A = arith.cmpi ne, %sign3A_105, %sign3A_112 : i32
    %rem3A = arith.remsi %sub3A_99, %jit3A : i32
    %ne3A_113 = arith.constant 0 : i32
    %ne3A_114 = arith.cmpi ne, %rem3A, %ne3A_113 : i32
    %and3A = arith.andi %ne3A, %ne3A_114 : i1
    %sub3A_115 = arith.constant 1 : i32
    %sub3A_116 = arith.subi %div3A, %sub3A_115 : i32
    %select_n3A = arith.select %and3A, %sub3A_116, %div3A : i32
    %gt3A = arith.constant 0 : i32
    %gt3A_117 = arith.cmpi sgt, %select_n3A, %gt3A : i32
    %convert_element_type3A = arith.extui %gt3A_117 : i1 to i32
    %cond3A = arith.constant 0 : i32
    %cond3A_118 = arith.cmpi ne, %convert_element_type3A, %cond3A : i32
    scf.if %cond3A_118 {
      %mul3A_166 = arith.constant 3200 : i32
      %mul3A_167 = arith.muli %add3A, %mul3A_166 : i32
      %dma_start3A = arith.constant 0 : i32
      %dma_start3A_168 = arith.constant 0 : i32
      %dma_start3A_169 = tpu.memref_slice %arg8[%dma_start3A, %dma_start3A_168] : memref<2x3200xf32, #tpu.memory_space<vmem>> -> memref<1x3200xf32, #tpu.memory_space<vmem>>
      %dma_start3A_170 = tpu.memref_squeeze %dma_start3A_169 : memref<1x3200xf32, #tpu.memory_space<vmem>> -> memref<3200xf32, #tpu.memory_space<vmem>>
      %dma_start3A_171 = tpu.memref_slice %arg2[%mul3A_167] : memref<6400000xf32, #tpu.memory_space<hbm>> -> memref<3200xf32, #tpu.memory_space<hbm>>
      %dma_start3A_172 = arith.constant 0 : i32
      %dma_start3A_173 = tpu.memref_slice %arg8[%dma_start3A, %dma_start3A_172] : memref<2x3200xf32, #tpu.memory_space<vmem>> -> memref<1x3200xf32, #tpu.memory_space<vmem>>
      %dma_start3A_174 = tpu.memref_squeeze %dma_start3A_173 : memref<1x3200xf32, #tpu.memory_space<vmem>> -> memref<3200xf32, #tpu.memory_space<vmem>>
      %dma_start3A_175 = tpu.memref_slice %arg2[%mul3A_167] : memref<6400000xf32, #tpu.memory_space<hbm>> -> memref<3200xf32, #tpu.memory_space<hbm>>
      tpu.enqueue_dma source(%dma_start3A_175 : memref<3200xf32, #tpu.memory_space<hbm>>) target(%dma_start3A_174 : memref<3200xf32, #tpu.memory_space<vmem>>) target_semaphore(%arg16 : memref<!tpu.dma_semaphore, #tpu.memory_space<semaphore_mem>>)
    } else {
    }
    %add3A_119 = arith.constant 1 : i32
    %add3A_120 = arith.addi %select_n3A, %add3A_119 : i32
    %jit3A_121 = arith.constant 2 : i32
    %div3A_122 = arith.divsi %add3A_120, %jit3A_121 : i32
    %sign3A_123 = arith.constant 0 : i32
    %sign3A_124 = arith.cmpi sgt, %add3A_120, %sign3A_123 : i32
    %sign3A_125 = arith.extui %sign3A_124 : i1 to i32
    %sign3A_126 = arith.constant 0 : i32
    %sign3A_127 = arith.cmpi slt, %add3A_120, %sign3A_126 : i32
    %sign3A_128 = arith.extui %sign3A_127 : i1 to i32
    %sign3A_129 = arith.subi %sign3A_125, %sign3A_128 : i32
    %sign3A_130 = arith.constant 0 : i32
    %sign3A_131 = arith.cmpi sgt, %jit3A_121, %sign3A_130 : i32
    %sign3A_132 = arith.extui %sign3A_131 : i1 to i32
    %sign3A_133 = arith.constant 0 : i32
    %sign3A_134 = arith.cmpi slt, %jit3A_121, %sign3A_133 : i32
    %sign3A_135 = arith.extui %sign3A_134 : i1 to i32
    %sign3A_136 = arith.subi %sign3A_132, %sign3A_135 : i32
    %ne3A_137 = arith.cmpi ne, %sign3A_129, %sign3A_136 : i32
    %rem3A_138 = arith.remsi %add3A_120, %jit3A_121 : i32
    %ne3A_139 = arith.constant 0 : i32
    %ne3A_140 = arith.cmpi ne, %rem3A_138, %ne3A_139 : i32
    %and3A_141 = arith.andi %ne3A_137, %ne3A_140 : i1
    %sub3A_142 = arith.constant 1 : i32
    %sub3A_143 = arith.subi %div3A_122, %sub3A_142 : i32
    %select_n3A_144 = arith.select %and3A_141, %sub3A_143, %div3A_122 : i32
    %while3A = arith.constant 0 : i32
    %while3A_145 = arith.constant 0 : i32
    %while3A_146 = arith.subi %select_n3A_144, %while3A : i32
    %while3A_147 = arith.addi %while3A, %while3A_146 : i32
    %while3A_148 = arith.constant 1 : i32
    %while3A_149 = arith.divsi %while3A_146, %while3A_148 : i32
    %while3A_150 = arith.muli %while3A_149, %while3A_148 : i32
    %while3A_151 = arith.addi %while3A, %while3A_150 : i32
    %while3A_152 = arith.constant 1 : i32
    %while3A_153 = scf.for %while3A_166 = %while3A to %while3A_151 step %while3A_152 iter_args(%while3A_167 = %while3A_145) -> (i32)  : i32 {
      %mul3A_168 = arith.constant 2 : i32
      %mul3A_169 = arith.muli %while3A_166, %mul3A_168 : i32
      %add3A_170 = arith.constant 0 : i32
      %add3A_171 = arith.addi %mul3A_169, %add3A_170 : i32
      %lt3A = arith.cmpi slt, %add3A_171, %select_n3A : i32
      %convert_element_type3A_172 = arith.extui %lt3A : i1 to i32
      %cond3A_173 = arith.constant 0 : i32
      %cond3A_174 = arith.cmpi ne, %convert_element_type3A_172, %cond3A_173 : i32
      scf.if %cond3A_174 {
        %mul3A_184 = arith.constant 32 : i32
        %mul3A_185 = arith.muli %add3A_171, %mul3A_184 : i32
        %add3A_186 = arith.addi %add3A, %mul3A_185 : i32
        %mul3A_187 = arith.constant 3200 : i32
        %mul3A_188 = arith.muli %add3A_186, %mul3A_187 : i32
        %add3A_189 = arith.constant 1 : i32
        %add3A_190 = arith.addi %add3A_171, %add3A_189 : i32
        %lt3A_191 = arith.cmpi slt, %add3A_190, %select_n3A : i32
        %convert_element_type3A_192 = arith.extui %lt3A_191 : i1 to i32
        %cond3A_193 = arith.constant 0 : i32
        %cond3A_194 = arith.cmpi ne, %convert_element_type3A_192, %cond3A_193 : i32
        scf.if %cond3A_194 {
          %add3A_250 = arith.constant 1 : i32
          %add3A_251 = arith.addi %add3A_171, %add3A_250 : i32
          %mul3A_252 = arith.constant 32 : i32
          %mul3A_253 = arith.muli %add3A_251, %mul3A_252 : i32
          %add3A_254 = arith.addi %add3A, %mul3A_253 : i32
          %mul3A_255 = arith.constant 3200 : i32
          %mul3A_256 = arith.muli %add3A_254, %mul3A_255 : i32
          %dma_start3A_257 = arith.constant 1 : i32
          %dma_start3A_258 = arith.constant 0 : i32
          %dma_start3A_259 = tpu.memref_slice %arg8[%dma_start3A_257, %dma_start3A_258] : memref<2x3200xf32, #tpu.memory_space<vmem>> -> memref<1x3200xf32, #tpu.memory_space<vmem>>
          %dma_start3A_260 = tpu.memref_squeeze %dma_start3A_259 : memref<1x3200xf32, #tpu.memory_space<vmem>> -> memref<3200xf32, #tpu.memory_space<vmem>>
          %dma_start3A_261 = tpu.memref_slice %arg2[%mul3A_256] : memref<6400000xf32, #tpu.memory_space<hbm>> -> memref<3200xf32, #tpu.memory_space<hbm>>
          %dma_start3A_262 = arith.constant 0 : i32
          %dma_start3A_263 = tpu.memref_slice %arg8[%dma_start3A_257, %dma_start3A_262] : memref<2x3200xf32, #tpu.memory_space<vmem>> -> memref<1x3200xf32, #tpu.memory_space<vmem>>
          %dma_start3A_264 = tpu.memref_squeeze %dma_start3A_263 : memref<1x3200xf32, #tpu.memory_space<vmem>> -> memref<3200xf32, #tpu.memory_space<vmem>>
          %dma_start3A_265 = tpu.memref_slice %arg2[%mul3A_256] : memref<6400000xf32, #tpu.memory_space<hbm>> -> memref<3200xf32, #tpu.memory_space<hbm>>
          tpu.enqueue_dma source(%dma_start3A_265 : memref<3200xf32, #tpu.memory_space<hbm>>) target(%dma_start3A_264 : memref<3200xf32, #tpu.memory_space<vmem>>) target_semaphore(%arg17 : memref<!tpu.dma_semaphore, #tpu.memory_space<semaphore_mem>>)
        } else {
        }
        %dma_wait3A = arith.constant 0 : i32
        %dma_wait3A_195 = arith.constant 0 : i32
        %dma_wait3A_196 = tpu.memref_slice %arg8[%dma_wait3A, %dma_wait3A_195] : memref<2x3200xf32, #tpu.memory_space<vmem>> -> memref<1x3200xf32, #tpu.memory_space<vmem>>
        %dma_wait3A_197 = tpu.memref_squeeze %dma_wait3A_196 : memref<1x3200xf32, #tpu.memory_space<vmem>> -> memref<3200xf32, #tpu.memory_space<vmem>>
        %dma_wait3A_198 = tpu.memref_slice %arg2[%mul3A_188] : memref<6400000xf32, #tpu.memory_space<hbm>> -> memref<3200xf32, #tpu.memory_space<hbm>>
        %dma_wait3A_199 = arith.constant 0 : i32
        %dma_wait3A_200 = tpu.memref_slice %arg8[%dma_wait3A, %dma_wait3A_199] : memref<2x3200xf32, #tpu.memory_space<vmem>> -> memref<1x3200xf32, #tpu.memory_space<vmem>>
        %dma_wait3A_201 = tpu.memref_squeeze %dma_wait3A_200 : memref<1x3200xf32, #tpu.memory_space<vmem>> -> memref<3200xf32, #tpu.memory_space<vmem>>
        %dma_wait3A_202 = tpu.memref_slice %arg2[%mul3A_188] : memref<6400000xf32, #tpu.memory_space<hbm>> -> memref<3200xf32, #tpu.memory_space<hbm>>
        tpu.wait_dma2 semaphore(%arg16 : memref<!tpu.dma_semaphore, #tpu.memory_space<semaphore_mem>>) src(%dma_wait3A_202 : memref<3200xf32, #tpu.memory_space<hbm>>) dst(%dma_wait3A_201 : memref<3200xf32, #tpu.memory_space<vmem>>)
        %ge3A = arith.constant 2 : i32
        %ge3A_203 = arith.cmpi sge, %add3A_171, %ge3A : i32
        %convert_element_type3A_204 = arith.extui %ge3A_203 : i1 to i32
        %cond3A_205 = arith.constant 0 : i32
        %cond3A_206 = arith.constant 0 : i32
        %cond3A_207 = arith.cmpi ne, %convert_element_type3A_204, %cond3A_206 : i32
        scf.if %cond3A_207 {
          %mul3A_250 = arith.constant 8 : i32
          %mul3A_251 = arith.muli %mul3A_188, %mul3A_250 : i32
          %add3A_252 = arith.constant 0 : i32
          %add3A_253 = arith.addi %mul3A_251, %add3A_252 : i32
          %dma_wait3A_254 = arith.constant 0 : i32
          %dma_wait3A_255 = tpu.memref_slice %arg9[%cond3A_205, %dma_wait3A_254] : memref<2x25600xf32, #tpu.memory_space<vmem>> -> memref<1x25600xf32, #tpu.memory_space<vmem>>
          %dma_wait3A_256 = tpu.memref_squeeze %dma_wait3A_255 : memref<1x25600xf32, #tpu.memory_space<vmem>> -> memref<25600xf32, #tpu.memory_space<vmem>>
          %dma_wait3A_257 = arith.constant 0 : i32
          %dma_wait3A_258 = tpu.memref_slice %dma_wait3A_256[%dma_wait3A_257] : memref<25600xf32, #tpu.memory_space<vmem>> -> memref<12800xf32, #tpu.memory_space<vmem>>
          %dma_wait3A_259 = tpu.memref_slice %arg6[%add3A_253] : memref<51200000xf32, #tpu.memory_space<hbm>> -> memref<12800xf32, #tpu.memory_space<hbm>>
          %dma_wait3A_260 = tpu.memref_slice %arg6[%add3A_253] : memref<51200000xf32, #tpu.memory_space<hbm>> -> memref<12800xf32, #tpu.memory_space<hbm>>
          %dma_wait3A_261 = arith.constant 0 : i32
          %dma_wait3A_262 = tpu.memref_slice %arg9[%cond3A_205, %dma_wait3A_261] : memref<2x25600xf32, #tpu.memory_space<vmem>> -> memref<1x25600xf32, #tpu.memory_space<vmem>>
          %dma_wait3A_263 = tpu.memref_squeeze %dma_wait3A_262 : memref<1x25600xf32, #tpu.memory_space<vmem>> -> memref<25600xf32, #tpu.memory_space<vmem>>
          %dma_wait3A_264 = arith.constant 0 : i32
          %dma_wait3A_265 = tpu.memref_slice %dma_wait3A_263[%dma_wait3A_264] : memref<25600xf32, #tpu.memory_space<vmem>> -> memref<12800xf32, #tpu.memory_space<vmem>>
          tpu.wait_dma2 semaphore(%arg12 : memref<!tpu.dma_semaphore, #tpu.memory_space<semaphore_mem>>) src(%dma_wait3A_265 : memref<12800xf32, #tpu.memory_space<vmem>>) dst(%dma_wait3A_260 : memref<12800xf32, #tpu.memory_space<hbm>>)
          %mul3A_266 = arith.constant 8 : i32
          %mul3A_267 = arith.muli %mul3A_188, %mul3A_266 : i32
          %add3A_268 = arith.constant 12800 : i32
          %add3A_269 = arith.addi %mul3A_267, %add3A_268 : i32
          %dma_wait3A_270 = arith.constant 0 : i32
          %dma_wait3A_271 = tpu.memref_slice %arg9[%cond3A_205, %dma_wait3A_270] : memref<2x25600xf32, #tpu.memory_space<vmem>> -> memref<1x25600xf32, #tpu.memory_space<vmem>>
          %dma_wait3A_272 = tpu.memref_squeeze %dma_wait3A_271 : memref<1x25600xf32, #tpu.memory_space<vmem>> -> memref<25600xf32, #tpu.memory_space<vmem>>
          %dma_wait3A_273 = arith.constant 12800 : i32
          %dma_wait3A_274 = tpu.memref_slice %dma_wait3A_272[%dma_wait3A_273] : memref<25600xf32, #tpu.memory_space<vmem>> -> memref<12800xf32, #tpu.memory_space<vmem>>
          %dma_wait3A_275 = tpu.memref_slice %arg6[%add3A_269] : memref<51200000xf32, #tpu.memory_space<hbm>> -> memref<12800xf32, #tpu.memory_space<hbm>>
          %dma_wait3A_276 = tpu.memref_slice %arg6[%add3A_269] : memref<51200000xf32, #tpu.memory_space<hbm>> -> memref<12800xf32, #tpu.memory_space<hbm>>
          %dma_wait3A_277 = arith.constant 0 : i32
          %dma_wait3A_278 = tpu.memref_slice %arg9[%cond3A_205, %dma_wait3A_277] : memref<2x25600xf32, #tpu.memory_space<vmem>> -> memref<1x25600xf32, #tpu.memory_space<vmem>>
          %dma_wait3A_279 = tpu.memref_squeeze %dma_wait3A_278 : memref<1x25600xf32, #tpu.memory_space<vmem>> -> memref<25600xf32, #tpu.memory_space<vmem>>
          %dma_wait3A_280 = arith.constant 12800 : i32
          %dma_wait3A_281 = tpu.memref_slice %dma_wait3A_279[%dma_wait3A_280] : memref<25600xf32, #tpu.memory_space<vmem>> -> memref<12800xf32, #tpu.memory_space<vmem>>
          tpu.wait_dma2 semaphore(%arg13 : memref<!tpu.dma_semaphore, #tpu.memory_space<semaphore_mem>>) src(%dma_wait3A_281 : memref<12800xf32, #tpu.memory_space<vmem>>) dst(%dma_wait3A_276 : memref<12800xf32, #tpu.memory_space<hbm>>)
        } else {
        }
        %scan3A_208 = arith.constant 0 : i32
        %scan3A_209 = arith.constant 0 : i32
        %scan3A_210 = arith.constant 0 : i32
        %scan3A_211 = arith.constant 0 : i32
        %scan3A_212 = arith.constant 50 : i32
        %scan3A_213 = arith.addi %scan3A_211, %scan3A_212 : i32
        %scan3A_214 = arith.constant 1 : i32
        %scan3A_215 = scf.for %scan3A_250 = %scan3A_211 to %scan3A_213 step %scan3A_214 iter_args(%scan3A_251 = %scan3A_210) -> (i32)  : i32 {
          %mul3A_252 = arith.constant 4 : i32
          %mul3A_253 = arith.muli %scan3A_250, %mul3A_252 : i32
          %add3A_254 = arith.constant 0 : i32
          %add3A_255 = arith.addi %mul3A_253, %add3A_254 : i32
          %mul3A_256 = arith.constant 16 : i32
          %mul3A_257 = arith.muli %add3A_255, %mul3A_256 : i32
          %get3A_258 = arith.constant 0 : i32
          %get3A_259 = tpu.memref_slice %arg8[%scan3A_208, %get3A_258] : memref<2x3200xf32, #tpu.memory_space<vmem>> -> memref<1x3200xf32, #tpu.memory_space<vmem>>
          %get3A_260 = tpu.memref_squeeze %get3A_259 : memref<1x3200xf32, #tpu.memory_space<vmem>> -> memref<3200xf32, #tpu.memory_space<vmem>>
          %get3A_261 = arith.index_cast %mul3A_257 : i32 to index
          %get3A_262 = tpu.vector_load %get3A_260[%get3A_261] {strides = array<i32>} : memref<3200xf32, #tpu.memory_space<vmem>>, vector<16xf32>,
          %min3A = arith.minimumf %get3A_262, %get3A_3 : vector<16xf32>
          %mul3A_263 = arith.mulf %min3A, %get3A_7 : vector<16xf32>
          %convert_element_type3A_264 = arith.fptosi %mul3A_263 : vector<16xf32> to vector<16xi32>
          %convert_element_type3A_265 = arith.sitofp %convert_element_type3A_264 : vector<16xi32> to vector<16xf32>
          %lt3A_266 = arith.cmpf olt, %convert_element_type3A_265, %mul3A_263 : vector<16xf32>
          %add3A_267 = arith.constant 1 : i32
          %add3A_268 = vector.broadcast %add3A_267 : i32 to vector<16xi32>
          %add3A_269 = arith.addi %convert_element_type3A_264, %add3A_268 : vector<16xi32>
          %select_n3A_270 = arith.select %lt3A_266, %add3A_269, %convert_element_type3A_264 : vector<16xi1>, vector<16xi32>
          %max3A = arith.constant 0 : i32
          %max3A_271 = vector.broadcast %max3A : i32 to vector<16xi32>
          %max3A_272 = arith.maxsi %select_n3A_270, %max3A_271 : vector<16xi32>
          %min3A_273 = arith.constant 4999 : i32
          %min3A_274 = vector.broadcast %min3A_273 : i32 to vector<16xi32>
          %min3A_275 = arith.minsi %max3A_272, %min3A_274 : vector<16xi32>
          %shift_right_arithmetic3A = arith.constant 3 : i32
          %shift_right_arithmetic3A_276 = arith.shrsi %add3A_255, %shift_right_arithmetic3A : i32
          %mul3A_277 = arith.constant 1024 : i32
          %mul3A_278 = arith.muli %shift_right_arithmetic3A_276, %mul3A_277 : i32
          %and3A_279 = arith.constant 7 : i32
          %and3A_280 = arith.andi %add3A_255, %and3A_279 : i32
          %mul3A_281 = arith.constant 16 : i32
          %mul3A_282 = arith.muli %and3A_280, %mul3A_281 : i32
          %add3A_283 = arith.addi %mul3A_278, %mul3A_282 : i32
          %add3A_284 = vector.broadcast %add3A_283 : i32 to vector<16xi32>
          %add3A_285 = arith.addi %add3A_284, %iota3A : vector<16xi32>
          %add3A_286 = arith.constant 0 : i32
          %add3A_287 = vector.broadcast %add3A_286 : i32 to vector<16xi32>
          %add3A_288 = arith.addi %min3A_275, %add3A_287 : vector<16xi32>
          %gather3A = tpu.vector_load_idx %arg7[%add3A_288] : memref<40064xf32, #tpu.memory_space<vmem>>[vector<16xi32>], vector<16xf32>,
          %add3A_289 = arith.constant 0 : i32
          %add3A_290 = vector.broadcast %add3A_289 : i32 to vector<16xi32>
          %add3A_291 = arith.addi %add3A_285, %add3A_290 : vector<16xi32>
          %scatter3A = arith.constant 0 : i32
          %scatter3A_292 = tpu.memref_slice %arg9[%scan3A_209, %scatter3A] : memref<2x25600xf32, #tpu.memory_space<vmem>> -> memref<1x25600xf32, #tpu.memory_space<vmem>>
          %scatter3A_293 = tpu.memref_squeeze %scatter3A_292 : memref<1x25600xf32, #tpu.memory_space<vmem>> -> memref<25600xf32, #tpu.memory_space<vmem>>
          tpu.vector_store_idx %scatter3A_293[%add3A_291], %gather3A : memref<25600xf32, #tpu.memory_space<vmem>>[vector<16xi32>], vector<16xf32>,
          %add3A_294 = arith.constant 5008 : i32
          %add3A_295 = vector.broadcast %add3A_294 : i32 to vector<16xi32>
          %add3A_296 = arith.addi %min3A_275, %add3A_295 : vector<16xi32>
          %gather3A_297 = tpu.vector_load_idx %arg7[%add3A_296] : memref<40064xf32, #tpu.memory_space<vmem>>[vector<16xi32>], vector<16xf32>,
          %add3A_298 = arith.constant 128 : i32
          %add3A_299 = vector.broadcast %add3A_298 : i32 to vector<16xi32>
          %add3A_300 = arith.addi %add3A_285, %add3A_299 : vector<16xi32>
          %scatter3A_301 = arith.constant 0 : i32
          %scatter3A_302 = tpu.memref_slice %arg9[%scan3A_209, %scatter3A_301] : memref<2x25600xf32, #tpu.memory_space<vmem>> -> memref<1x25600xf32, #tpu.memory_space<vmem>>
          %scatter3A_303 = tpu.memref_squeeze %scatter3A_302 : memref<1x25600xf32, #tpu.memory_space<vmem>> -> memref<25600xf32, #tpu.memory_space<vmem>>
          tpu.vector_store_idx %scatter3A_303[%add3A_300], %gather3A_297 : memref<25600xf32, #tpu.memory_space<vmem>>[vector<16xi32>], vector<16xf32>,
          %add3A_304 = arith.constant 10016 : i32
          %add3A_305 = vector.broadcast %add3A_304 : i32 to vector<16xi32>
          %add3A_306 = arith.addi %min3A_275, %add3A_305 : vector<16xi32>
          %gather3A_307 = tpu.vector_load_idx %arg7[%add3A_306] : memref<40064xf32, #tpu.memory_space<vmem>>[vector<16xi32>], vector<16xf32>,
          %add3A_308 = arith.constant 256 : i32
          %add3A_309 = vector.broadcast %add3A_308 : i32 to vector<16xi32>
          %add3A_310 = arith.addi %add3A_285, %add3A_309 : vector<16xi32>
          %scatter3A_311 = arith.constant 0 : i32
          %scatter3A_312 = tpu.memref_slice %arg9[%scan3A_209, %scatter3A_311] : memref<2x25600xf32, #tpu.memory_space<vmem>> -> memref<1x25600xf32, #tpu.memory_space<vmem>>
          %scatter3A_313 = tpu.memref_squeeze %scatter3A_312 : memref<1x25600xf32, #tpu.memory_space<vmem>> -> memref<25600xf32, #tpu.memory_space<vmem>>
          tpu.vector_store_idx %scatter3A_313[%add3A_310], %gather3A_307 : memref<25600xf32, #tpu.memory_space<vmem>>[vector<16xi32>], vector<16xf32>,
          %add3A_314 = arith.constant 15024 : i32
          %add3A_315 = vector.broadcast %add3A_314 : i32 to vector<16xi32>
          %add3A_316 = arith.addi %min3A_275, %add3A_315 : vector<16xi32>
          %gather3A_317 = tpu.vector_load_idx %arg7[%add3A_316] : memref<40064xf32, #tpu.memory_space<vmem>>[vector<16xi32>], vector<16xf32>,
          %add3A_318 = arith.constant 384 : i32
          %add3A_319 = vector.broadcast %add3A_318 : i32 to vector<16xi32>
          %add3A_320 = arith.addi %add3A_285, %add3A_319 : vector<16xi32>
          %scatter3A_321 = arith.constant 0 : i32
          %scatter3A_322 = tpu.memref_slice %arg9[%scan3A_209, %scatter3A_321] : memref<2x25600xf32, #tpu.memory_space<vmem>> -> memref<1x25600xf32, #tpu.memory_space<vmem>>
          %scatter3A_323 = tpu.memref_squeeze %scatter3A_322 : memref<1x25600xf32, #tpu.memory_space<vmem>> -> memref<25600xf32, #tpu.memory_space<vmem>>
          tpu.vector_store_idx %scatter3A_323[%add3A_320], %gather3A_317 : memref<25600xf32, #tpu.memory_space<vmem>>[vector<16xi32>], vector<16xf32>,
          %add3A_324 = arith.constant 20032 : i32
          %add3A_325 = vector.broadcast %add3A_324 : i32 to vector<16xi32>
          %add3A_326 = arith.addi %min3A_275, %add3A_325 : vector<16xi32>
          %gather3A_327 = tpu.vector_load_idx %arg7[%add3A_326] : memref<40064xf32, #tpu.memory_space<vmem>>[vector<16xi32>], vector<16xf32>,
          %add3A_328 = arith.constant 512 : i32
          %add3A_329 = vector.broadcast %add3A_328 : i32 to vector<16xi32>
          %add3A_330 = arith.addi %add3A_285, %add3A_329 : vector<16xi32>
          %scatter3A_331 = arith.constant 0 : i32
          %scatter3A_332 = tpu.memref_slice %arg9[%scan3A_209, %scatter3A_331] : memref<2x25600xf32, #tpu.memory_space<vmem>> -> memref<1x25600xf32, #tpu.memory_space<vmem>>
          %scatter3A_333 = tpu.memref_squeeze %scatter3A_332 : memref<1x25600xf32, #tpu.memory_space<vmem>> -> memref<25600xf32, #tpu.memory_space<vmem>>
          tpu.vector_store_idx %scatter3A_333[%add3A_330], %gather3A_327 : memref<25600xf32, #tpu.memory_space<vmem>>[vector<16xi32>], vector<16xf32>,
          %add3A_334 = arith.constant 25040 : i32
          %add3A_335 = vector.broadcast %add3A_334 : i32 to vector<16xi32>
          %add3A_336 = arith.addi %min3A_275, %add3A_335 : vector<16xi32>
          %gather3A_337 = tpu.vector_load_idx %arg7[%add3A_336] : memref<40064xf32, #tpu.memory_space<vmem>>[vector<16xi32>], vector<16xf32>,
          %add3A_338 = arith.constant 640 : i32
          %add3A_339 = vector.broadcast %add3A_338 : i32 to vector<16xi32>
          %add3A_340 = arith.addi %add3A_285, %add3A_339 : vector<16xi32>
          %scatter3A_341 = arith.constant 0 : i32
          %scatter3A_342 = tpu.memref_slice %arg9[%scan3A_209, %scatter3A_341] : memref<2x25600xf32, #tpu.memory_space<vmem>> -> memref<1x25600xf32, #tpu.memory_space<vmem>>
          %scatter3A_343 = tpu.memref_squeeze %scatter3A_342 : memref<1x25600xf32, #tpu.memory_space<vmem>> -> memref<25600xf32, #tpu.memory_space<vmem>>
          tpu.vector_store_idx %scatter3A_343[%add3A_340], %gather3A_337 : memref<25600xf32, #tpu.memory_space<vmem>>[vector<16xi32>], vector<16xf32>,
          %add3A_344 = arith.constant 30048 : i32
          %add3A_345 = vector.broadcast %add3A_344 : i32 to vector<16xi32>
          %add3A_346 = arith.addi %min3A_275, %add3A_345 : vector<16xi32>
          %gather3A_347 = tpu.vector_load_idx %arg7[%add3A_346] : memref<40064xf32, #tpu.memory_space<vmem>>[vector<16xi32>], vector<16xf32>,
          %add3A_348 = arith.constant 768 : i32
          %add3A_349 = vector.broadcast %add3A_348 : i32 to vector<16xi32>
          %add3A_350 = arith.addi %add3A_285, %add3A_349 : vector<16xi32>
          %scatter3A_351 = arith.constant 0 : i32
          %scatter3A_352 = tpu.memref_slice %arg9[%scan3A_209, %scatter3A_351] : memref<2x25600xf32, #tpu.memory_space<vmem>> -> memref<1x25600xf32, #tpu.memory_space<vmem>>
          %scatter3A_353 = tpu.memref_squeeze %scatter3A_352 : memref<1x25600xf32, #tpu.memory_space<vmem>> -> memref<25600xf32, #tpu.memory_space<vmem>>
          tpu.vector_store_idx %scatter3A_353[%add3A_350], %gather3A_347 : memref<25600xf32, #tpu.memory_space<vmem>>[vector<16xi32>], vector<16xf32>,
          %add3A_354 = arith.constant 35056 : i32
          %add3A_355 = vector.broadcast %add3A_354 : i32 to vector<16xi32>
          %add3A_356 = arith.addi %min3A_275, %add3A_355 : vector<16xi32>
          %gather3A_357 = tpu.vector_load_idx %arg7[%add3A_356] : memref<40064xf32, #tpu.memory_space<vmem>>[vector<16xi32>], vector<16xf32>,
          %add3A_358 = arith.constant 896 : i32
          %add3A_359 = vector.broadcast %add3A_358 : i32 to vector<16xi32>
          %add3A_360 = arith.addi %add3A_285, %add3A_359 : vector<16xi32>
          %scatter3A_361 = arith.constant 0 : i32
          %scatter3A_362 = tpu.memref_slice %arg9[%scan3A_209, %scatter3A_361] : memref<2x25600xf32, #tpu.memory_space<vmem>> -> memref<1x25600xf32, #tpu.memory_space<vmem>>
          %scatter3A_363 = tpu.memref_squeeze %scatter3A_362 : memref<1x25600xf32, #tpu.memory_space<vmem>> -> memref<25600xf32, #tpu.memory_space<vmem>>
          tpu.vector_store_idx %scatter3A_363[%add3A_360], %gather3A_357 : memref<25600xf32, #tpu.memory_space<vmem>>[vector<16xi32>], vector<16xf32>,
          %mul3A_364 = arith.constant 4 : i32
          %mul3A_365 = arith.muli %scan3A_250, %mul3A_364 : i32
          %add3A_366 = arith.constant 1 : i32
          %add3A_367 = arith.addi %mul3A_365, %add3A_366 : i32
          %mul3A_368 = arith.constant 16 : i32
          %mul3A_369 = arith.muli %add3A_367, %mul3A_368 : i32
          %get3A_370 = arith.constant 0 : i32
          %get3A_371 = tpu.memref_slice %arg8[%scan3A_208, %get3A_370] : memref<2x3200xf32, #tpu.memory_space<vmem>> -> memref<1x3200xf32, #tpu.memory_space<vmem>>
          %get3A_372 = tpu.memref_squeeze %get3A_371 : memref<1x3200xf32, #tpu.memory_space<vmem>> -> memref<3200xf32, #tpu.memory_space<vmem>>
          %get3A_373 = arith.index_cast %mul3A_369 : i32 to index
          %get3A_374 = tpu.vector_load %get3A_372[%get3A_373] {strides = array<i32>} : memref<3200xf32, #tpu.memory_space<vmem>>, vector<16xf32>,
          %min3A_375 = arith.minimumf %get3A_374, %get3A_3 : vector<16xf32>
          %mul3A_376 = arith.mulf %min3A_375, %get3A_7 : vector<16xf32>
          %convert_element_type3A_377 = arith.fptosi %mul3A_376 : vector<16xf32> to vector<16xi32>
          %convert_element_type3A_378 = arith.sitofp %convert_element_type3A_377 : vector<16xi32> to vector<16xf32>
          %lt3A_379 = arith.cmpf olt, %convert_element_type3A_378, %mul3A_376 : vector<16xf32>
          %add3A_380 = arith.constant 1 : i32
          %add3A_381 = vector.broadcast %add3A_380 : i32 to vector<16xi32>
          %add3A_382 = arith.addi %convert_element_type3A_377, %add3A_381 : vector<16xi32>
          %select_n3A_383 = arith.select %lt3A_379, %add3A_382, %convert_element_type3A_377 : vector<16xi1>, vector<16xi32>
          %max3A_384 = arith.constant 0 : i32
          %max3A_385 = vector.broadcast %max3A_384 : i32 to vector<16xi32>
          %max3A_386 = arith.maxsi %select_n3A_383, %max3A_385 : vector<16xi32>
          %min3A_387 = arith.constant 4999 : i32
          %min3A_388 = vector.broadcast %min3A_387 : i32 to vector<16xi32>
          %min3A_389 = arith.minsi %max3A_386, %min3A_388 : vector<16xi32>
          %shift_right_arithmetic3A_390 = arith.constant 3 : i32
          %shift_right_arithmetic3A_391 = arith.shrsi %add3A_367, %shift_right_arithmetic3A_390 : i32
          %mul3A_392 = arith.constant 1024 : i32
          %mul3A_393 = arith.muli %shift_right_arithmetic3A_391, %mul3A_392 : i32
          %and3A_394 = arith.constant 7 : i32
          %and3A_395 = arith.andi %add3A_367, %and3A_394 : i32
          %mul3A_396 = arith.constant 16 : i32
          %mul3A_397 = arith.muli %and3A_395, %mul3A_396 : i32
          %add3A_398 = arith.addi %mul3A_393, %mul3A_397 : i32
          %add3A_399 = vector.broadcast %add3A_398 : i32 to vector<16xi32>
          %add3A_400 = arith.addi %add3A_399, %iota3A : vector<16xi32>
          %add3A_401 = arith.constant 0 : i32
          %add3A_402 = vector.broadcast %add3A_401 : i32 to vector<16xi32>
          %add3A_403 = arith.addi %min3A_389, %add3A_402 : vector<16xi32>
          %gather3A_404 = tpu.vector_load_idx %arg7[%add3A_403] : memref<40064xf32, #tpu.memory_space<vmem>>[vector<16xi32>], vector<16xf32>,
          %add3A_405 = arith.constant 0 : i32
          %add3A_406 = vector.broadcast %add3A_405 : i32 to vector<16xi32>
          %add3A_407 = arith.addi %add3A_400, %add3A_406 : vector<16xi32>
          %scatter3A_408 = arith.constant 0 : i32
          %scatter3A_409 = tpu.memref_slice %arg9[%scan3A_209, %scatter3A_408] : memref<2x25600xf32, #tpu.memory_space<vmem>> -> memref<1x25600xf32, #tpu.memory_space<vmem>>
          %scatter3A_410 = tpu.memref_squeeze %scatter3A_409 : memref<1x25600xf32, #tpu.memory_space<vmem>> -> memref<25600xf32, #tpu.memory_space<vmem>>
          tpu.vector_store_idx %scatter3A_410[%add3A_407], %gather3A_404 : memref<25600xf32, #tpu.memory_space<vmem>>[vector<16xi32>], vector<16xf32>,
          %add3A_411 = arith.constant 5008 : i32
          %add3A_412 = vector.broadcast %add3A_411 : i32 to vector<16xi32>
          %add3A_413 = arith.addi %min3A_389, %add3A_412 : vector<16xi32>
          %gather3A_414 = tpu.vector_load_idx %arg7[%add3A_413] : memref<40064xf32, #tpu.memory_space<vmem>>[vector<16xi32>], vector<16xf32>,
          %add3A_415 = arith.constant 128 : i32
          %add3A_416 = vector.broadcast %add3A_415 : i32 to vector<16xi32>
          %add3A_417 = arith.addi %add3A_400, %add3A_416 : vector<16xi32>
          %scatter3A_418 = arith.constant 0 : i32
          %scatter3A_419 = tpu.memref_slice %arg9[%scan3A_209, %scatter3A_418] : memref<2x25600xf32, #tpu.memory_space<vmem>> -> memref<1x25600xf32, #tpu.memory_space<vmem>>
          %scatter3A_420 = tpu.memref_squeeze %scatter3A_419 : memref<1x25600xf32, #tpu.memory_space<vmem>> -> memref<25600xf32, #tpu.memory_space<vmem>>
          tpu.vector_store_idx %scatter3A_420[%add3A_417], %gather3A_414 : memref<25600xf32, #tpu.memory_space<vmem>>[vector<16xi32>], vector<16xf32>,
          %add3A_421 = arith.constant 10016 : i32
          %add3A_422 = vector.broadcast %add3A_421 : i32 to vector<16xi32>
          %add3A_423 = arith.addi %min3A_389, %add3A_422 : vector<16xi32>
          %gather3A_424 = tpu.vector_load_idx %arg7[%add3A_423] : memref<40064xf32, #tpu.memory_space<vmem>>[vector<16xi32>], vector<16xf32>,
          %add3A_425 = arith.constant 256 : i32
          %add3A_426 = vector.broadcast %add3A_425 : i32 to vector<16xi32>
          %add3A_427 = arith.addi %add3A_400, %add3A_426 : vector<16xi32>
          %scatter3A_428 = arith.constant 0 : i32
          %scatter3A_429 = tpu.memref_slice %arg9[%scan3A_209, %scatter3A_428] : memref<2x25600xf32, #tpu.memory_space<vmem>> -> memref<1x25600xf32, #tpu.memory_space<vmem>>
          %scatter3A_430 = tpu.memref_squeeze %scatter3A_429 : memref<1x25600xf32, #tpu.memory_space<vmem>> -> memref<25600xf32, #tpu.memory_space<vmem>>
          tpu.vector_store_idx %scatter3A_430[%add3A_427], %gather3A_424 : memref<25600xf32, #tpu.memory_space<vmem>>[vector<16xi32>], vector<16xf32>,
          %add3A_431 = arith.constant 15024 : i32
          %add3A_432 = vector.broadcast %add3A_431 : i32 to vector<16xi32>
          %add3A_433 = arith.addi %min3A_389, %add3A_432 : vector<16xi32>
          %gather3A_434 = tpu.vector_load_idx %arg7[%add3A_433] : memref<40064xf32, #tpu.memory_space<vmem>>[vector<16xi32>], vector<16xf32>,
          %add3A_435 = arith.constant 384 : i32
          %add3A_436 = vector.broadcast %add3A_435 : i32 to vector<16xi32>
          %add3A_437 = arith.addi %add3A_400, %add3A_436 : vector<16xi32>
          %scatter3A_438 = arith.constant 0 : i32
          %scatter3A_439 = tpu.memref_slice %arg9[%scan3A_209, %scatter3A_438] : memref<2x25600xf32, #tpu.memory_space<vmem>> -> memref<1x25600xf32, #tpu.memory_space<vmem>>
          %scatter3A_440 = tpu.memref_squeeze %scatter3A_439 : memref<1x25600xf32, #tpu.memory_space<vmem>> -> memref<25600xf32, #tpu.memory_space<vmem>>
          tpu.vector_store_idx %scatter3A_440[%add3A_437], %gather3A_434 : memref<25600xf32, #tpu.memory_space<vmem>>[vector<16xi32>], vector<16xf32>,
          %add3A_441 = arith.constant 20032 : i32
          %add3A_442 = vector.broadcast %add3A_441 : i32 to vector<16xi32>
          %add3A_443 = arith.addi %min3A_389, %add3A_442 : vector<16xi32>
          %gather3A_444 = tpu.vector_load_idx %arg7[%add3A_443] : memref<40064xf32, #tpu.memory_space<vmem>>[vector<16xi32>], vector<16xf32>,
          %add3A_445 = arith.constant 512 : i32
          %add3A_446 = vector.broadcast %add3A_445 : i32 to vector<16xi32>
          %add3A_447 = arith.addi %add3A_400, %add3A_446 : vector<16xi32>
          %scatter3A_448 = arith.constant 0 : i32
          %scatter3A_449 = tpu.memref_slice %arg9[%scan3A_209, %scatter3A_448] : memref<2x25600xf32, #tpu.memory_space<vmem>> -> memref<1x25600xf32, #tpu.memory_space<vmem>>
          %scatter3A_450 = tpu.memref_squeeze %scatter3A_449 : memref<1x25600xf32, #tpu.memory_space<vmem>> -> memref<25600xf32, #tpu.memory_space<vmem>>
          tpu.vector_store_idx %scatter3A_450[%add3A_447], %gather3A_444 : memref<25600xf32, #tpu.memory_space<vmem>>[vector<16xi32>], vector<16xf32>,
          %add3A_451 = arith.constant 25040 : i32
          %add3A_452 = vector.broadcast %add3A_451 : i32 to vector<16xi32>
          %add3A_453 = arith.addi %min3A_389, %add3A_452 : vector<16xi32>
          %gather3A_454 = tpu.vector_load_idx %arg7[%add3A_453] : memref<40064xf32, #tpu.memory_space<vmem>>[vector<16xi32>], vector<16xf32>,
          %add3A_455 = arith.constant 640 : i32
          %add3A_456 = vector.broadcast %add3A_455 : i32 to vector<16xi32>
          %add3A_457 = arith.addi %add3A_400, %add3A_456 : vector<16xi32>
          %scatter3A_458 = arith.constant 0 : i32
          %scatter3A_459 = tpu.memref_slice %arg9[%scan3A_209, %scatter3A_458] : memref<2x25600xf32, #tpu.memory_space<vmem>> -> memref<1x25600xf32, #tpu.memory_space<vmem>>
          %scatter3A_460 = tpu.memref_squeeze %scatter3A_459 : memref<1x25600xf32, #tpu.memory_space<vmem>> -> memref<25600xf32, #tpu.memory_space<vmem>>
          tpu.vector_store_idx %scatter3A_460[%add3A_457], %gather3A_454 : memref<25600xf32, #tpu.memory_space<vmem>>[vector<16xi32>], vector<16xf32>,
          %add3A_461 = arith.constant 30048 : i32
          %add3A_462 = vector.broadcast %add3A_461 : i32 to vector<16xi32>
          %add3A_463 = arith.addi %min3A_389, %add3A_462 : vector<16xi32>
          %gather3A_464 = tpu.vector_load_idx %arg7[%add3A_463] : memref<40064xf32, #tpu.memory_space<vmem>>[vector<16xi32>], vector<16xf32>,
          %add3A_465 = arith.constant 768 : i32
          %add3A_466 = vector.broadcast %add3A_465 : i32 to vector<16xi32>
          %add3A_467 = arith.addi %add3A_400, %add3A_466 : vector<16xi32>
          %scatter3A_468 = arith.constant 0 : i32
          %scatter3A_469 = tpu.memref_slice %arg9[%scan3A_209, %scatter3A_468] : memref<2x25600xf32, #tpu.memory_space<vmem>> -> memref<1x25600xf32, #tpu.memory_space<vmem>>
          %scatter3A_470 = tpu.memref_squeeze %scatter3A_469 : memref<1x25600xf32, #tpu.memory_space<vmem>> -> memref<25600xf32, #tpu.memory_space<vmem>>
          tpu.vector_store_idx %scatter3A_470[%add3A_467], %gather3A_464 : memref<25600xf32, #tpu.memory_space<vmem>>[vector<16xi32>], vector<16xf32>,
          %add3A_471 = arith.constant 35056 : i32
          %add3A_472 = vector.broadcast %add3A_471 : i32 to vector<16xi32>
          %add3A_473 = arith.addi %min3A_389, %add3A_472 : vector<16xi32>
          %gather3A_474 = tpu.vector_load_idx %arg7[%add3A_473] : memref<40064xf32, #tpu.memory_space<vmem>>[vector<16xi32>], vector<16xf32>,
          %add3A_475 = arith.constant 896 : i32
          %add3A_476 = vector.broadcast %add3A_475 : i32 to vector<16xi32>
          %add3A_477 = arith.addi %add3A_400, %add3A_476 : vector<16xi32>
          %scatter3A_478 = arith.constant 0 : i32
          %scatter3A_479 = tpu.memref_slice %arg9[%scan3A_209, %scatter3A_478] : memref<2x25600xf32, #tpu.memory_space<vmem>> -> memref<1x25600xf32, #tpu.memory_space<vmem>>
          %scatter3A_480 = tpu.memref_squeeze %scatter3A_479 : memref<1x25600xf32, #tpu.memory_space<vmem>> -> memref<25600xf32, #tpu.memory_space<vmem>>
          tpu.vector_store_idx %scatter3A_480[%add3A_477], %gather3A_474 : memref<25600xf32, #tpu.memory_space<vmem>>[vector<16xi32>], vector<16xf32>,
          %mul3A_481 = arith.constant 4 : i32
          %mul3A_482 = arith.muli %scan3A_250, %mul3A_481 : i32
          %add3A_483 = arith.constant 2 : i32
          %add3A_484 = arith.addi %mul3A_482, %add3A_483 : i32
          %mul3A_485 = arith.constant 16 : i32
          %mul3A_486 = arith.muli %add3A_484, %mul3A_485 : i32
          %get3A_487 = arith.constant 0 : i32
          %get3A_488 = tpu.memref_slice %arg8[%scan3A_208, %get3A_487] : memref<2x3200xf32, #tpu.memory_space<vmem>> -> memref<1x3200xf32, #tpu.memory_space<vmem>>
          %get3A_489 = tpu.memref_squeeze %get3A_488 : memref<1x3200xf32, #tpu.memory_space<vmem>> -> memref<3200xf32, #tpu.memory_space<vmem>>
          %get3A_490 = arith.index_cast %mul3A_486 : i32 to index
          %get3A_491 = tpu.vector_load %get3A_489[%get3A_490] {strides = array<i32>} : memref<3200xf32, #tpu.memory_space<vmem>>, vector<16xf32>,
          %min3A_492 = arith.minimumf %get3A_491, %get3A_3 : vector<16xf32>
          %mul3A_493 = arith.mulf %min3A_492, %get3A_7 : vector<16xf32>
          %convert_element_type3A_494 = arith.fptosi %mul3A_493 : vector<16xf32> to vector<16xi32>
          %convert_element_type3A_495 = arith.sitofp %convert_element_type3A_494 : vector<16xi32> to vector<16xf32>
          %lt3A_496 = arith.cmpf olt, %convert_element_type3A_495, %mul3A_493 : vector<16xf32>
          %add3A_497 = arith.constant 1 : i32
          %add3A_498 = vector.broadcast %add3A_497 : i32 to vector<16xi32>
          %add3A_499 = arith.addi %convert_element_type3A_494, %add3A_498 : vector<16xi32>
          %select_n3A_500 = arith.select %lt3A_496, %add3A_499, %convert_element_type3A_494 : vector<16xi1>, vector<16xi32>
          %max3A_501 = arith.constant 0 : i32
          %max3A_502 = vector.broadcast %max3A_501 : i32 to vector<16xi32>
          %max3A_503 = arith.maxsi %select_n3A_500, %max3A_502 : vector<16xi32>
          %min3A_504 = arith.constant 4999 : i32
          %min3A_505 = vector.broadcast %min3A_504 : i32 to vector<16xi32>
          %min3A_506 = arith.minsi %max3A_503, %min3A_505 : vector<16xi32>
          %shift_right_arithmetic3A_507 = arith.constant 3 : i32
          %shift_right_arithmetic3A_508 = arith.shrsi %add3A_484, %shift_right_arithmetic3A_507 : i32
          %mul3A_509 = arith.constant 1024 : i32
          %mul3A_510 = arith.muli %shift_right_arithmetic3A_508, %mul3A_509 : i32
          %and3A_511 = arith.constant 7 : i32
          %and3A_512 = arith.andi %add3A_484, %and3A_511 : i32
          %mul3A_513 = arith.constant 16 : i32
          %mul3A_514 = arith.muli %and3A_512, %mul3A_513 : i32
          %add3A_515 = arith.addi %mul3A_510, %mul3A_514 : i32
          %add3A_516 = vector.broadcast %add3A_515 : i32 to vector<16xi32>
          %add3A_517 = arith.addi %add3A_516, %iota3A : vector<16xi32>
          %add3A_518 = arith.constant 0 : i32
          %add3A_519 = vector.broadcast %add3A_518 : i32 to vector<16xi32>
          %add3A_520 = arith.addi %min3A_506, %add3A_519 : vector<16xi32>
          %gather3A_521 = tpu.vector_load_idx %arg7[%add3A_520] : memref<40064xf32, #tpu.memory_space<vmem>>[vector<16xi32>], vector<16xf32>,
          %add3A_522 = arith.constant 0 : i32
          %add3A_523 = vector.broadcast %add3A_522 : i32 to vector<16xi32>
          %add3A_524 = arith.addi %add3A_517, %add3A_523 : vector<16xi32>
          %scatter3A_525 = arith.constant 0 : i32
          %scatter3A_526 = tpu.memref_slice %arg9[%scan3A_209, %scatter3A_525] : memref<2x25600xf32, #tpu.memory_space<vmem>> -> memref<1x25600xf32, #tpu.memory_space<vmem>>
          %scatter3A_527 = tpu.memref_squeeze %scatter3A_526 : memref<1x25600xf32, #tpu.memory_space<vmem>> -> memref<25600xf32, #tpu.memory_space<vmem>>
          tpu.vector_store_idx %scatter3A_527[%add3A_524], %gather3A_521 : memref<25600xf32, #tpu.memory_space<vmem>>[vector<16xi32>], vector<16xf32>,
          %add3A_528 = arith.constant 5008 : i32
          %add3A_529 = vector.broadcast %add3A_528 : i32 to vector<16xi32>
          %add3A_530 = arith.addi %min3A_506, %add3A_529 : vector<16xi32>
          %gather3A_531 = tpu.vector_load_idx %arg7[%add3A_530] : memref<40064xf32, #tpu.memory_space<vmem>>[vector<16xi32>], vector<16xf32>,
          %add3A_532 = arith.constant 128 : i32
          %add3A_533 = vector.broadcast %add3A_532 : i32 to vector<16xi32>
          %add3A_534 = arith.addi %add3A_517, %add3A_533 : vector<16xi32>
          %scatter3A_535 = arith.constant 0 : i32
          %scatter3A_536 = tpu.memref_slice %arg9[%scan3A_209, %scatter3A_535] : memref<2x25600xf32, #tpu.memory_space<vmem>> -> memref<1x25600xf32, #tpu.memory_space<vmem>>
          %scatter3A_537 = tpu.memref_squeeze %scatter3A_536 : memref<1x25600xf32, #tpu.memory_space<vmem>> -> memref<25600xf32, #tpu.memory_space<vmem>>
          tpu.vector_store_idx %scatter3A_537[%add3A_534], %gather3A_531 : memref<25600xf32, #tpu.memory_space<vmem>>[vector<16xi32>], vector<16xf32>,
          %add3A_538 = arith.constant 10016 : i32
          %add3A_539 = vector.broadcast %add3A_538 : i32 to vector<16xi32>
          %add3A_540 = arith.addi %min3A_506, %add3A_539 : vector<16xi32>
          %gather3A_541 = tpu.vector_load_idx %arg7[%add3A_540] : memref<40064xf32, #tpu.memory_space<vmem>>[vector<16xi32>], vector<16xf32>,
          %add3A_542 = arith.constant 256 : i32
          %add3A_543 = vector.broadcast %add3A_542 : i32 to vector<16xi32>
          %add3A_544 = arith.addi %add3A_517, %add3A_543 : vector<16xi32>
          %scatter3A_545 = arith.constant 0 : i32
          %scatter3A_546 = tpu.memref_slice %arg9[%scan3A_209, %scatter3A_545] : memref<2x25600xf32, #tpu.memory_space<vmem>> -> memref<1x25600xf32, #tpu.memory_space<vmem>>
          %scatter3A_547 = tpu.memref_squeeze %scatter3A_546 : memref<1x25600xf32, #tpu.memory_space<vmem>> -> memref<25600xf32, #tpu.memory_space<vmem>>
          tpu.vector_store_idx %scatter3A_547[%add3A_544], %gather3A_541 : memref<25600xf32, #tpu.memory_space<vmem>>[vector<16xi32>], vector<16xf32>,
          %add3A_548 = arith.constant 15024 : i32
          %add3A_549 = vector.broadcast %add3A_548 : i32 to vector<16xi32>
          %add3A_550 = arith.addi %min3A_506, %add3A_549 : vector<16xi32>
          %gather3A_551 = tpu.vector_load_idx %arg7[%add3A_550] : memref<40064xf32, #tpu.memory_space<vmem>>[vector<16xi32>], vector<16xf32>,
          %add3A_552 = arith.constant 384 : i32
          %add3A_553 = vector.broadcast %add3A_552 : i32 to vector<16xi32>
          %add3A_554 = arith.addi %add3A_517, %add3A_553 : vector<16xi32>
          %scatter3A_555 = arith.constant 0 : i32
          %scatter3A_556 = tpu.memref_slice %arg9[%scan3A_209, %scatter3A_555] : memref<2x25600xf32, #tpu.memory_space<vmem>> -> memref<1x25600xf32, #tpu.memory_space<vmem>>
          %scatter3A_557 = tpu.memref_squeeze %scatter3A_556 : memref<1x25600xf32, #tpu.memory_space<vmem>> -> memref<25600xf32, #tpu.memory_space<vmem>>
          tpu.vector_store_idx %scatter3A_557[%add3A_554], %gather3A_551 : memref<25600xf32, #tpu.memory_space<vmem>>[vector<16xi32>], vector<16xf32>,
          %add3A_558 = arith.constant 20032 : i32
          %add3A_559 = vector.broadcast %add3A_558 : i32 to vector<16xi32>
          %add3A_560 = arith.addi %min3A_506, %add3A_559 : vector<16xi32>
          %gather3A_561 = tpu.vector_load_idx %arg7[%add3A_560] : memref<40064xf32, #tpu.memory_space<vmem>>[vector<16xi32>], vector<16xf32>,
          %add3A_562 = arith.constant 512 : i32
          %add3A_563 = vector.broadcast %add3A_562 : i32 to vector<16xi32>
          %add3A_564 = arith.addi %add3A_517, %add3A_563 : vector<16xi32>
          %scatter3A_565 = arith.constant 0 : i32
          %scatter3A_566 = tpu.memref_slice %arg9[%scan3A_209, %scatter3A_565] : memref<2x25600xf32, #tpu.memory_space<vmem>> -> memref<1x25600xf32, #tpu.memory_space<vmem>>
          %scatter3A_567 = tpu.memref_squeeze %scatter3A_566 : memref<1x25600xf32, #tpu.memory_space<vmem>> -> memref<25600xf32, #tpu.memory_space<vmem>>
          tpu.vector_store_idx %scatter3A_567[%add3A_564], %gather3A_561 : memref<25600xf32, #tpu.memory_space<vmem>>[vector<16xi32>], vector<16xf32>,
          %add3A_568 = arith.constant 25040 : i32
          %add3A_569 = vector.broadcast %add3A_568 : i32 to vector<16xi32>
          %add3A_570 = arith.addi %min3A_506, %add3A_569 : vector<16xi32>
          %gather3A_571 = tpu.vector_load_idx %arg7[%add3A_570] : memref<40064xf32, #tpu.memory_space<vmem>>[vector<16xi32>], vector<16xf32>,
          %add3A_572 = arith.constant 640 : i32
          %add3A_573 = vector.broadcast %add3A_572 : i32 to vector<16xi32>
          %add3A_574 = arith.addi %add3A_517, %add3A_573 : vector<16xi32>
          %scatter3A_575 = arith.constant 0 : i32
          %scatter3A_576 = tpu.memref_slice %arg9[%scan3A_209, %scatter3A_575] : memref<2x25600xf32, #tpu.memory_space<vmem>> -> memref<1x25600xf32, #tpu.memory_space<vmem>>
          %scatter3A_577 = tpu.memref_squeeze %scatter3A_576 : memref<1x25600xf32, #tpu.memory_space<vmem>> -> memref<25600xf32, #tpu.memory_space<vmem>>
          tpu.vector_store_idx %scatter3A_577[%add3A_574], %gather3A_571 : memref<25600xf32, #tpu.memory_space<vmem>>[vector<16xi32>], vector<16xf32>,
          %add3A_578 = arith.constant 30048 : i32
          %add3A_579 = vector.broadcast %add3A_578 : i32 to vector<16xi32>
          %add3A_580 = arith.addi %min3A_506, %add3A_579 : vector<16xi32>
          %gather3A_581 = tpu.vector_load_idx %arg7[%add3A_580] : memref<40064xf32, #tpu.memory_space<vmem>>[vector<16xi32>], vector<16xf32>,
          %add3A_582 = arith.constant 768 : i32
          %add3A_583 = vector.broadcast %add3A_582 : i32 to vector<16xi32>
          %add3A_584 = arith.addi %add3A_517, %add3A_583 : vector<16xi32>
          %scatter3A_585 = arith.constant 0 : i32
          %scatter3A_586 = tpu.memref_slice %arg9[%scan3A_209, %scatter3A_585] : memref<2x25600xf32, #tpu.memory_space<vmem>> -> memref<1x25600xf32, #tpu.memory_space<vmem>>
          %scatter3A_587 = tpu.memref_squeeze %scatter3A_586 : memref<1x25600xf32, #tpu.memory_space<vmem>> -> memref<25600xf32, #tpu.memory_space<vmem>>
          tpu.vector_store_idx %scatter3A_587[%add3A_584], %gather3A_581 : memref<25600xf32, #tpu.memory_space<vmem>>[vector<16xi32>], vector<16xf32>,
          %add3A_588 = arith.constant 35056 : i32
          %add3A_589 = vector.broadcast %add3A_588 : i32 to vector<16xi32>
          %add3A_590 = arith.addi %min3A_506, %add3A_589 : vector<16xi32>
          %gather3A_591 = tpu.vector_load_idx %arg7[%add3A_590] : memref<40064xf32, #tpu.memory_space<vmem>>[vector<16xi32>], vector<16xf32>,
          %add3A_592 = arith.constant 896 : i32
          %add3A_593 = vector.broadcast %add3A_592 : i32 to vector<16xi32>
          %add3A_594 = arith.addi %add3A_517, %add3A_593 : vector<16xi32>
          %scatter3A_595 = arith.constant 0 : i32
          %scatter3A_596 = tpu.memref_slice %arg9[%scan3A_209, %scatter3A_595] : memref<2x25600xf32, #tpu.memory_space<vmem>> -> memref<1x25600xf32, #tpu.memory_space<vmem>>
          %scatter3A_597 = tpu.memref_squeeze %scatter3A_596 : memref<1x25600xf32, #tpu.memory_space<vmem>> -> memref<25600xf32, #tpu.memory_space<vmem>>
          tpu.vector_store_idx %scatter3A_597[%add3A_594], %gather3A_591 : memref<25600xf32, #tpu.memory_space<vmem>>[vector<16xi32>], vector<16xf32>,
          %mul3A_598 = arith.constant 4 : i32
          %mul3A_599 = arith.muli %scan3A_250, %mul3A_598 : i32
          %add3A_600 = arith.constant 3 : i32
          %add3A_601 = arith.addi %mul3A_599, %add3A_600 : i32
          %mul3A_602 = arith.constant 16 : i32
          %mul3A_603 = arith.muli %add3A_601, %mul3A_602 : i32
          %get3A_604 = arith.constant 0 : i32
          %get3A_605 = tpu.memref_slice %arg8[%scan3A_208, %get3A_604] : memref<2x3200xf32, #tpu.memory_space<vmem>> -> memref<1x3200xf32, #tpu.memory_space<vmem>>
          %get3A_606 = tpu.memref_squeeze %get3A_605 : memref<1x3200xf32, #tpu.memory_space<vmem>> -> memref<3200xf32, #tpu.memory_space<vmem>>
          %get3A_607 = arith.index_cast %mul3A_603 : i32 to index
          %get3A_608 = tpu.vector_load %get3A_606[%get3A_607] {strides = array<i32>} : memref<3200xf32, #tpu.memory_space<vmem>>, vector<16xf32>,
          %min3A_609 = arith.minimumf %get3A_608, %get3A_3 : vector<16xf32>
          %mul3A_610 = arith.mulf %min3A_609, %get3A_7 : vector<16xf32>
          %convert_element_type3A_611 = arith.fptosi %mul3A_610 : vector<16xf32> to vector<16xi32>
          %convert_element_type3A_612 = arith.sitofp %convert_element_type3A_611 : vector<16xi32> to vector<16xf32>
          %lt3A_613 = arith.cmpf olt, %convert_element_type3A_612, %mul3A_610 : vector<16xf32>
          %add3A_614 = arith.constant 1 : i32
          %add3A_615 = vector.broadcast %add3A_614 : i32 to vector<16xi32>
          %add3A_616 = arith.addi %convert_element_type3A_611, %add3A_615 : vector<16xi32>
          %select_n3A_617 = arith.select %lt3A_613, %add3A_616, %convert_element_type3A_611 : vector<16xi1>, vector<16xi32>
          %max3A_618 = arith.constant 0 : i32
          %max3A_619 = vector.broadcast %max3A_618 : i32 to vector<16xi32>
          %max3A_620 = arith.maxsi %select_n3A_617, %max3A_619 : vector<16xi32>
          %min3A_621 = arith.constant 4999 : i32
          %min3A_622 = vector.broadcast %min3A_621 : i32 to vector<16xi32>
          %min3A_623 = arith.minsi %max3A_620, %min3A_622 : vector<16xi32>
          %shift_right_arithmetic3A_624 = arith.constant 3 : i32
          %shift_right_arithmetic3A_625 = arith.shrsi %add3A_601, %shift_right_arithmetic3A_624 : i32
          %mul3A_626 = arith.constant 1024 : i32
          %mul3A_627 = arith.muli %shift_right_arithmetic3A_625, %mul3A_626 : i32
          %and3A_628 = arith.constant 7 : i32
          %and3A_629 = arith.andi %add3A_601, %and3A_628 : i32
          %mul3A_630 = arith.constant 16 : i32
          %mul3A_631 = arith.muli %and3A_629, %mul3A_630 : i32
          %add3A_632 = arith.addi %mul3A_627, %mul3A_631 : i32
          %add3A_633 = vector.broadcast %add3A_632 : i32 to vector<16xi32>
          %add3A_634 = arith.addi %add3A_633, %iota3A : vector<16xi32>
          %add3A_635 = arith.constant 0 : i32
          %add3A_636 = vector.broadcast %add3A_635 : i32 to vector<16xi32>
          %add3A_637 = arith.addi %min3A_623, %add3A_636 : vector<16xi32>
          %gather3A_638 = tpu.vector_load_idx %arg7[%add3A_637] : memref<40064xf32, #tpu.memory_space<vmem>>[vector<16xi32>], vector<16xf32>,
          %add3A_639 = arith.constant 0 : i32
          %add3A_640 = vector.broadcast %add3A_639 : i32 to vector<16xi32>
          %add3A_641 = arith.addi %add3A_634, %add3A_640 : vector<16xi32>
          %scatter3A_642 = arith.constant 0 : i32
          %scatter3A_643 = tpu.memref_slice %arg9[%scan3A_209, %scatter3A_642] : memref<2x25600xf32, #tpu.memory_space<vmem>> -> memref<1x25600xf32, #tpu.memory_space<vmem>>
          %scatter3A_644 = tpu.memref_squeeze %scatter3A_643 : memref<1x25600xf32, #tpu.memory_space<vmem>> -> memref<25600xf32, #tpu.memory_space<vmem>>
          tpu.vector_store_idx %scatter3A_644[%add3A_641], %gather3A_638 : memref<25600xf32, #tpu.memory_space<vmem>>[vector<16xi32>], vector<16xf32>,
          %add3A_645 = arith.constant 5008 : i32
          %add3A_646 = vector.broadcast %add3A_645 : i32 to vector<16xi32>
          %add3A_647 = arith.addi %min3A_623, %add3A_646 : vector<16xi32>
          %gather3A_648 = tpu.vector_load_idx %arg7[%add3A_647] : memref<40064xf32, #tpu.memory_space<vmem>>[vector<16xi32>], vector<16xf32>,
          %add3A_649 = arith.constant 128 : i32
          %add3A_650 = vector.broadcast %add3A_649 : i32 to vector<16xi32>
          %add3A_651 = arith.addi %add3A_634, %add3A_650 : vector<16xi32>
          %scatter3A_652 = arith.constant 0 : i32
          %scatter3A_653 = tpu.memref_slice %arg9[%scan3A_209, %scatter3A_652] : memref<2x25600xf32, #tpu.memory_space<vmem>> -> memref<1x25600xf32, #tpu.memory_space<vmem>>
          %scatter3A_654 = tpu.memref_squeeze %scatter3A_653 : memref<1x25600xf32, #tpu.memory_space<vmem>> -> memref<25600xf32, #tpu.memory_space<vmem>>
          tpu.vector_store_idx %scatter3A_654[%add3A_651], %gather3A_648 : memref<25600xf32, #tpu.memory_space<vmem>>[vector<16xi32>], vector<16xf32>,
          %add3A_655 = arith.constant 10016 : i32
          %add3A_656 = vector.broadcast %add3A_655 : i32 to vector<16xi32>
          %add3A_657 = arith.addi %min3A_623, %add3A_656 : vector<16xi32>
          %gather3A_658 = tpu.vector_load_idx %arg7[%add3A_657] : memref<40064xf32, #tpu.memory_space<vmem>>[vector<16xi32>], vector<16xf32>,
          %add3A_659 = arith.constant 256 : i32
          %add3A_660 = vector.broadcast %add3A_659 : i32 to vector<16xi32>
          %add3A_661 = arith.addi %add3A_634, %add3A_660 : vector<16xi32>
          %scatter3A_662 = arith.constant 0 : i32
          %scatter3A_663 = tpu.memref_slice %arg9[%scan3A_209, %scatter3A_662] : memref<2x25600xf32, #tpu.memory_space<vmem>> -> memref<1x25600xf32, #tpu.memory_space<vmem>>
          %scatter3A_664 = tpu.memref_squeeze %scatter3A_663 : memref<1x25600xf32, #tpu.memory_space<vmem>> -> memref<25600xf32, #tpu.memory_space<vmem>>
          tpu.vector_store_idx %scatter3A_664[%add3A_661], %gather3A_658 : memref<25600xf32, #tpu.memory_space<vmem>>[vector<16xi32>], vector<16xf32>,
          %add3A_665 = arith.constant 15024 : i32
          %add3A_666 = vector.broadcast %add3A_665 : i32 to vector<16xi32>
          %add3A_667 = arith.addi %min3A_623, %add3A_666 : vector<16xi32>
          %gather3A_668 = tpu.vector_load_idx %arg7[%add3A_667] : memref<40064xf32, #tpu.memory_space<vmem>>[vector<16xi32>], vector<16xf32>,
          %add3A_669 = arith.constant 384 : i32
          %add3A_670 = vector.broadcast %add3A_669 : i32 to vector<16xi32>
          %add3A_671 = arith.addi %add3A_634, %add3A_670 : vector<16xi32>
          %scatter3A_672 = arith.constant 0 : i32
          %scatter3A_673 = tpu.memref_slice %arg9[%scan3A_209, %scatter3A_672] : memref<2x25600xf32, #tpu.memory_space<vmem>> -> memref<1x25600xf32, #tpu.memory_space<vmem>>
          %scatter3A_674 = tpu.memref_squeeze %scatter3A_673 : memref<1x25600xf32, #tpu.memory_space<vmem>> -> memref<25600xf32, #tpu.memory_space<vmem>>
          tpu.vector_store_idx %scatter3A_674[%add3A_671], %gather3A_668 : memref<25600xf32, #tpu.memory_space<vmem>>[vector<16xi32>], vector<16xf32>,
          %add3A_675 = arith.constant 20032 : i32
          %add3A_676 = vector.broadcast %add3A_675 : i32 to vector<16xi32>
          %add3A_677 = arith.addi %min3A_623, %add3A_676 : vector<16xi32>
          %gather3A_678 = tpu.vector_load_idx %arg7[%add3A_677] : memref<40064xf32, #tpu.memory_space<vmem>>[vector<16xi32>], vector<16xf32>,
          %add3A_679 = arith.constant 512 : i32
          %add3A_680 = vector.broadcast %add3A_679 : i32 to vector<16xi32>
          %add3A_681 = arith.addi %add3A_634, %add3A_680 : vector<16xi32>
          %scatter3A_682 = arith.constant 0 : i32
          %scatter3A_683 = tpu.memref_slice %arg9[%scan3A_209, %scatter3A_682] : memref<2x25600xf32, #tpu.memory_space<vmem>> -> memref<1x25600xf32, #tpu.memory_space<vmem>>
          %scatter3A_684 = tpu.memref_squeeze %scatter3A_683 : memref<1x25600xf32, #tpu.memory_space<vmem>> -> memref<25600xf32, #tpu.memory_space<vmem>>
          tpu.vector_store_idx %scatter3A_684[%add3A_681], %gather3A_678 : memref<25600xf32, #tpu.memory_space<vmem>>[vector<16xi32>], vector<16xf32>,
          %add3A_685 = arith.constant 25040 : i32
          %add3A_686 = vector.broadcast %add3A_685 : i32 to vector<16xi32>
          %add3A_687 = arith.addi %min3A_623, %add3A_686 : vector<16xi32>
          %gather3A_688 = tpu.vector_load_idx %arg7[%add3A_687] : memref<40064xf32, #tpu.memory_space<vmem>>[vector<16xi32>], vector<16xf32>,
          %add3A_689 = arith.constant 640 : i32
          %add3A_690 = vector.broadcast %add3A_689 : i32 to vector<16xi32>
          %add3A_691 = arith.addi %add3A_634, %add3A_690 : vector<16xi32>
          %scatter3A_692 = arith.constant 0 : i32
          %scatter3A_693 = tpu.memref_slice %arg9[%scan3A_209, %scatter3A_692] : memref<2x25600xf32, #tpu.memory_space<vmem>> -> memref<1x25600xf32, #tpu.memory_space<vmem>>
          %scatter3A_694 = tpu.memref_squeeze %scatter3A_693 : memref<1x25600xf32, #tpu.memory_space<vmem>> -> memref<25600xf32, #tpu.memory_space<vmem>>
          tpu.vector_store_idx %scatter3A_694[%add3A_691], %gather3A_688 : memref<25600xf32, #tpu.memory_space<vmem>>[vector<16xi32>], vector<16xf32>,
          %add3A_695 = arith.constant 30048 : i32
          %add3A_696 = vector.broadcast %add3A_695 : i32 to vector<16xi32>
          %add3A_697 = arith.addi %min3A_623, %add3A_696 : vector<16xi32>
          %gather3A_698 = tpu.vector_load_idx %arg7[%add3A_697] : memref<40064xf32, #tpu.memory_space<vmem>>[vector<16xi32>], vector<16xf32>,
          %add3A_699 = arith.constant 768 : i32
          %add3A_700 = vector.broadcast %add3A_699 : i32 to vector<16xi32>
          %add3A_701 = arith.addi %add3A_634, %add3A_700 : vector<16xi32>
          %scatter3A_702 = arith.constant 0 : i32
          %scatter3A_703 = tpu.memref_slice %arg9[%scan3A_209, %scatter3A_702] : memref<2x25600xf32, #tpu.memory_space<vmem>> -> memref<1x25600xf32, #tpu.memory_space<vmem>>
          %scatter3A_704 = tpu.memref_squeeze %scatter3A_703 : memref<1x25600xf32, #tpu.memory_space<vmem>> -> memref<25600xf32, #tpu.memory_space<vmem>>
          tpu.vector_store_idx %scatter3A_704[%add3A_701], %gather3A_698 : memref<25600xf32, #tpu.memory_space<vmem>>[vector<16xi32>], vector<16xf32>,
          %add3A_705 = arith.constant 35056 : i32
          %add3A_706 = vector.broadcast %add3A_705 : i32 to vector<16xi32>
          %add3A_707 = arith.addi %min3A_623, %add3A_706 : vector<16xi32>
          %gather3A_708 = tpu.vector_load_idx %arg7[%add3A_707] : memref<40064xf32, #tpu.memory_space<vmem>>[vector<16xi32>], vector<16xf32>,
          %add3A_709 = arith.constant 896 : i32
          %add3A_710 = vector.broadcast %add3A_709 : i32 to vector<16xi32>
          %add3A_711 = arith.addi %add3A_634, %add3A_710 : vector<16xi32>
          %scatter3A_712 = arith.constant 0 : i32
          %scatter3A_713 = tpu.memref_slice %arg9[%scan3A_209, %scatter3A_712] : memref<2x25600xf32, #tpu.memory_space<vmem>> -> memref<1x25600xf32, #tpu.memory_space<vmem>>
          %scatter3A_714 = tpu.memref_squeeze %scatter3A_713 : memref<1x25600xf32, #tpu.memory_space<vmem>> -> memref<25600xf32, #tpu.memory_space<vmem>>
          tpu.vector_store_idx %scatter3A_714[%add3A_711], %gather3A_708 : memref<25600xf32, #tpu.memory_space<vmem>>[vector<16xi32>], vector<16xf32>,
          %scan3A_715 = arith.constant 0 : i32
          scf.yield %scan3A_715 : i32
        }
        %scan3A_216 = arith.constant 50 : i32
        %mul3A_217 = arith.constant 8 : i32
        %mul3A_218 = arith.muli %mul3A_188, %mul3A_217 : i32
        %add3A_219 = arith.constant 0 : i32
        %add3A_220 = arith.addi %mul3A_218, %add3A_219 : i32
        %dma_start3A = arith.constant 0 : i32
        %dma_start3A_221 = arith.constant 0 : i32
        %dma_start3A_222 = tpu.memref_slice %arg9[%dma_start3A, %dma_start3A_221] : memref<2x25600xf32, #tpu.memory_space<vmem>> -> memref<1x25600xf32, #tpu.memory_space<vmem>>
        %dma_start3A_223 = tpu.memref_squeeze %dma_start3A_222 : memref<1x25600xf32, #tpu.memory_space<vmem>> -> memref<25600xf32, #tpu.memory_space<vmem>>
        %dma_start3A_224 = arith.constant 0 : i32
        %dma_start3A_225 = tpu.memref_slice %dma_start3A_223[%dma_start3A_224] : memref<25600xf32, #tpu.memory_space<vmem>> -> memref<12800xf32, #tpu.memory_space<vmem>>
        %dma_start3A_226 = tpu.memref_slice %arg6[%add3A_220] : memref<51200000xf32, #tpu.memory_space<hbm>> -> memref<12800xf32, #tpu.memory_space<hbm>>
        %dma_start3A_227 = tpu.memref_slice %arg6[%add3A_220] : memref<51200000xf32, #tpu.memory_space<hbm>> -> memref<12800xf32, #tpu.memory_space<hbm>>
        %dma_start3A_228 = arith.constant 0 : i32
        %dma_start3A_229 = tpu.memref_slice %arg9[%dma_start3A, %dma_start3A_228] : memref<2x25600xf32, #tpu.memory_space<vmem>> -> memref<1x25600xf32, #tpu.memory_space<vmem>>
        %dma_start3A_230 = tpu.memref_squeeze %dma_start3A_229 : memref<1x25600xf32, #tpu.memory_space<vmem>> -> memref<25600xf32, #tpu.memory_space<vmem>>
        %dma_start3A_231 = arith.constant 0 : i32
        %dma_start3A_232 = tpu.memref_slice %dma_start3A_230[%dma_start3A_231] : memref<25600xf32, #tpu.memory_space<vmem>> -> memref<12800xf32, #tpu.memory_space<vmem>>
        tpu.enqueue_dma source(%dma_start3A_232 : memref<12800xf32, #tpu.memory_space<vmem>>) target(%dma_start3A_227 : memref<12800xf32, #tpu.memory_space<hbm>>) target_semaphore(%arg12 : memref<!tpu.dma_semaphore, #tpu.memory_space<semaphore_mem>>)
        %mul3A_233 = arith.constant 8 : i32
        %mul3A_234 = arith.muli %mul3A_188, %mul3A_233 : i32
        %add3A_235 = arith.constant 12800 : i32
        %add3A_236 = arith.addi %mul3A_234, %add3A_235 : i32
        %dma_start3A_237 = arith.constant 0 : i32
        %dma_start3A_238 = arith.constant 0 : i32
        %dma_start3A_239 = tpu.memref_slice %arg9[%dma_start3A_237, %dma_start3A_238] : memref<2x25600xf32, #tpu.memory_space<vmem>> -> memref<1x25600xf32, #tpu.memory_space<vmem>>
        %dma_start3A_240 = tpu.memref_squeeze %dma_start3A_239 : memref<1x25600xf32, #tpu.memory_space<vmem>> -> memref<25600xf32, #tpu.memory_space<vmem>>
        %dma_start3A_241 = arith.constant 12800 : i32
        %dma_start3A_242 = tpu.memref_slice %dma_start3A_240[%dma_start3A_241] : memref<25600xf32, #tpu.memory_space<vmem>> -> memref<12800xf32, #tpu.memory_space<vmem>>
        %dma_start3A_243 = tpu.memref_slice %arg6[%add3A_236] : memref<51200000xf32, #tpu.memory_space<hbm>> -> memref<12800xf32, #tpu.memory_space<hbm>>
        %dma_start3A_244 = tpu.memref_slice %arg6[%add3A_236] : memref<51200000xf32, #tpu.memory_space<hbm>> -> memref<12800xf32, #tpu.memory_space<hbm>>
        %dma_start3A_245 = arith.constant 0 : i32
        %dma_start3A_246 = tpu.memref_slice %arg9[%dma_start3A_237, %dma_start3A_245] : memref<2x25600xf32, #tpu.memory_space<vmem>> -> memref<1x25600xf32, #tpu.memory_space<vmem>>
        %dma_start3A_247 = tpu.memref_squeeze %dma_start3A_246 : memref<1x25600xf32, #tpu.memory_space<vmem>> -> memref<25600xf32, #tpu.memory_space<vmem>>
        %dma_start3A_248 = arith.constant 12800 : i32
        %dma_start3A_249 = tpu.memref_slice %dma_start3A_247[%dma_start3A_248] : memref<25600xf32, #tpu.memory_space<vmem>> -> memref<12800xf32, #tpu.memory_space<vmem>>
        tpu.enqueue_dma source(%dma_start3A_249 : memref<12800xf32, #tpu.memory_space<vmem>>) target(%dma_start3A_244 : memref<12800xf32, #tpu.memory_space<hbm>>) target_semaphore(%arg13 : memref<!tpu.dma_semaphore, #tpu.memory_space<semaphore_mem>>)
      } else {
      }
      %mul3A_175 = arith.constant 2 : i32
      %mul3A_176 = arith.muli %while3A_166, %mul3A_175 : i32
      %add3A_177 = arith.constant 1 : i32
      %add3A_178 = arith.addi %mul3A_176, %add3A_177 : i32
      %lt3A_179 = arith.cmpi slt, %add3A_178, %select_n3A : i32
      %convert_element_type3A_180 = arith.extui %lt3A_179 : i1 to i32
      %cond3A_181 = arith.constant 0 : i32
      %cond3A_182 = arith.cmpi ne, %convert_element_type3A_180, %cond3A_181 : i32
      scf.if %cond3A_182 {
        %mul3A_184 = arith.constant 32 : i32
        %mul3A_185 = arith.muli %add3A_178, %mul3A_184 : i32
        %add3A_186 = arith.addi %add3A, %mul3A_185 : i32
        %mul3A_187 = arith.constant 3200 : i32
        %mul3A_188 = arith.muli %add3A_186, %mul3A_187 : i32
        %add3A_189 = arith.constant 1 : i32
        %add3A_190 = arith.addi %add3A_178, %add3A_189 : i32
        %lt3A_191 = arith.cmpi slt, %add3A_190, %select_n3A : i32
        %convert_element_type3A_192 = arith.extui %lt3A_191 : i1 to i32
        %cond3A_193 = arith.constant 0 : i32
        %cond3A_194 = arith.cmpi ne, %convert_element_type3A_192, %cond3A_193 : i32
        scf.if %cond3A_194 {
          %add3A_250 = arith.constant 1 : i32
          %add3A_251 = arith.addi %add3A_178, %add3A_250 : i32
          %mul3A_252 = arith.constant 32 : i32
          %mul3A_253 = arith.muli %add3A_251, %mul3A_252 : i32
          %add3A_254 = arith.addi %add3A, %mul3A_253 : i32
          %mul3A_255 = arith.constant 3200 : i32
          %mul3A_256 = arith.muli %add3A_254, %mul3A_255 : i32
          %dma_start3A_257 = arith.constant 0 : i32
          %dma_start3A_258 = arith.constant 0 : i32
          %dma_start3A_259 = tpu.memref_slice %arg8[%dma_start3A_257, %dma_start3A_258] : memref<2x3200xf32, #tpu.memory_space<vmem>> -> memref<1x3200xf32, #tpu.memory_space<vmem>>
          %dma_start3A_260 = tpu.memref_squeeze %dma_start3A_259 : memref<1x3200xf32, #tpu.memory_space<vmem>> -> memref<3200xf32, #tpu.memory_space<vmem>>
          %dma_start3A_261 = tpu.memref_slice %arg2[%mul3A_256] : memref<6400000xf32, #tpu.memory_space<hbm>> -> memref<3200xf32, #tpu.memory_space<hbm>>
          %dma_start3A_262 = arith.constant 0 : i32
          %dma_start3A_263 = tpu.memref_slice %arg8[%dma_start3A_257, %dma_start3A_262] : memref<2x3200xf32, #tpu.memory_space<vmem>> -> memref<1x3200xf32, #tpu.memory_space<vmem>>
          %dma_start3A_264 = tpu.memref_squeeze %dma_start3A_263 : memref<1x3200xf32, #tpu.memory_space<vmem>> -> memref<3200xf32, #tpu.memory_space<vmem>>
          %dma_start3A_265 = tpu.memref_slice %arg2[%mul3A_256] : memref<6400000xf32, #tpu.memory_space<hbm>> -> memref<3200xf32, #tpu.memory_space<hbm>>
          tpu.enqueue_dma source(%dma_start3A_265 : memref<3200xf32, #tpu.memory_space<hbm>>) target(%dma_start3A_264 : memref<3200xf32, #tpu.memory_space<vmem>>) target_semaphore(%arg16 : memref<!tpu.dma_semaphore, #tpu.memory_space<semaphore_mem>>)
        } else {
        }
        %dma_wait3A = arith.constant 1 : i32
        %dma_wait3A_195 = arith.constant 0 : i32
        %dma_wait3A_196 = tpu.memref_slice %arg8[%dma_wait3A, %dma_wait3A_195] : memref<2x3200xf32, #tpu.memory_space<vmem>> -> memref<1x3200xf32, #tpu.memory_space<vmem>>
        %dma_wait3A_197 = tpu.memref_squeeze %dma_wait3A_196 : memref<1x3200xf32, #tpu.memory_space<vmem>> -> memref<3200xf32, #tpu.memory_space<vmem>>
        %dma_wait3A_198 = tpu.memref_slice %arg2[%mul3A_188] : memref<6400000xf32, #tpu.memory_space<hbm>> -> memref<3200xf32, #tpu.memory_space<hbm>>
        %dma_wait3A_199 = arith.constant 0 : i32
        %dma_wait3A_200 = tpu.memref_slice %arg8[%dma_wait3A, %dma_wait3A_199] : memref<2x3200xf32, #tpu.memory_space<vmem>> -> memref<1x3200xf32, #tpu.memory_space<vmem>>
        %dma_wait3A_201 = tpu.memref_squeeze %dma_wait3A_200 : memref<1x3200xf32, #tpu.memory_space<vmem>> -> memref<3200xf32, #tpu.memory_space<vmem>>
        %dma_wait3A_202 = tpu.memref_slice %arg2[%mul3A_188] : memref<6400000xf32, #tpu.memory_space<hbm>> -> memref<3200xf32, #tpu.memory_space<hbm>>
        tpu.wait_dma2 semaphore(%arg17 : memref<!tpu.dma_semaphore, #tpu.memory_space<semaphore_mem>>) src(%dma_wait3A_202 : memref<3200xf32, #tpu.memory_space<hbm>>) dst(%dma_wait3A_201 : memref<3200xf32, #tpu.memory_space<vmem>>)
        %ge3A = arith.constant 2 : i32
        %ge3A_203 = arith.cmpi sge, %add3A_178, %ge3A : i32
        %convert_element_type3A_204 = arith.extui %ge3A_203 : i1 to i32
        %cond3A_205 = arith.constant 1 : i32
        %cond3A_206 = arith.constant 0 : i32
        %cond3A_207 = arith.cmpi ne, %convert_element_type3A_204, %cond3A_206 : i32
        scf.if %cond3A_207 {
          %mul3A_250 = arith.constant 8 : i32
          %mul3A_251 = arith.muli %mul3A_188, %mul3A_250 : i32
          %add3A_252 = arith.constant 0 : i32
          %add3A_253 = arith.addi %mul3A_251, %add3A_252 : i32
          %dma_wait3A_254 = arith.constant 0 : i32
          %dma_wait3A_255 = tpu.memref_slice %arg9[%cond3A_205, %dma_wait3A_254] : memref<2x25600xf32, #tpu.memory_space<vmem>> -> memref<1x25600xf32, #tpu.memory_space<vmem>>
          %dma_wait3A_256 = tpu.memref_squeeze %dma_wait3A_255 : memref<1x25600xf32, #tpu.memory_space<vmem>> -> memref<25600xf32, #tpu.memory_space<vmem>>
          %dma_wait3A_257 = arith.constant 0 : i32
          %dma_wait3A_258 = tpu.memref_slice %dma_wait3A_256[%dma_wait3A_257] : memref<25600xf32, #tpu.memory_space<vmem>> -> memref<12800xf32, #tpu.memory_space<vmem>>
          %dma_wait3A_259 = tpu.memref_slice %arg6[%add3A_253] : memref<51200000xf32, #tpu.memory_space<hbm>> -> memref<12800xf32, #tpu.memory_space<hbm>>
          %dma_wait3A_260 = tpu.memref_slice %arg6[%add3A_253] : memref<51200000xf32, #tpu.memory_space<hbm>> -> memref<12800xf32, #tpu.memory_space<hbm>>
          %dma_wait3A_261 = arith.constant 0 : i32
          %dma_wait3A_262 = tpu.memref_slice %arg9[%cond3A_205, %dma_wait3A_261] : memref<2x25600xf32, #tpu.memory_space<vmem>> -> memref<1x25600xf32, #tpu.memory_space<vmem>>
          %dma_wait3A_263 = tpu.memref_squeeze %dma_wait3A_262 : memref<1x25600xf32, #tpu.memory_space<vmem>> -> memref<25600xf32, #tpu.memory_space<vmem>>
          %dma_wait3A_264 = arith.constant 0 : i32
          %dma_wait3A_265 = tpu.memref_slice %dma_wait3A_263[%dma_wait3A_264] : memref<25600xf32, #tpu.memory_space<vmem>> -> memref<12800xf32, #tpu.memory_space<vmem>>
          tpu.wait_dma2 semaphore(%arg14 : memref<!tpu.dma_semaphore, #tpu.memory_space<semaphore_mem>>) src(%dma_wait3A_265 : memref<12800xf32, #tpu.memory_space<vmem>>) dst(%dma_wait3A_260 : memref<12800xf32, #tpu.memory_space<hbm>>)
          %mul3A_266 = arith.constant 8 : i32
          %mul3A_267 = arith.muli %mul3A_188, %mul3A_266 : i32
          %add3A_268 = arith.constant 12800 : i32
          %add3A_269 = arith.addi %mul3A_267, %add3A_268 : i32
          %dma_wait3A_270 = arith.constant 0 : i32
          %dma_wait3A_271 = tpu.memref_slice %arg9[%cond3A_205, %dma_wait3A_270] : memref<2x25600xf32, #tpu.memory_space<vmem>> -> memref<1x25600xf32, #tpu.memory_space<vmem>>
          %dma_wait3A_272 = tpu.memref_squeeze %dma_wait3A_271 : memref<1x25600xf32, #tpu.memory_space<vmem>> -> memref<25600xf32, #tpu.memory_space<vmem>>
          %dma_wait3A_273 = arith.constant 12800 : i32
          %dma_wait3A_274 = tpu.memref_slice %dma_wait3A_272[%dma_wait3A_273] : memref<25600xf32, #tpu.memory_space<vmem>> -> memref<12800xf32, #tpu.memory_space<vmem>>
          %dma_wait3A_275 = tpu.memref_slice %arg6[%add3A_269] : memref<51200000xf32, #tpu.memory_space<hbm>> -> memref<12800xf32, #tpu.memory_space<hbm>>
          %dma_wait3A_276 = tpu.memref_slice %arg6[%add3A_269] : memref<51200000xf32, #tpu.memory_space<hbm>> -> memref<12800xf32, #tpu.memory_space<hbm>>
          %dma_wait3A_277 = arith.constant 0 : i32
          %dma_wait3A_278 = tpu.memref_slice %arg9[%cond3A_205, %dma_wait3A_277] : memref<2x25600xf32, #tpu.memory_space<vmem>> -> memref<1x25600xf32, #tpu.memory_space<vmem>>
          %dma_wait3A_279 = tpu.memref_squeeze %dma_wait3A_278 : memref<1x25600xf32, #tpu.memory_space<vmem>> -> memref<25600xf32, #tpu.memory_space<vmem>>
          %dma_wait3A_280 = arith.constant 12800 : i32
          %dma_wait3A_281 = tpu.memref_slice %dma_wait3A_279[%dma_wait3A_280] : memref<25600xf32, #tpu.memory_space<vmem>> -> memref<12800xf32, #tpu.memory_space<vmem>>
          tpu.wait_dma2 semaphore(%arg15 : memref<!tpu.dma_semaphore, #tpu.memory_space<semaphore_mem>>) src(%dma_wait3A_281 : memref<12800xf32, #tpu.memory_space<vmem>>) dst(%dma_wait3A_276 : memref<12800xf32, #tpu.memory_space<hbm>>)
        } else {
        }
        %scan3A_208 = arith.constant 1 : i32
        %scan3A_209 = arith.constant 1 : i32
        %scan3A_210 = arith.constant 0 : i32
        %scan3A_211 = arith.constant 0 : i32
        %scan3A_212 = arith.constant 50 : i32
        %scan3A_213 = arith.addi %scan3A_211, %scan3A_212 : i32
        %scan3A_214 = arith.constant 1 : i32
        %scan3A_215 = scf.for %scan3A_250 = %scan3A_211 to %scan3A_213 step %scan3A_214 iter_args(%scan3A_251 = %scan3A_210) -> (i32)  : i32 {
          %mul3A_252 = arith.constant 4 : i32
          %mul3A_253 = arith.muli %scan3A_250, %mul3A_252 : i32
          %add3A_254 = arith.constant 0 : i32
          %add3A_255 = arith.addi %mul3A_253, %add3A_254 : i32
          %mul3A_256 = arith.constant 16 : i32
          %mul3A_257 = arith.muli %add3A_255, %mul3A_256 : i32
          %get3A_258 = arith.constant 0 : i32
          %get3A_259 = tpu.memref_slice %arg8[%scan3A_208, %get3A_258] : memref<2x3200xf32, #tpu.memory_space<vmem>> -> memref<1x3200xf32, #tpu.memory_space<vmem>>
          %get3A_260 = tpu.memref_squeeze %get3A_259 : memref<1x3200xf32, #tpu.memory_space<vmem>> -> memref<3200xf32, #tpu.memory_space<vmem>>
          %get3A_261 = arith.index_cast %mul3A_257 : i32 to index
          %get3A_262 = tpu.vector_load %get3A_260[%get3A_261] {strides = array<i32>} : memref<3200xf32, #tpu.memory_space<vmem>>, vector<16xf32>,
          %min3A = arith.minimumf %get3A_262, %get3A_3 : vector<16xf32>
          %mul3A_263 = arith.mulf %min3A, %get3A_7 : vector<16xf32>
          %convert_element_type3A_264 = arith.fptosi %mul3A_263 : vector<16xf32> to vector<16xi32>
          %convert_element_type3A_265 = arith.sitofp %convert_element_type3A_264 : vector<16xi32> to vector<16xf32>
          %lt3A_266 = arith.cmpf olt, %convert_element_type3A_265, %mul3A_263 : vector<16xf32>
          %add3A_267 = arith.constant 1 : i32
          %add3A_268 = vector.broadcast %add3A_267 : i32 to vector<16xi32>
          %add3A_269 = arith.addi %convert_element_type3A_264, %add3A_268 : vector<16xi32>
          %select_n3A_270 = arith.select %lt3A_266, %add3A_269, %convert_element_type3A_264 : vector<16xi1>, vector<16xi32>
          %max3A = arith.constant 0 : i32
          %max3A_271 = vector.broadcast %max3A : i32 to vector<16xi32>
          %max3A_272 = arith.maxsi %select_n3A_270, %max3A_271 : vector<16xi32>
          %min3A_273 = arith.constant 4999 : i32
          %min3A_274 = vector.broadcast %min3A_273 : i32 to vector<16xi32>
          %min3A_275 = arith.minsi %max3A_272, %min3A_274 : vector<16xi32>
          %shift_right_arithmetic3A = arith.constant 3 : i32
          %shift_right_arithmetic3A_276 = arith.shrsi %add3A_255, %shift_right_arithmetic3A : i32
          %mul3A_277 = arith.constant 1024 : i32
          %mul3A_278 = arith.muli %shift_right_arithmetic3A_276, %mul3A_277 : i32
          %and3A_279 = arith.constant 7 : i32
          %and3A_280 = arith.andi %add3A_255, %and3A_279 : i32
          %mul3A_281 = arith.constant 16 : i32
          %mul3A_282 = arith.muli %and3A_280, %mul3A_281 : i32
          %add3A_283 = arith.addi %mul3A_278, %mul3A_282 : i32
          %add3A_284 = vector.broadcast %add3A_283 : i32 to vector<16xi32>
          %add3A_285 = arith.addi %add3A_284, %iota3A : vector<16xi32>
          %add3A_286 = arith.constant 0 : i32
          %add3A_287 = vector.broadcast %add3A_286 : i32 to vector<16xi32>
          %add3A_288 = arith.addi %min3A_275, %add3A_287 : vector<16xi32>
          %gather3A = tpu.vector_load_idx %arg7[%add3A_288] : memref<40064xf32, #tpu.memory_space<vmem>>[vector<16xi32>], vector<16xf32>,
          %add3A_289 = arith.constant 0 : i32
          %add3A_290 = vector.broadcast %add3A_289 : i32 to vector<16xi32>
          %add3A_291 = arith.addi %add3A_285, %add3A_290 : vector<16xi32>
          %scatter3A = arith.constant 0 : i32
          %scatter3A_292 = tpu.memref_slice %arg9[%scan3A_209, %scatter3A] : memref<2x25600xf32, #tpu.memory_space<vmem>> -> memref<1x25600xf32, #tpu.memory_space<vmem>>
          %scatter3A_293 = tpu.memref_squeeze %scatter3A_292 : memref<1x25600xf32, #tpu.memory_space<vmem>> -> memref<25600xf32, #tpu.memory_space<vmem>>
          tpu.vector_store_idx %scatter3A_293[%add3A_291], %gather3A : memref<25600xf32, #tpu.memory_space<vmem>>[vector<16xi32>], vector<16xf32>,
          %add3A_294 = arith.constant 5008 : i32
          %add3A_295 = vector.broadcast %add3A_294 : i32 to vector<16xi32>
          %add3A_296 = arith.addi %min3A_275, %add3A_295 : vector<16xi32>
          %gather3A_297 = tpu.vector_load_idx %arg7[%add3A_296] : memref<40064xf32, #tpu.memory_space<vmem>>[vector<16xi32>], vector<16xf32>,
          %add3A_298 = arith.constant 128 : i32
          %add3A_299 = vector.broadcast %add3A_298 : i32 to vector<16xi32>
          %add3A_300 = arith.addi %add3A_285, %add3A_299 : vector<16xi32>
          %scatter3A_301 = arith.constant 0 : i32
          %scatter3A_302 = tpu.memref_slice %arg9[%scan3A_209, %scatter3A_301] : memref<2x25600xf32, #tpu.memory_space<vmem>> -> memref<1x25600xf32, #tpu.memory_space<vmem>>
          %scatter3A_303 = tpu.memref_squeeze %scatter3A_302 : memref<1x25600xf32, #tpu.memory_space<vmem>> -> memref<25600xf32, #tpu.memory_space<vmem>>
          tpu.vector_store_idx %scatter3A_303[%add3A_300], %gather3A_297 : memref<25600xf32, #tpu.memory_space<vmem>>[vector<16xi32>], vector<16xf32>,
          %add3A_304 = arith.constant 10016 : i32
          %add3A_305 = vector.broadcast %add3A_304 : i32 to vector<16xi32>
          %add3A_306 = arith.addi %min3A_275, %add3A_305 : vector<16xi32>
          %gather3A_307 = tpu.vector_load_idx %arg7[%add3A_306] : memref<40064xf32, #tpu.memory_space<vmem>>[vector<16xi32>], vector<16xf32>,
          %add3A_308 = arith.constant 256 : i32
          %add3A_309 = vector.broadcast %add3A_308 : i32 to vector<16xi32>
          %add3A_310 = arith.addi %add3A_285, %add3A_309 : vector<16xi32>
          %scatter3A_311 = arith.constant 0 : i32
          %scatter3A_312 = tpu.memref_slice %arg9[%scan3A_209, %scatter3A_311] : memref<2x25600xf32, #tpu.memory_space<vmem>> -> memref<1x25600xf32, #tpu.memory_space<vmem>>
          %scatter3A_313 = tpu.memref_squeeze %scatter3A_312 : memref<1x25600xf32, #tpu.memory_space<vmem>> -> memref<25600xf32, #tpu.memory_space<vmem>>
          tpu.vector_store_idx %scatter3A_313[%add3A_310], %gather3A_307 : memref<25600xf32, #tpu.memory_space<vmem>>[vector<16xi32>], vector<16xf32>,
          %add3A_314 = arith.constant 15024 : i32
          %add3A_315 = vector.broadcast %add3A_314 : i32 to vector<16xi32>
          %add3A_316 = arith.addi %min3A_275, %add3A_315 : vector<16xi32>
          %gather3A_317 = tpu.vector_load_idx %arg7[%add3A_316] : memref<40064xf32, #tpu.memory_space<vmem>>[vector<16xi32>], vector<16xf32>,
          %add3A_318 = arith.constant 384 : i32
          %add3A_319 = vector.broadcast %add3A_318 : i32 to vector<16xi32>
          %add3A_320 = arith.addi %add3A_285, %add3A_319 : vector<16xi32>
          %scatter3A_321 = arith.constant 0 : i32
          %scatter3A_322 = tpu.memref_slice %arg9[%scan3A_209, %scatter3A_321] : memref<2x25600xf32, #tpu.memory_space<vmem>> -> memref<1x25600xf32, #tpu.memory_space<vmem>>
          %scatter3A_323 = tpu.memref_squeeze %scatter3A_322 : memref<1x25600xf32, #tpu.memory_space<vmem>> -> memref<25600xf32, #tpu.memory_space<vmem>>
          tpu.vector_store_idx %scatter3A_323[%add3A_320], %gather3A_317 : memref<25600xf32, #tpu.memory_space<vmem>>[vector<16xi32>], vector<16xf32>,
          %add3A_324 = arith.constant 20032 : i32
          %add3A_325 = vector.broadcast %add3A_324 : i32 to vector<16xi32>
          %add3A_326 = arith.addi %min3A_275, %add3A_325 : vector<16xi32>
          %gather3A_327 = tpu.vector_load_idx %arg7[%add3A_326] : memref<40064xf32, #tpu.memory_space<vmem>>[vector<16xi32>], vector<16xf32>,
          %add3A_328 = arith.constant 512 : i32
          %add3A_329 = vector.broadcast %add3A_328 : i32 to vector<16xi32>
          %add3A_330 = arith.addi %add3A_285, %add3A_329 : vector<16xi32>
          %scatter3A_331 = arith.constant 0 : i32
          %scatter3A_332 = tpu.memref_slice %arg9[%scan3A_209, %scatter3A_331] : memref<2x25600xf32, #tpu.memory_space<vmem>> -> memref<1x25600xf32, #tpu.memory_space<vmem>>
          %scatter3A_333 = tpu.memref_squeeze %scatter3A_332 : memref<1x25600xf32, #tpu.memory_space<vmem>> -> memref<25600xf32, #tpu.memory_space<vmem>>
          tpu.vector_store_idx %scatter3A_333[%add3A_330], %gather3A_327 : memref<25600xf32, #tpu.memory_space<vmem>>[vector<16xi32>], vector<16xf32>,
          %add3A_334 = arith.constant 25040 : i32
          %add3A_335 = vector.broadcast %add3A_334 : i32 to vector<16xi32>
          %add3A_336 = arith.addi %min3A_275, %add3A_335 : vector<16xi32>
          %gather3A_337 = tpu.vector_load_idx %arg7[%add3A_336] : memref<40064xf32, #tpu.memory_space<vmem>>[vector<16xi32>], vector<16xf32>,
          %add3A_338 = arith.constant 640 : i32
          %add3A_339 = vector.broadcast %add3A_338 : i32 to vector<16xi32>
          %add3A_340 = arith.addi %add3A_285, %add3A_339 : vector<16xi32>
          %scatter3A_341 = arith.constant 0 : i32
          %scatter3A_342 = tpu.memref_slice %arg9[%scan3A_209, %scatter3A_341] : memref<2x25600xf32, #tpu.memory_space<vmem>> -> memref<1x25600xf32, #tpu.memory_space<vmem>>
          %scatter3A_343 = tpu.memref_squeeze %scatter3A_342 : memref<1x25600xf32, #tpu.memory_space<vmem>> -> memref<25600xf32, #tpu.memory_space<vmem>>
          tpu.vector_store_idx %scatter3A_343[%add3A_340], %gather3A_337 : memref<25600xf32, #tpu.memory_space<vmem>>[vector<16xi32>], vector<16xf32>,
          %add3A_344 = arith.constant 30048 : i32
          %add3A_345 = vector.broadcast %add3A_344 : i32 to vector<16xi32>
          %add3A_346 = arith.addi %min3A_275, %add3A_345 : vector<16xi32>
          %gather3A_347 = tpu.vector_load_idx %arg7[%add3A_346] : memref<40064xf32, #tpu.memory_space<vmem>>[vector<16xi32>], vector<16xf32>,
          %add3A_348 = arith.constant 768 : i32
          %add3A_349 = vector.broadcast %add3A_348 : i32 to vector<16xi32>
          %add3A_350 = arith.addi %add3A_285, %add3A_349 : vector<16xi32>
          %scatter3A_351 = arith.constant 0 : i32
          %scatter3A_352 = tpu.memref_slice %arg9[%scan3A_209, %scatter3A_351] : memref<2x25600xf32, #tpu.memory_space<vmem>> -> memref<1x25600xf32, #tpu.memory_space<vmem>>
          %scatter3A_353 = tpu.memref_squeeze %scatter3A_352 : memref<1x25600xf32, #tpu.memory_space<vmem>> -> memref<25600xf32, #tpu.memory_space<vmem>>
          tpu.vector_store_idx %scatter3A_353[%add3A_350], %gather3A_347 : memref<25600xf32, #tpu.memory_space<vmem>>[vector<16xi32>], vector<16xf32>,
          %add3A_354 = arith.constant 35056 : i32
          %add3A_355 = vector.broadcast %add3A_354 : i32 to vector<16xi32>
          %add3A_356 = arith.addi %min3A_275, %add3A_355 : vector<16xi32>
          %gather3A_357 = tpu.vector_load_idx %arg7[%add3A_356] : memref<40064xf32, #tpu.memory_space<vmem>>[vector<16xi32>], vector<16xf32>,
          %add3A_358 = arith.constant 896 : i32
          %add3A_359 = vector.broadcast %add3A_358 : i32 to vector<16xi32>
          %add3A_360 = arith.addi %add3A_285, %add3A_359 : vector<16xi32>
          %scatter3A_361 = arith.constant 0 : i32
          %scatter3A_362 = tpu.memref_slice %arg9[%scan3A_209, %scatter3A_361] : memref<2x25600xf32, #tpu.memory_space<vmem>> -> memref<1x25600xf32, #tpu.memory_space<vmem>>
          %scatter3A_363 = tpu.memref_squeeze %scatter3A_362 : memref<1x25600xf32, #tpu.memory_space<vmem>> -> memref<25600xf32, #tpu.memory_space<vmem>>
          tpu.vector_store_idx %scatter3A_363[%add3A_360], %gather3A_357 : memref<25600xf32, #tpu.memory_space<vmem>>[vector<16xi32>], vector<16xf32>,
          %mul3A_364 = arith.constant 4 : i32
          %mul3A_365 = arith.muli %scan3A_250, %mul3A_364 : i32
          %add3A_366 = arith.constant 1 : i32
          %add3A_367 = arith.addi %mul3A_365, %add3A_366 : i32
          %mul3A_368 = arith.constant 16 : i32
          %mul3A_369 = arith.muli %add3A_367, %mul3A_368 : i32
          %get3A_370 = arith.constant 0 : i32
          %get3A_371 = tpu.memref_slice %arg8[%scan3A_208, %get3A_370] : memref<2x3200xf32, #tpu.memory_space<vmem>> -> memref<1x3200xf32, #tpu.memory_space<vmem>>
          %get3A_372 = tpu.memref_squeeze %get3A_371 : memref<1x3200xf32, #tpu.memory_space<vmem>> -> memref<3200xf32, #tpu.memory_space<vmem>>
          %get3A_373 = arith.index_cast %mul3A_369 : i32 to index
          %get3A_374 = tpu.vector_load %get3A_372[%get3A_373] {strides = array<i32>} : memref<3200xf32, #tpu.memory_space<vmem>>, vector<16xf32>,
          %min3A_375 = arith.minimumf %get3A_374, %get3A_3 : vector<16xf32>
          %mul3A_376 = arith.mulf %min3A_375, %get3A_7 : vector<16xf32>
          %convert_element_type3A_377 = arith.fptosi %mul3A_376 : vector<16xf32> to vector<16xi32>
          %convert_element_type3A_378 = arith.sitofp %convert_element_type3A_377 : vector<16xi32> to vector<16xf32>
          %lt3A_379 = arith.cmpf olt, %convert_element_type3A_378, %mul3A_376 : vector<16xf32>
          %add3A_380 = arith.constant 1 : i32
          %add3A_381 = vector.broadcast %add3A_380 : i32 to vector<16xi32>
          %add3A_382 = arith.addi %convert_element_type3A_377, %add3A_381 : vector<16xi32>
          %select_n3A_383 = arith.select %lt3A_379, %add3A_382, %convert_element_type3A_377 : vector<16xi1>, vector<16xi32>
          %max3A_384 = arith.constant 0 : i32
          %max3A_385 = vector.broadcast %max3A_384 : i32 to vector<16xi32>
          %max3A_386 = arith.maxsi %select_n3A_383, %max3A_385 : vector<16xi32>
          %min3A_387 = arith.constant 4999 : i32
          %min3A_388 = vector.broadcast %min3A_387 : i32 to vector<16xi32>
          %min3A_389 = arith.minsi %max3A_386, %min3A_388 : vector<16xi32>
          %shift_right_arithmetic3A_390 = arith.constant 3 : i32
          %shift_right_arithmetic3A_391 = arith.shrsi %add3A_367, %shift_right_arithmetic3A_390 : i32
          %mul3A_392 = arith.constant 1024 : i32
          %mul3A_393 = arith.muli %shift_right_arithmetic3A_391, %mul3A_392 : i32
          %and3A_394 = arith.constant 7 : i32
          %and3A_395 = arith.andi %add3A_367, %and3A_394 : i32
          %mul3A_396 = arith.constant 16 : i32
          %mul3A_397 = arith.muli %and3A_395, %mul3A_396 : i32
          %add3A_398 = arith.addi %mul3A_393, %mul3A_397 : i32
          %add3A_399 = vector.broadcast %add3A_398 : i32 to vector<16xi32>
          %add3A_400 = arith.addi %add3A_399, %iota3A : vector<16xi32>
          %add3A_401 = arith.constant 0 : i32
          %add3A_402 = vector.broadcast %add3A_401 : i32 to vector<16xi32>
          %add3A_403 = arith.addi %min3A_389, %add3A_402 : vector<16xi32>
          %gather3A_404 = tpu.vector_load_idx %arg7[%add3A_403] : memref<40064xf32, #tpu.memory_space<vmem>>[vector<16xi32>], vector<16xf32>,
          %add3A_405 = arith.constant 0 : i32
          %add3A_406 = vector.broadcast %add3A_405 : i32 to vector<16xi32>
          %add3A_407 = arith.addi %add3A_400, %add3A_406 : vector<16xi32>
          %scatter3A_408 = arith.constant 0 : i32
          %scatter3A_409 = tpu.memref_slice %arg9[%scan3A_209, %scatter3A_408] : memref<2x25600xf32, #tpu.memory_space<vmem>> -> memref<1x25600xf32, #tpu.memory_space<vmem>>
          %scatter3A_410 = tpu.memref_squeeze %scatter3A_409 : memref<1x25600xf32, #tpu.memory_space<vmem>> -> memref<25600xf32, #tpu.memory_space<vmem>>
          tpu.vector_store_idx %scatter3A_410[%add3A_407], %gather3A_404 : memref<25600xf32, #tpu.memory_space<vmem>>[vector<16xi32>], vector<16xf32>,
          %add3A_411 = arith.constant 5008 : i32
          %add3A_412 = vector.broadcast %add3A_411 : i32 to vector<16xi32>
          %add3A_413 = arith.addi %min3A_389, %add3A_412 : vector<16xi32>
          %gather3A_414 = tpu.vector_load_idx %arg7[%add3A_413] : memref<40064xf32, #tpu.memory_space<vmem>>[vector<16xi32>], vector<16xf32>,
          %add3A_415 = arith.constant 128 : i32
          %add3A_416 = vector.broadcast %add3A_415 : i32 to vector<16xi32>
          %add3A_417 = arith.addi %add3A_400, %add3A_416 : vector<16xi32>
          %scatter3A_418 = arith.constant 0 : i32
          %scatter3A_419 = tpu.memref_slice %arg9[%scan3A_209, %scatter3A_418] : memref<2x25600xf32, #tpu.memory_space<vmem>> -> memref<1x25600xf32, #tpu.memory_space<vmem>>
          %scatter3A_420 = tpu.memref_squeeze %scatter3A_419 : memref<1x25600xf32, #tpu.memory_space<vmem>> -> memref<25600xf32, #tpu.memory_space<vmem>>
          tpu.vector_store_idx %scatter3A_420[%add3A_417], %gather3A_414 : memref<25600xf32, #tpu.memory_space<vmem>>[vector<16xi32>], vector<16xf32>,
          %add3A_421 = arith.constant 10016 : i32
          %add3A_422 = vector.broadcast %add3A_421 : i32 to vector<16xi32>
          %add3A_423 = arith.addi %min3A_389, %add3A_422 : vector<16xi32>
          %gather3A_424 = tpu.vector_load_idx %arg7[%add3A_423] : memref<40064xf32, #tpu.memory_space<vmem>>[vector<16xi32>], vector<16xf32>,
          %add3A_425 = arith.constant 256 : i32
          %add3A_426 = vector.broadcast %add3A_425 : i32 to vector<16xi32>
          %add3A_427 = arith.addi %add3A_400, %add3A_426 : vector<16xi32>
          %scatter3A_428 = arith.constant 0 : i32
          %scatter3A_429 = tpu.memref_slice %arg9[%scan3A_209, %scatter3A_428] : memref<2x25600xf32, #tpu.memory_space<vmem>> -> memref<1x25600xf32, #tpu.memory_space<vmem>>
          %scatter3A_430 = tpu.memref_squeeze %scatter3A_429 : memref<1x25600xf32, #tpu.memory_space<vmem>> -> memref<25600xf32, #tpu.memory_space<vmem>>
          tpu.vector_store_idx %scatter3A_430[%add3A_427], %gather3A_424 : memref<25600xf32, #tpu.memory_space<vmem>>[vector<16xi32>], vector<16xf32>,
          %add3A_431 = arith.constant 15024 : i32
          %add3A_432 = vector.broadcast %add3A_431 : i32 to vector<16xi32>
          %add3A_433 = arith.addi %min3A_389, %add3A_432 : vector<16xi32>
          %gather3A_434 = tpu.vector_load_idx %arg7[%add3A_433] : memref<40064xf32, #tpu.memory_space<vmem>>[vector<16xi32>], vector<16xf32>,
          %add3A_435 = arith.constant 384 : i32
          %add3A_436 = vector.broadcast %add3A_435 : i32 to vector<16xi32>
          %add3A_437 = arith.addi %add3A_400, %add3A_436 : vector<16xi32>
          %scatter3A_438 = arith.constant 0 : i32
          %scatter3A_439 = tpu.memref_slice %arg9[%scan3A_209, %scatter3A_438] : memref<2x25600xf32, #tpu.memory_space<vmem>> -> memref<1x25600xf32, #tpu.memory_space<vmem>>
          %scatter3A_440 = tpu.memref_squeeze %scatter3A_439 : memref<1x25600xf32, #tpu.memory_space<vmem>> -> memref<25600xf32, #tpu.memory_space<vmem>>
          tpu.vector_store_idx %scatter3A_440[%add3A_437], %gather3A_434 : memref<25600xf32, #tpu.memory_space<vmem>>[vector<16xi32>], vector<16xf32>,
          %add3A_441 = arith.constant 20032 : i32
          %add3A_442 = vector.broadcast %add3A_441 : i32 to vector<16xi32>
          %add3A_443 = arith.addi %min3A_389, %add3A_442 : vector<16xi32>
          %gather3A_444 = tpu.vector_load_idx %arg7[%add3A_443] : memref<40064xf32, #tpu.memory_space<vmem>>[vector<16xi32>], vector<16xf32>,
          %add3A_445 = arith.constant 512 : i32
          %add3A_446 = vector.broadcast %add3A_445 : i32 to vector<16xi32>
          %add3A_447 = arith.addi %add3A_400, %add3A_446 : vector<16xi32>
          %scatter3A_448 = arith.constant 0 : i32
          %scatter3A_449 = tpu.memref_slice %arg9[%scan3A_209, %scatter3A_448] : memref<2x25600xf32, #tpu.memory_space<vmem>> -> memref<1x25600xf32, #tpu.memory_space<vmem>>
          %scatter3A_450 = tpu.memref_squeeze %scatter3A_449 : memref<1x25600xf32, #tpu.memory_space<vmem>> -> memref<25600xf32, #tpu.memory_space<vmem>>
          tpu.vector_store_idx %scatter3A_450[%add3A_447], %gather3A_444 : memref<25600xf32, #tpu.memory_space<vmem>>[vector<16xi32>], vector<16xf32>,
          %add3A_451 = arith.constant 25040 : i32
          %add3A_452 = vector.broadcast %add3A_451 : i32 to vector<16xi32>
          %add3A_453 = arith.addi %min3A_389, %add3A_452 : vector<16xi32>
          %gather3A_454 = tpu.vector_load_idx %arg7[%add3A_453] : memref<40064xf32, #tpu.memory_space<vmem>>[vector<16xi32>], vector<16xf32>,
          %add3A_455 = arith.constant 640 : i32
          %add3A_456 = vector.broadcast %add3A_455 : i32 to vector<16xi32>
          %add3A_457 = arith.addi %add3A_400, %add3A_456 : vector<16xi32>
          %scatter3A_458 = arith.constant 0 : i32
          %scatter3A_459 = tpu.memref_slice %arg9[%scan3A_209, %scatter3A_458] : memref<2x25600xf32, #tpu.memory_space<vmem>> -> memref<1x25600xf32, #tpu.memory_space<vmem>>
          %scatter3A_460 = tpu.memref_squeeze %scatter3A_459 : memref<1x25600xf32, #tpu.memory_space<vmem>> -> memref<25600xf32, #tpu.memory_space<vmem>>
          tpu.vector_store_idx %scatter3A_460[%add3A_457], %gather3A_454 : memref<25600xf32, #tpu.memory_space<vmem>>[vector<16xi32>], vector<16xf32>,
          %add3A_461 = arith.constant 30048 : i32
          %add3A_462 = vector.broadcast %add3A_461 : i32 to vector<16xi32>
          %add3A_463 = arith.addi %min3A_389, %add3A_462 : vector<16xi32>
          %gather3A_464 = tpu.vector_load_idx %arg7[%add3A_463] : memref<40064xf32, #tpu.memory_space<vmem>>[vector<16xi32>], vector<16xf32>,
          %add3A_465 = arith.constant 768 : i32
          %add3A_466 = vector.broadcast %add3A_465 : i32 to vector<16xi32>
          %add3A_467 = arith.addi %add3A_400, %add3A_466 : vector<16xi32>
          %scatter3A_468 = arith.constant 0 : i32
          %scatter3A_469 = tpu.memref_slice %arg9[%scan3A_209, %scatter3A_468] : memref<2x25600xf32, #tpu.memory_space<vmem>> -> memref<1x25600xf32, #tpu.memory_space<vmem>>
          %scatter3A_470 = tpu.memref_squeeze %scatter3A_469 : memref<1x25600xf32, #tpu.memory_space<vmem>> -> memref<25600xf32, #tpu.memory_space<vmem>>
          tpu.vector_store_idx %scatter3A_470[%add3A_467], %gather3A_464 : memref<25600xf32, #tpu.memory_space<vmem>>[vector<16xi32>], vector<16xf32>,
          %add3A_471 = arith.constant 35056 : i32
          %add3A_472 = vector.broadcast %add3A_471 : i32 to vector<16xi32>
          %add3A_473 = arith.addi %min3A_389, %add3A_472 : vector<16xi32>
          %gather3A_474 = tpu.vector_load_idx %arg7[%add3A_473] : memref<40064xf32, #tpu.memory_space<vmem>>[vector<16xi32>], vector<16xf32>,
          %add3A_475 = arith.constant 896 : i32
          %add3A_476 = vector.broadcast %add3A_475 : i32 to vector<16xi32>
          %add3A_477 = arith.addi %add3A_400, %add3A_476 : vector<16xi32>
          %scatter3A_478 = arith.constant 0 : i32
          %scatter3A_479 = tpu.memref_slice %arg9[%scan3A_209, %scatter3A_478] : memref<2x25600xf32, #tpu.memory_space<vmem>> -> memref<1x25600xf32, #tpu.memory_space<vmem>>
          %scatter3A_480 = tpu.memref_squeeze %scatter3A_479 : memref<1x25600xf32, #tpu.memory_space<vmem>> -> memref<25600xf32, #tpu.memory_space<vmem>>
          tpu.vector_store_idx %scatter3A_480[%add3A_477], %gather3A_474 : memref<25600xf32, #tpu.memory_space<vmem>>[vector<16xi32>], vector<16xf32>,
          %mul3A_481 = arith.constant 4 : i32
          %mul3A_482 = arith.muli %scan3A_250, %mul3A_481 : i32
          %add3A_483 = arith.constant 2 : i32
          %add3A_484 = arith.addi %mul3A_482, %add3A_483 : i32
          %mul3A_485 = arith.constant 16 : i32
          %mul3A_486 = arith.muli %add3A_484, %mul3A_485 : i32
          %get3A_487 = arith.constant 0 : i32
          %get3A_488 = tpu.memref_slice %arg8[%scan3A_208, %get3A_487] : memref<2x3200xf32, #tpu.memory_space<vmem>> -> memref<1x3200xf32, #tpu.memory_space<vmem>>
          %get3A_489 = tpu.memref_squeeze %get3A_488 : memref<1x3200xf32, #tpu.memory_space<vmem>> -> memref<3200xf32, #tpu.memory_space<vmem>>
          %get3A_490 = arith.index_cast %mul3A_486 : i32 to index
          %get3A_491 = tpu.vector_load %get3A_489[%get3A_490] {strides = array<i32>} : memref<3200xf32, #tpu.memory_space<vmem>>, vector<16xf32>,
          %min3A_492 = arith.minimumf %get3A_491, %get3A_3 : vector<16xf32>
          %mul3A_493 = arith.mulf %min3A_492, %get3A_7 : vector<16xf32>
          %convert_element_type3A_494 = arith.fptosi %mul3A_493 : vector<16xf32> to vector<16xi32>
          %convert_element_type3A_495 = arith.sitofp %convert_element_type3A_494 : vector<16xi32> to vector<16xf32>
          %lt3A_496 = arith.cmpf olt, %convert_element_type3A_495, %mul3A_493 : vector<16xf32>
          %add3A_497 = arith.constant 1 : i32
          %add3A_498 = vector.broadcast %add3A_497 : i32 to vector<16xi32>
          %add3A_499 = arith.addi %convert_element_type3A_494, %add3A_498 : vector<16xi32>
          %select_n3A_500 = arith.select %lt3A_496, %add3A_499, %convert_element_type3A_494 : vector<16xi1>, vector<16xi32>
          %max3A_501 = arith.constant 0 : i32
          %max3A_502 = vector.broadcast %max3A_501 : i32 to vector<16xi32>
          %max3A_503 = arith.maxsi %select_n3A_500, %max3A_502 : vector<16xi32>
          %min3A_504 = arith.constant 4999 : i32
          %min3A_505 = vector.broadcast %min3A_504 : i32 to vector<16xi32>
          %min3A_506 = arith.minsi %max3A_503, %min3A_505 : vector<16xi32>
          %shift_right_arithmetic3A_507 = arith.constant 3 : i32
          %shift_right_arithmetic3A_508 = arith.shrsi %add3A_484, %shift_right_arithmetic3A_507 : i32
          %mul3A_509 = arith.constant 1024 : i32
          %mul3A_510 = arith.muli %shift_right_arithmetic3A_508, %mul3A_509 : i32
          %and3A_511 = arith.constant 7 : i32
          %and3A_512 = arith.andi %add3A_484, %and3A_511 : i32
          %mul3A_513 = arith.constant 16 : i32
          %mul3A_514 = arith.muli %and3A_512, %mul3A_513 : i32
          %add3A_515 = arith.addi %mul3A_510, %mul3A_514 : i32
          %add3A_516 = vector.broadcast %add3A_515 : i32 to vector<16xi32>
          %add3A_517 = arith.addi %add3A_516, %iota3A : vector<16xi32>
          %add3A_518 = arith.constant 0 : i32
          %add3A_519 = vector.broadcast %add3A_518 : i32 to vector<16xi32>
          %add3A_520 = arith.addi %min3A_506, %add3A_519 : vector<16xi32>
          %gather3A_521 = tpu.vector_load_idx %arg7[%add3A_520] : memref<40064xf32, #tpu.memory_space<vmem>>[vector<16xi32>], vector<16xf32>,
          %add3A_522 = arith.constant 0 : i32
          %add3A_523 = vector.broadcast %add3A_522 : i32 to vector<16xi32>
          %add3A_524 = arith.addi %add3A_517, %add3A_523 : vector<16xi32>
          %scatter3A_525 = arith.constant 0 : i32
          %scatter3A_526 = tpu.memref_slice %arg9[%scan3A_209, %scatter3A_525] : memref<2x25600xf32, #tpu.memory_space<vmem>> -> memref<1x25600xf32, #tpu.memory_space<vmem>>
          %scatter3A_527 = tpu.memref_squeeze %scatter3A_526 : memref<1x25600xf32, #tpu.memory_space<vmem>> -> memref<25600xf32, #tpu.memory_space<vmem>>
          tpu.vector_store_idx %scatter3A_527[%add3A_524], %gather3A_521 : memref<25600xf32, #tpu.memory_space<vmem>>[vector<16xi32>], vector<16xf32>,
          %add3A_528 = arith.constant 5008 : i32
          %add3A_529 = vector.broadcast %add3A_528 : i32 to vector<16xi32>
          %add3A_530 = arith.addi %min3A_506, %add3A_529 : vector<16xi32>
          %gather3A_531 = tpu.vector_load_idx %arg7[%add3A_530] : memref<40064xf32, #tpu.memory_space<vmem>>[vector<16xi32>], vector<16xf32>,
          %add3A_532 = arith.constant 128 : i32
          %add3A_533 = vector.broadcast %add3A_532 : i32 to vector<16xi32>
          %add3A_534 = arith.addi %add3A_517, %add3A_533 : vector<16xi32>
          %scatter3A_535 = arith.constant 0 : i32
          %scatter3A_536 = tpu.memref_slice %arg9[%scan3A_209, %scatter3A_535] : memref<2x25600xf32, #tpu.memory_space<vmem>> -> memref<1x25600xf32, #tpu.memory_space<vmem>>
          %scatter3A_537 = tpu.memref_squeeze %scatter3A_536 : memref<1x25600xf32, #tpu.memory_space<vmem>> -> memref<25600xf32, #tpu.memory_space<vmem>>
          tpu.vector_store_idx %scatter3A_537[%add3A_534], %gather3A_531 : memref<25600xf32, #tpu.memory_space<vmem>>[vector<16xi32>], vector<16xf32>,
          %add3A_538 = arith.constant 10016 : i32
          %add3A_539 = vector.broadcast %add3A_538 : i32 to vector<16xi32>
          %add3A_540 = arith.addi %min3A_506, %add3A_539 : vector<16xi32>
          %gather3A_541 = tpu.vector_load_idx %arg7[%add3A_540] : memref<40064xf32, #tpu.memory_space<vmem>>[vector<16xi32>], vector<16xf32>,
          %add3A_542 = arith.constant 256 : i32
          %add3A_543 = vector.broadcast %add3A_542 : i32 to vector<16xi32>
          %add3A_544 = arith.addi %add3A_517, %add3A_543 : vector<16xi32>
          %scatter3A_545 = arith.constant 0 : i32
          %scatter3A_546 = tpu.memref_slice %arg9[%scan3A_209, %scatter3A_545] : memref<2x25600xf32, #tpu.memory_space<vmem>> -> memref<1x25600xf32, #tpu.memory_space<vmem>>
          %scatter3A_547 = tpu.memref_squeeze %scatter3A_546 : memref<1x25600xf32, #tpu.memory_space<vmem>> -> memref<25600xf32, #tpu.memory_space<vmem>>
          tpu.vector_store_idx %scatter3A_547[%add3A_544], %gather3A_541 : memref<25600xf32, #tpu.memory_space<vmem>>[vector<16xi32>], vector<16xf32>,
          %add3A_548 = arith.constant 15024 : i32
          %add3A_549 = vector.broadcast %add3A_548 : i32 to vector<16xi32>
          %add3A_550 = arith.addi %min3A_506, %add3A_549 : vector<16xi32>
          %gather3A_551 = tpu.vector_load_idx %arg7[%add3A_550] : memref<40064xf32, #tpu.memory_space<vmem>>[vector<16xi32>], vector<16xf32>,
          %add3A_552 = arith.constant 384 : i32
          %add3A_553 = vector.broadcast %add3A_552 : i32 to vector<16xi32>
          %add3A_554 = arith.addi %add3A_517, %add3A_553 : vector<16xi32>
          %scatter3A_555 = arith.constant 0 : i32
          %scatter3A_556 = tpu.memref_slice %arg9[%scan3A_209, %scatter3A_555] : memref<2x25600xf32, #tpu.memory_space<vmem>> -> memref<1x25600xf32, #tpu.memory_space<vmem>>
          %scatter3A_557 = tpu.memref_squeeze %scatter3A_556 : memref<1x25600xf32, #tpu.memory_space<vmem>> -> memref<25600xf32, #tpu.memory_space<vmem>>
          tpu.vector_store_idx %scatter3A_557[%add3A_554], %gather3A_551 : memref<25600xf32, #tpu.memory_space<vmem>>[vector<16xi32>], vector<16xf32>,
          %add3A_558 = arith.constant 20032 : i32
          %add3A_559 = vector.broadcast %add3A_558 : i32 to vector<16xi32>
          %add3A_560 = arith.addi %min3A_506, %add3A_559 : vector<16xi32>
          %gather3A_561 = tpu.vector_load_idx %arg7[%add3A_560] : memref<40064xf32, #tpu.memory_space<vmem>>[vector<16xi32>], vector<16xf32>,
          %add3A_562 = arith.constant 512 : i32
          %add3A_563 = vector.broadcast %add3A_562 : i32 to vector<16xi32>
          %add3A_564 = arith.addi %add3A_517, %add3A_563 : vector<16xi32>
          %scatter3A_565 = arith.constant 0 : i32
          %scatter3A_566 = tpu.memref_slice %arg9[%scan3A_209, %scatter3A_565] : memref<2x25600xf32, #tpu.memory_space<vmem>> -> memref<1x25600xf32, #tpu.memory_space<vmem>>
          %scatter3A_567 = tpu.memref_squeeze %scatter3A_566 : memref<1x25600xf32, #tpu.memory_space<vmem>> -> memref<25600xf32, #tpu.memory_space<vmem>>
          tpu.vector_store_idx %scatter3A_567[%add3A_564], %gather3A_561 : memref<25600xf32, #tpu.memory_space<vmem>>[vector<16xi32>], vector<16xf32>,
          %add3A_568 = arith.constant 25040 : i32
          %add3A_569 = vector.broadcast %add3A_568 : i32 to vector<16xi32>
          %add3A_570 = arith.addi %min3A_506, %add3A_569 : vector<16xi32>
          %gather3A_571 = tpu.vector_load_idx %arg7[%add3A_570] : memref<40064xf32, #tpu.memory_space<vmem>>[vector<16xi32>], vector<16xf32>,
          %add3A_572 = arith.constant 640 : i32
          %add3A_573 = vector.broadcast %add3A_572 : i32 to vector<16xi32>
          %add3A_574 = arith.addi %add3A_517, %add3A_573 : vector<16xi32>
          %scatter3A_575 = arith.constant 0 : i32
          %scatter3A_576 = tpu.memref_slice %arg9[%scan3A_209, %scatter3A_575] : memref<2x25600xf32, #tpu.memory_space<vmem>> -> memref<1x25600xf32, #tpu.memory_space<vmem>>
          %scatter3A_577 = tpu.memref_squeeze %scatter3A_576 : memref<1x25600xf32, #tpu.memory_space<vmem>> -> memref<25600xf32, #tpu.memory_space<vmem>>
          tpu.vector_store_idx %scatter3A_577[%add3A_574], %gather3A_571 : memref<25600xf32, #tpu.memory_space<vmem>>[vector<16xi32>], vector<16xf32>,
          %add3A_578 = arith.constant 30048 : i32
          %add3A_579 = vector.broadcast %add3A_578 : i32 to vector<16xi32>
          %add3A_580 = arith.addi %min3A_506, %add3A_579 : vector<16xi32>
          %gather3A_581 = tpu.vector_load_idx %arg7[%add3A_580] : memref<40064xf32, #tpu.memory_space<vmem>>[vector<16xi32>], vector<16xf32>,
          %add3A_582 = arith.constant 768 : i32
          %add3A_583 = vector.broadcast %add3A_582 : i32 to vector<16xi32>
          %add3A_584 = arith.addi %add3A_517, %add3A_583 : vector<16xi32>
          %scatter3A_585 = arith.constant 0 : i32
          %scatter3A_586 = tpu.memref_slice %arg9[%scan3A_209, %scatter3A_585] : memref<2x25600xf32, #tpu.memory_space<vmem>> -> memref<1x25600xf32, #tpu.memory_space<vmem>>
          %scatter3A_587 = tpu.memref_squeeze %scatter3A_586 : memref<1x25600xf32, #tpu.memory_space<vmem>> -> memref<25600xf32, #tpu.memory_space<vmem>>
          tpu.vector_store_idx %scatter3A_587[%add3A_584], %gather3A_581 : memref<25600xf32, #tpu.memory_space<vmem>>[vector<16xi32>], vector<16xf32>,
          %add3A_588 = arith.constant 35056 : i32
          %add3A_589 = vector.broadcast %add3A_588 : i32 to vector<16xi32>
          %add3A_590 = arith.addi %min3A_506, %add3A_589 : vector<16xi32>
          %gather3A_591 = tpu.vector_load_idx %arg7[%add3A_590] : memref<40064xf32, #tpu.memory_space<vmem>>[vector<16xi32>], vector<16xf32>,
          %add3A_592 = arith.constant 896 : i32
          %add3A_593 = vector.broadcast %add3A_592 : i32 to vector<16xi32>
          %add3A_594 = arith.addi %add3A_517, %add3A_593 : vector<16xi32>
          %scatter3A_595 = arith.constant 0 : i32
          %scatter3A_596 = tpu.memref_slice %arg9[%scan3A_209, %scatter3A_595] : memref<2x25600xf32, #tpu.memory_space<vmem>> -> memref<1x25600xf32, #tpu.memory_space<vmem>>
          %scatter3A_597 = tpu.memref_squeeze %scatter3A_596 : memref<1x25600xf32, #tpu.memory_space<vmem>> -> memref<25600xf32, #tpu.memory_space<vmem>>
          tpu.vector_store_idx %scatter3A_597[%add3A_594], %gather3A_591 : memref<25600xf32, #tpu.memory_space<vmem>>[vector<16xi32>], vector<16xf32>,
          %mul3A_598 = arith.constant 4 : i32
          %mul3A_599 = arith.muli %scan3A_250, %mul3A_598 : i32
          %add3A_600 = arith.constant 3 : i32
          %add3A_601 = arith.addi %mul3A_599, %add3A_600 : i32
          %mul3A_602 = arith.constant 16 : i32
          %mul3A_603 = arith.muli %add3A_601, %mul3A_602 : i32
          %get3A_604 = arith.constant 0 : i32
          %get3A_605 = tpu.memref_slice %arg8[%scan3A_208, %get3A_604] : memref<2x3200xf32, #tpu.memory_space<vmem>> -> memref<1x3200xf32, #tpu.memory_space<vmem>>
          %get3A_606 = tpu.memref_squeeze %get3A_605 : memref<1x3200xf32, #tpu.memory_space<vmem>> -> memref<3200xf32, #tpu.memory_space<vmem>>
          %get3A_607 = arith.index_cast %mul3A_603 : i32 to index
          %get3A_608 = tpu.vector_load %get3A_606[%get3A_607] {strides = array<i32>} : memref<3200xf32, #tpu.memory_space<vmem>>, vector<16xf32>,
          %min3A_609 = arith.minimumf %get3A_608, %get3A_3 : vector<16xf32>
          %mul3A_610 = arith.mulf %min3A_609, %get3A_7 : vector<16xf32>
          %convert_element_type3A_611 = arith.fptosi %mul3A_610 : vector<16xf32> to vector<16xi32>
          %convert_element_type3A_612 = arith.sitofp %convert_element_type3A_611 : vector<16xi32> to vector<16xf32>
          %lt3A_613 = arith.cmpf olt, %convert_element_type3A_612, %mul3A_610 : vector<16xf32>
          %add3A_614 = arith.constant 1 : i32
          %add3A_615 = vector.broadcast %add3A_614 : i32 to vector<16xi32>
          %add3A_616 = arith.addi %convert_element_type3A_611, %add3A_615 : vector<16xi32>
          %select_n3A_617 = arith.select %lt3A_613, %add3A_616, %convert_element_type3A_611 : vector<16xi1>, vector<16xi32>
          %max3A_618 = arith.constant 0 : i32
          %max3A_619 = vector.broadcast %max3A_618 : i32 to vector<16xi32>
          %max3A_620 = arith.maxsi %select_n3A_617, %max3A_619 : vector<16xi32>
          %min3A_621 = arith.constant 4999 : i32
          %min3A_622 = vector.broadcast %min3A_621 : i32 to vector<16xi32>
          %min3A_623 = arith.minsi %max3A_620, %min3A_622 : vector<16xi32>
          %shift_right_arithmetic3A_624 = arith.constant 3 : i32
          %shift_right_arithmetic3A_625 = arith.shrsi %add3A_601, %shift_right_arithmetic3A_624 : i32
          %mul3A_626 = arith.constant 1024 : i32
          %mul3A_627 = arith.muli %shift_right_arithmetic3A_625, %mul3A_626 : i32
          %and3A_628 = arith.constant 7 : i32
          %and3A_629 = arith.andi %add3A_601, %and3A_628 : i32
          %mul3A_630 = arith.constant 16 : i32
          %mul3A_631 = arith.muli %and3A_629, %mul3A_630 : i32
          %add3A_632 = arith.addi %mul3A_627, %mul3A_631 : i32
          %add3A_633 = vector.broadcast %add3A_632 : i32 to vector<16xi32>
          %add3A_634 = arith.addi %add3A_633, %iota3A : vector<16xi32>
          %add3A_635 = arith.constant 0 : i32
          %add3A_636 = vector.broadcast %add3A_635 : i32 to vector<16xi32>
          %add3A_637 = arith.addi %min3A_623, %add3A_636 : vector<16xi32>
          %gather3A_638 = tpu.vector_load_idx %arg7[%add3A_637] : memref<40064xf32, #tpu.memory_space<vmem>>[vector<16xi32>], vector<16xf32>,
          %add3A_639 = arith.constant 0 : i32
          %add3A_640 = vector.broadcast %add3A_639 : i32 to vector<16xi32>
          %add3A_641 = arith.addi %add3A_634, %add3A_640 : vector<16xi32>
          %scatter3A_642 = arith.constant 0 : i32
          %scatter3A_643 = tpu.memref_slice %arg9[%scan3A_209, %scatter3A_642] : memref<2x25600xf32, #tpu.memory_space<vmem>> -> memref<1x25600xf32, #tpu.memory_space<vmem>>
          %scatter3A_644 = tpu.memref_squeeze %scatter3A_643 : memref<1x25600xf32, #tpu.memory_space<vmem>> -> memref<25600xf32, #tpu.memory_space<vmem>>
          tpu.vector_store_idx %scatter3A_644[%add3A_641], %gather3A_638 : memref<25600xf32, #tpu.memory_space<vmem>>[vector<16xi32>], vector<16xf32>,
          %add3A_645 = arith.constant 5008 : i32
          %add3A_646 = vector.broadcast %add3A_645 : i32 to vector<16xi32>
          %add3A_647 = arith.addi %min3A_623, %add3A_646 : vector<16xi32>
          %gather3A_648 = tpu.vector_load_idx %arg7[%add3A_647] : memref<40064xf32, #tpu.memory_space<vmem>>[vector<16xi32>], vector<16xf32>,
          %add3A_649 = arith.constant 128 : i32
          %add3A_650 = vector.broadcast %add3A_649 : i32 to vector<16xi32>
          %add3A_651 = arith.addi %add3A_634, %add3A_650 : vector<16xi32>
          %scatter3A_652 = arith.constant 0 : i32
          %scatter3A_653 = tpu.memref_slice %arg9[%scan3A_209, %scatter3A_652] : memref<2x25600xf32, #tpu.memory_space<vmem>> -> memref<1x25600xf32, #tpu.memory_space<vmem>>
          %scatter3A_654 = tpu.memref_squeeze %scatter3A_653 : memref<1x25600xf32, #tpu.memory_space<vmem>> -> memref<25600xf32, #tpu.memory_space<vmem>>
          tpu.vector_store_idx %scatter3A_654[%add3A_651], %gather3A_648 : memref<25600xf32, #tpu.memory_space<vmem>>[vector<16xi32>], vector<16xf32>,
          %add3A_655 = arith.constant 10016 : i32
          %add3A_656 = vector.broadcast %add3A_655 : i32 to vector<16xi32>
          %add3A_657 = arith.addi %min3A_623, %add3A_656 : vector<16xi32>
          %gather3A_658 = tpu.vector_load_idx %arg7[%add3A_657] : memref<40064xf32, #tpu.memory_space<vmem>>[vector<16xi32>], vector<16xf32>,
          %add3A_659 = arith.constant 256 : i32
          %add3A_660 = vector.broadcast %add3A_659 : i32 to vector<16xi32>
          %add3A_661 = arith.addi %add3A_634, %add3A_660 : vector<16xi32>
          %scatter3A_662 = arith.constant 0 : i32
          %scatter3A_663 = tpu.memref_slice %arg9[%scan3A_209, %scatter3A_662] : memref<2x25600xf32, #tpu.memory_space<vmem>> -> memref<1x25600xf32, #tpu.memory_space<vmem>>
          %scatter3A_664 = tpu.memref_squeeze %scatter3A_663 : memref<1x25600xf32, #tpu.memory_space<vmem>> -> memref<25600xf32, #tpu.memory_space<vmem>>
          tpu.vector_store_idx %scatter3A_664[%add3A_661], %gather3A_658 : memref<25600xf32, #tpu.memory_space<vmem>>[vector<16xi32>], vector<16xf32>,
          %add3A_665 = arith.constant 15024 : i32
          %add3A_666 = vector.broadcast %add3A_665 : i32 to vector<16xi32>
          %add3A_667 = arith.addi %min3A_623, %add3A_666 : vector<16xi32>
          %gather3A_668 = tpu.vector_load_idx %arg7[%add3A_667] : memref<40064xf32, #tpu.memory_space<vmem>>[vector<16xi32>], vector<16xf32>,
          %add3A_669 = arith.constant 384 : i32
          %add3A_670 = vector.broadcast %add3A_669 : i32 to vector<16xi32>
          %add3A_671 = arith.addi %add3A_634, %add3A_670 : vector<16xi32>
          %scatter3A_672 = arith.constant 0 : i32
          %scatter3A_673 = tpu.memref_slice %arg9[%scan3A_209, %scatter3A_672] : memref<2x25600xf32, #tpu.memory_space<vmem>> -> memref<1x25600xf32, #tpu.memory_space<vmem>>
          %scatter3A_674 = tpu.memref_squeeze %scatter3A_673 : memref<1x25600xf32, #tpu.memory_space<vmem>> -> memref<25600xf32, #tpu.memory_space<vmem>>
          tpu.vector_store_idx %scatter3A_674[%add3A_671], %gather3A_668 : memref<25600xf32, #tpu.memory_space<vmem>>[vector<16xi32>], vector<16xf32>,
          %add3A_675 = arith.constant 20032 : i32
          %add3A_676 = vector.broadcast %add3A_675 : i32 to vector<16xi32>
          %add3A_677 = arith.addi %min3A_623, %add3A_676 : vector<16xi32>
          %gather3A_678 = tpu.vector_load_idx %arg7[%add3A_677] : memref<40064xf32, #tpu.memory_space<vmem>>[vector<16xi32>], vector<16xf32>,
          %add3A_679 = arith.constant 512 : i32
          %add3A_680 = vector.broadcast %add3A_679 : i32 to vector<16xi32>
          %add3A_681 = arith.addi %add3A_634, %add3A_680 : vector<16xi32>
          %scatter3A_682 = arith.constant 0 : i32
          %scatter3A_683 = tpu.memref_slice %arg9[%scan3A_209, %scatter3A_682] : memref<2x25600xf32, #tpu.memory_space<vmem>> -> memref<1x25600xf32, #tpu.memory_space<vmem>>
          %scatter3A_684 = tpu.memref_squeeze %scatter3A_683 : memref<1x25600xf32, #tpu.memory_space<vmem>> -> memref<25600xf32, #tpu.memory_space<vmem>>
          tpu.vector_store_idx %scatter3A_684[%add3A_681], %gather3A_678 : memref<25600xf32, #tpu.memory_space<vmem>>[vector<16xi32>], vector<16xf32>,
          %add3A_685 = arith.constant 25040 : i32
          %add3A_686 = vector.broadcast %add3A_685 : i32 to vector<16xi32>
          %add3A_687 = arith.addi %min3A_623, %add3A_686 : vector<16xi32>
          %gather3A_688 = tpu.vector_load_idx %arg7[%add3A_687] : memref<40064xf32, #tpu.memory_space<vmem>>[vector<16xi32>], vector<16xf32>,
          %add3A_689 = arith.constant 640 : i32
          %add3A_690 = vector.broadcast %add3A_689 : i32 to vector<16xi32>
          %add3A_691 = arith.addi %add3A_634, %add3A_690 : vector<16xi32>
          %scatter3A_692 = arith.constant 0 : i32
          %scatter3A_693 = tpu.memref_slice %arg9[%scan3A_209, %scatter3A_692] : memref<2x25600xf32, #tpu.memory_space<vmem>> -> memref<1x25600xf32, #tpu.memory_space<vmem>>
          %scatter3A_694 = tpu.memref_squeeze %scatter3A_693 : memref<1x25600xf32, #tpu.memory_space<vmem>> -> memref<25600xf32, #tpu.memory_space<vmem>>
          tpu.vector_store_idx %scatter3A_694[%add3A_691], %gather3A_688 : memref<25600xf32, #tpu.memory_space<vmem>>[vector<16xi32>], vector<16xf32>,
          %add3A_695 = arith.constant 30048 : i32
          %add3A_696 = vector.broadcast %add3A_695 : i32 to vector<16xi32>
          %add3A_697 = arith.addi %min3A_623, %add3A_696 : vector<16xi32>
          %gather3A_698 = tpu.vector_load_idx %arg7[%add3A_697] : memref<40064xf32, #tpu.memory_space<vmem>>[vector<16xi32>], vector<16xf32>,
          %add3A_699 = arith.constant 768 : i32
          %add3A_700 = vector.broadcast %add3A_699 : i32 to vector<16xi32>
          %add3A_701 = arith.addi %add3A_634, %add3A_700 : vector<16xi32>
          %scatter3A_702 = arith.constant 0 : i32
          %scatter3A_703 = tpu.memref_slice %arg9[%scan3A_209, %scatter3A_702] : memref<2x25600xf32, #tpu.memory_space<vmem>> -> memref<1x25600xf32, #tpu.memory_space<vmem>>
          %scatter3A_704 = tpu.memref_squeeze %scatter3A_703 : memref<1x25600xf32, #tpu.memory_space<vmem>> -> memref<25600xf32, #tpu.memory_space<vmem>>
          tpu.vector_store_idx %scatter3A_704[%add3A_701], %gather3A_698 : memref<25600xf32, #tpu.memory_space<vmem>>[vector<16xi32>], vector<16xf32>,
          %add3A_705 = arith.constant 35056 : i32
          %add3A_706 = vector.broadcast %add3A_705 : i32 to vector<16xi32>
          %add3A_707 = arith.addi %min3A_623, %add3A_706 : vector<16xi32>
          %gather3A_708 = tpu.vector_load_idx %arg7[%add3A_707] : memref<40064xf32, #tpu.memory_space<vmem>>[vector<16xi32>], vector<16xf32>,
          %add3A_709 = arith.constant 896 : i32
          %add3A_710 = vector.broadcast %add3A_709 : i32 to vector<16xi32>
          %add3A_711 = arith.addi %add3A_634, %add3A_710 : vector<16xi32>
          %scatter3A_712 = arith.constant 0 : i32
          %scatter3A_713 = tpu.memref_slice %arg9[%scan3A_209, %scatter3A_712] : memref<2x25600xf32, #tpu.memory_space<vmem>> -> memref<1x25600xf32, #tpu.memory_space<vmem>>
          %scatter3A_714 = tpu.memref_squeeze %scatter3A_713 : memref<1x25600xf32, #tpu.memory_space<vmem>> -> memref<25600xf32, #tpu.memory_space<vmem>>
          tpu.vector_store_idx %scatter3A_714[%add3A_711], %gather3A_708 : memref<25600xf32, #tpu.memory_space<vmem>>[vector<16xi32>], vector<16xf32>,
          %scan3A_715 = arith.constant 0 : i32
          scf.yield %scan3A_715 : i32
        }
        %scan3A_216 = arith.constant 50 : i32
        %mul3A_217 = arith.constant 8 : i32
        %mul3A_218 = arith.muli %mul3A_188, %mul3A_217 : i32
        %add3A_219 = arith.constant 0 : i32
        %add3A_220 = arith.addi %mul3A_218, %add3A_219 : i32
        %dma_start3A = arith.constant 1 : i32
        %dma_start3A_221 = arith.constant 0 : i32
        %dma_start3A_222 = tpu.memref_slice %arg9[%dma_start3A, %dma_start3A_221] : memref<2x25600xf32, #tpu.memory_space<vmem>> -> memref<1x25600xf32, #tpu.memory_space<vmem>>
        %dma_start3A_223 = tpu.memref_squeeze %dma_start3A_222 : memref<1x25600xf32, #tpu.memory_space<vmem>> -> memref<25600xf32, #tpu.memory_space<vmem>>
        %dma_start3A_224 = arith.constant 0 : i32
        %dma_start3A_225 = tpu.memref_slice %dma_start3A_223[%dma_start3A_224] : memref<25600xf32, #tpu.memory_space<vmem>> -> memref<12800xf32, #tpu.memory_space<vmem>>
        %dma_start3A_226 = tpu.memref_slice %arg6[%add3A_220] : memref<51200000xf32, #tpu.memory_space<hbm>> -> memref<12800xf32, #tpu.memory_space<hbm>>
        %dma_start3A_227 = tpu.memref_slice %arg6[%add3A_220] : memref<51200000xf32, #tpu.memory_space<hbm>> -> memref<12800xf32, #tpu.memory_space<hbm>>
        %dma_start3A_228 = arith.constant 0 : i32
        %dma_start3A_229 = tpu.memref_slice %arg9[%dma_start3A, %dma_start3A_228] : memref<2x25600xf32, #tpu.memory_space<vmem>> -> memref<1x25600xf32, #tpu.memory_space<vmem>>
        %dma_start3A_230 = tpu.memref_squeeze %dma_start3A_229 : memref<1x25600xf32, #tpu.memory_space<vmem>> -> memref<25600xf32, #tpu.memory_space<vmem>>
        %dma_start3A_231 = arith.constant 0 : i32
        %dma_start3A_232 = tpu.memref_slice %dma_start3A_230[%dma_start3A_231] : memref<25600xf32, #tpu.memory_space<vmem>> -> memref<12800xf32, #tpu.memory_space<vmem>>
        tpu.enqueue_dma source(%dma_start3A_232 : memref<12800xf32, #tpu.memory_space<vmem>>) target(%dma_start3A_227 : memref<12800xf32, #tpu.memory_space<hbm>>) target_semaphore(%arg14 : memref<!tpu.dma_semaphore, #tpu.memory_space<semaphore_mem>>)
        %mul3A_233 = arith.constant 8 : i32
        %mul3A_234 = arith.muli %mul3A_188, %mul3A_233 : i32
        %add3A_235 = arith.constant 12800 : i32
        %add3A_236 = arith.addi %mul3A_234, %add3A_235 : i32
        %dma_start3A_237 = arith.constant 1 : i32
        %dma_start3A_238 = arith.constant 0 : i32
        %dma_start3A_239 = tpu.memref_slice %arg9[%dma_start3A_237, %dma_start3A_238] : memref<2x25600xf32, #tpu.memory_space<vmem>> -> memref<1x25600xf32, #tpu.memory_space<vmem>>
        %dma_start3A_240 = tpu.memref_squeeze %dma_start3A_239 : memref<1x25600xf32, #tpu.memory_space<vmem>> -> memref<25600xf32, #tpu.memory_space<vmem>>
        %dma_start3A_241 = arith.constant 12800 : i32
        %dma_start3A_242 = tpu.memref_slice %dma_start3A_240[%dma_start3A_241] : memref<25600xf32, #tpu.memory_space<vmem>> -> memref<12800xf32, #tpu.memory_space<vmem>>
        %dma_start3A_243 = tpu.memref_slice %arg6[%add3A_236] : memref<51200000xf32, #tpu.memory_space<hbm>> -> memref<12800xf32, #tpu.memory_space<hbm>>
        %dma_start3A_244 = tpu.memref_slice %arg6[%add3A_236] : memref<51200000xf32, #tpu.memory_space<hbm>> -> memref<12800xf32, #tpu.memory_space<hbm>>
        %dma_start3A_245 = arith.constant 0 : i32
        %dma_start3A_246 = tpu.memref_slice %arg9[%dma_start3A_237, %dma_start3A_245] : memref<2x25600xf32, #tpu.memory_space<vmem>> -> memref<1x25600xf32, #tpu.memory_space<vmem>>
        %dma_start3A_247 = tpu.memref_squeeze %dma_start3A_246 : memref<1x25600xf32, #tpu.memory_space<vmem>> -> memref<25600xf32, #tpu.memory_space<vmem>>
        %dma_start3A_248 = arith.constant 12800 : i32
        %dma_start3A_249 = tpu.memref_slice %dma_start3A_247[%dma_start3A_248] : memref<25600xf32, #tpu.memory_space<vmem>> -> memref<12800xf32, #tpu.memory_space<vmem>>
        tpu.enqueue_dma source(%dma_start3A_249 : memref<12800xf32, #tpu.memory_space<vmem>>) target(%dma_start3A_244 : memref<12800xf32, #tpu.memory_space<hbm>>) target_semaphore(%arg15 : memref<!tpu.dma_semaphore, #tpu.memory_space<semaphore_mem>>)
      } else {
      }
      %while3A_183 = arith.constant 0 : i32
      scf.yield %while3A_183 : i32
    }
    %while3A_154 = arith.constant 1 : i32
    %while3A_155 = scf.for %while3A_166 = %while3A_151 to %while3A_147 step %while3A_154 iter_args(%while3A_167 = %while3A_153) -> (i32)  : i32 {
      %mul3A_168 = arith.constant 2 : i32
      %mul3A_169 = arith.muli %while3A_166, %mul3A_168 : i32
      %add3A_170 = arith.constant 0 : i32
      %add3A_171 = arith.addi %mul3A_169, %add3A_170 : i32
      %lt3A = arith.cmpi slt, %add3A_171, %select_n3A : i32
      %convert_element_type3A_172 = arith.extui %lt3A : i1 to i32
      %cond3A_173 = arith.constant 0 : i32
      %cond3A_174 = arith.cmpi ne, %convert_element_type3A_172, %cond3A_173 : i32
      scf.if %cond3A_174 {
        %mul3A_184 = arith.constant 32 : i32
        %mul3A_185 = arith.muli %add3A_171, %mul3A_184 : i32
        %add3A_186 = arith.addi %add3A, %mul3A_185 : i32
        %mul3A_187 = arith.constant 3200 : i32
        %mul3A_188 = arith.muli %add3A_186, %mul3A_187 : i32
        %add3A_189 = arith.constant 1 : i32
        %add3A_190 = arith.addi %add3A_171, %add3A_189 : i32
        %lt3A_191 = arith.cmpi slt, %add3A_190, %select_n3A : i32
        %convert_element_type3A_192 = arith.extui %lt3A_191 : i1 to i32
        %cond3A_193 = arith.constant 0 : i32
        %cond3A_194 = arith.cmpi ne, %convert_element_type3A_192, %cond3A_193 : i32
        scf.if %cond3A_194 {
          %add3A_250 = arith.constant 1 : i32
          %add3A_251 = arith.addi %add3A_171, %add3A_250 : i32
          %mul3A_252 = arith.constant 32 : i32
          %mul3A_253 = arith.muli %add3A_251, %mul3A_252 : i32
          %add3A_254 = arith.addi %add3A, %mul3A_253 : i32
          %mul3A_255 = arith.constant 3200 : i32
          %mul3A_256 = arith.muli %add3A_254, %mul3A_255 : i32
          %dma_start3A_257 = arith.constant 1 : i32
          %dma_start3A_258 = arith.constant 0 : i32
          %dma_start3A_259 = tpu.memref_slice %arg8[%dma_start3A_257, %dma_start3A_258] : memref<2x3200xf32, #tpu.memory_space<vmem>> -> memref<1x3200xf32, #tpu.memory_space<vmem>>
          %dma_start3A_260 = tpu.memref_squeeze %dma_start3A_259 : memref<1x3200xf32, #tpu.memory_space<vmem>> -> memref<3200xf32, #tpu.memory_space<vmem>>
          %dma_start3A_261 = tpu.memref_slice %arg2[%mul3A_256] : memref<6400000xf32, #tpu.memory_space<hbm>> -> memref<3200xf32, #tpu.memory_space<hbm>>
          %dma_start3A_262 = arith.constant 0 : i32
          %dma_start3A_263 = tpu.memref_slice %arg8[%dma_start3A_257, %dma_start3A_262] : memref<2x3200xf32, #tpu.memory_space<vmem>> -> memref<1x3200xf32, #tpu.memory_space<vmem>>
          %dma_start3A_264 = tpu.memref_squeeze %dma_start3A_263 : memref<1x3200xf32, #tpu.memory_space<vmem>> -> memref<3200xf32, #tpu.memory_space<vmem>>
          %dma_start3A_265 = tpu.memref_slice %arg2[%mul3A_256] : memref<6400000xf32, #tpu.memory_space<hbm>> -> memref<3200xf32, #tpu.memory_space<hbm>>
          tpu.enqueue_dma source(%dma_start3A_265 : memref<3200xf32, #tpu.memory_space<hbm>>) target(%dma_start3A_264 : memref<3200xf32, #tpu.memory_space<vmem>>) target_semaphore(%arg17 : memref<!tpu.dma_semaphore, #tpu.memory_space<semaphore_mem>>)
        } else {
        }
        %dma_wait3A = arith.constant 0 : i32
        %dma_wait3A_195 = arith.constant 0 : i32
        %dma_wait3A_196 = tpu.memref_slice %arg8[%dma_wait3A, %dma_wait3A_195] : memref<2x3200xf32, #tpu.memory_space<vmem>> -> memref<1x3200xf32, #tpu.memory_space<vmem>>
        %dma_wait3A_197 = tpu.memref_squeeze %dma_wait3A_196 : memref<1x3200xf32, #tpu.memory_space<vmem>> -> memref<3200xf32, #tpu.memory_space<vmem>>
        %dma_wait3A_198 = tpu.memref_slice %arg2[%mul3A_188] : memref<6400000xf32, #tpu.memory_space<hbm>> -> memref<3200xf32, #tpu.memory_space<hbm>>
        %dma_wait3A_199 = arith.constant 0 : i32
        %dma_wait3A_200 = tpu.memref_slice %arg8[%dma_wait3A, %dma_wait3A_199] : memref<2x3200xf32, #tpu.memory_space<vmem>> -> memref<1x3200xf32, #tpu.memory_space<vmem>>
        %dma_wait3A_201 = tpu.memref_squeeze %dma_wait3A_200 : memref<1x3200xf32, #tpu.memory_space<vmem>> -> memref<3200xf32, #tpu.memory_space<vmem>>
        %dma_wait3A_202 = tpu.memref_slice %arg2[%mul3A_188] : memref<6400000xf32, #tpu.memory_space<hbm>> -> memref<3200xf32, #tpu.memory_space<hbm>>
        tpu.wait_dma2 semaphore(%arg16 : memref<!tpu.dma_semaphore, #tpu.memory_space<semaphore_mem>>) src(%dma_wait3A_202 : memref<3200xf32, #tpu.memory_space<hbm>>) dst(%dma_wait3A_201 : memref<3200xf32, #tpu.memory_space<vmem>>)
        %ge3A = arith.constant 2 : i32
        %ge3A_203 = arith.cmpi sge, %add3A_171, %ge3A : i32
        %convert_element_type3A_204 = arith.extui %ge3A_203 : i1 to i32
        %cond3A_205 = arith.constant 0 : i32
        %cond3A_206 = arith.constant 0 : i32
        %cond3A_207 = arith.cmpi ne, %convert_element_type3A_204, %cond3A_206 : i32
        scf.if %cond3A_207 {
          %mul3A_250 = arith.constant 8 : i32
          %mul3A_251 = arith.muli %mul3A_188, %mul3A_250 : i32
          %add3A_252 = arith.constant 0 : i32
          %add3A_253 = arith.addi %mul3A_251, %add3A_252 : i32
          %dma_wait3A_254 = arith.constant 0 : i32
          %dma_wait3A_255 = tpu.memref_slice %arg9[%cond3A_205, %dma_wait3A_254] : memref<2x25600xf32, #tpu.memory_space<vmem>> -> memref<1x25600xf32, #tpu.memory_space<vmem>>
          %dma_wait3A_256 = tpu.memref_squeeze %dma_wait3A_255 : memref<1x25600xf32, #tpu.memory_space<vmem>> -> memref<25600xf32, #tpu.memory_space<vmem>>
          %dma_wait3A_257 = arith.constant 0 : i32
          %dma_wait3A_258 = tpu.memref_slice %dma_wait3A_256[%dma_wait3A_257] : memref<25600xf32, #tpu.memory_space<vmem>> -> memref<12800xf32, #tpu.memory_space<vmem>>
          %dma_wait3A_259 = tpu.memref_slice %arg6[%add3A_253] : memref<51200000xf32, #tpu.memory_space<hbm>> -> memref<12800xf32, #tpu.memory_space<hbm>>
          %dma_wait3A_260 = tpu.memref_slice %arg6[%add3A_253] : memref<51200000xf32, #tpu.memory_space<hbm>> -> memref<12800xf32, #tpu.memory_space<hbm>>
          %dma_wait3A_261 = arith.constant 0 : i32
          %dma_wait3A_262 = tpu.memref_slice %arg9[%cond3A_205, %dma_wait3A_261] : memref<2x25600xf32, #tpu.memory_space<vmem>> -> memref<1x25600xf32, #tpu.memory_space<vmem>>
          %dma_wait3A_263 = tpu.memref_squeeze %dma_wait3A_262 : memref<1x25600xf32, #tpu.memory_space<vmem>> -> memref<25600xf32, #tpu.memory_space<vmem>>
          %dma_wait3A_264 = arith.constant 0 : i32
          %dma_wait3A_265 = tpu.memref_slice %dma_wait3A_263[%dma_wait3A_264] : memref<25600xf32, #tpu.memory_space<vmem>> -> memref<12800xf32, #tpu.memory_space<vmem>>
          tpu.wait_dma2 semaphore(%arg12 : memref<!tpu.dma_semaphore, #tpu.memory_space<semaphore_mem>>) src(%dma_wait3A_265 : memref<12800xf32, #tpu.memory_space<vmem>>) dst(%dma_wait3A_260 : memref<12800xf32, #tpu.memory_space<hbm>>)
          %mul3A_266 = arith.constant 8 : i32
          %mul3A_267 = arith.muli %mul3A_188, %mul3A_266 : i32
          %add3A_268 = arith.constant 12800 : i32
          %add3A_269 = arith.addi %mul3A_267, %add3A_268 : i32
          %dma_wait3A_270 = arith.constant 0 : i32
          %dma_wait3A_271 = tpu.memref_slice %arg9[%cond3A_205, %dma_wait3A_270] : memref<2x25600xf32, #tpu.memory_space<vmem>> -> memref<1x25600xf32, #tpu.memory_space<vmem>>
          %dma_wait3A_272 = tpu.memref_squeeze %dma_wait3A_271 : memref<1x25600xf32, #tpu.memory_space<vmem>> -> memref<25600xf32, #tpu.memory_space<vmem>>
          %dma_wait3A_273 = arith.constant 12800 : i32
          %dma_wait3A_274 = tpu.memref_slice %dma_wait3A_272[%dma_wait3A_273] : memref<25600xf32, #tpu.memory_space<vmem>> -> memref<12800xf32, #tpu.memory_space<vmem>>
          %dma_wait3A_275 = tpu.memref_slice %arg6[%add3A_269] : memref<51200000xf32, #tpu.memory_space<hbm>> -> memref<12800xf32, #tpu.memory_space<hbm>>
          %dma_wait3A_276 = tpu.memref_slice %arg6[%add3A_269] : memref<51200000xf32, #tpu.memory_space<hbm>> -> memref<12800xf32, #tpu.memory_space<hbm>>
          %dma_wait3A_277 = arith.constant 0 : i32
          %dma_wait3A_278 = tpu.memref_slice %arg9[%cond3A_205, %dma_wait3A_277] : memref<2x25600xf32, #tpu.memory_space<vmem>> -> memref<1x25600xf32, #tpu.memory_space<vmem>>
          %dma_wait3A_279 = tpu.memref_squeeze %dma_wait3A_278 : memref<1x25600xf32, #tpu.memory_space<vmem>> -> memref<25600xf32, #tpu.memory_space<vmem>>
          %dma_wait3A_280 = arith.constant 12800 : i32
          %dma_wait3A_281 = tpu.memref_slice %dma_wait3A_279[%dma_wait3A_280] : memref<25600xf32, #tpu.memory_space<vmem>> -> memref<12800xf32, #tpu.memory_space<vmem>>
          tpu.wait_dma2 semaphore(%arg13 : memref<!tpu.dma_semaphore, #tpu.memory_space<semaphore_mem>>) src(%dma_wait3A_281 : memref<12800xf32, #tpu.memory_space<vmem>>) dst(%dma_wait3A_276 : memref<12800xf32, #tpu.memory_space<hbm>>)
        } else {
        }
        %scan3A_208 = arith.constant 0 : i32
        %scan3A_209 = arith.constant 0 : i32
        %scan3A_210 = arith.constant 0 : i32
        %scan3A_211 = arith.constant 0 : i32
        %scan3A_212 = arith.constant 50 : i32
        %scan3A_213 = arith.addi %scan3A_211, %scan3A_212 : i32
        %scan3A_214 = arith.constant 1 : i32
        %scan3A_215 = scf.for %scan3A_250 = %scan3A_211 to %scan3A_213 step %scan3A_214 iter_args(%scan3A_251 = %scan3A_210) -> (i32)  : i32 {
          %mul3A_252 = arith.constant 4 : i32
          %mul3A_253 = arith.muli %scan3A_250, %mul3A_252 : i32
          %add3A_254 = arith.constant 0 : i32
          %add3A_255 = arith.addi %mul3A_253, %add3A_254 : i32
          %mul3A_256 = arith.constant 16 : i32
          %mul3A_257 = arith.muli %add3A_255, %mul3A_256 : i32
          %get3A_258 = arith.constant 0 : i32
          %get3A_259 = tpu.memref_slice %arg8[%scan3A_208, %get3A_258] : memref<2x3200xf32, #tpu.memory_space<vmem>> -> memref<1x3200xf32, #tpu.memory_space<vmem>>
          %get3A_260 = tpu.memref_squeeze %get3A_259 : memref<1x3200xf32, #tpu.memory_space<vmem>> -> memref<3200xf32, #tpu.memory_space<vmem>>
          %get3A_261 = arith.index_cast %mul3A_257 : i32 to index
          %get3A_262 = tpu.vector_load %get3A_260[%get3A_261] {strides = array<i32>} : memref<3200xf32, #tpu.memory_space<vmem>>, vector<16xf32>,
          %min3A = arith.minimumf %get3A_262, %get3A_3 : vector<16xf32>
          %mul3A_263 = arith.mulf %min3A, %get3A_7 : vector<16xf32>
          %convert_element_type3A_264 = arith.fptosi %mul3A_263 : vector<16xf32> to vector<16xi32>
          %convert_element_type3A_265 = arith.sitofp %convert_element_type3A_264 : vector<16xi32> to vector<16xf32>
          %lt3A_266 = arith.cmpf olt, %convert_element_type3A_265, %mul3A_263 : vector<16xf32>
          %add3A_267 = arith.constant 1 : i32
          %add3A_268 = vector.broadcast %add3A_267 : i32 to vector<16xi32>
          %add3A_269 = arith.addi %convert_element_type3A_264, %add3A_268 : vector<16xi32>
          %select_n3A_270 = arith.select %lt3A_266, %add3A_269, %convert_element_type3A_264 : vector<16xi1>, vector<16xi32>
          %max3A = arith.constant 0 : i32
          %max3A_271 = vector.broadcast %max3A : i32 to vector<16xi32>
          %max3A_272 = arith.maxsi %select_n3A_270, %max3A_271 : vector<16xi32>
          %min3A_273 = arith.constant 4999 : i32
          %min3A_274 = vector.broadcast %min3A_273 : i32 to vector<16xi32>
          %min3A_275 = arith.minsi %max3A_272, %min3A_274 : vector<16xi32>
          %shift_right_arithmetic3A = arith.constant 3 : i32
          %shift_right_arithmetic3A_276 = arith.shrsi %add3A_255, %shift_right_arithmetic3A : i32
          %mul3A_277 = arith.constant 1024 : i32
          %mul3A_278 = arith.muli %shift_right_arithmetic3A_276, %mul3A_277 : i32
          %and3A_279 = arith.constant 7 : i32
          %and3A_280 = arith.andi %add3A_255, %and3A_279 : i32
          %mul3A_281 = arith.constant 16 : i32
          %mul3A_282 = arith.muli %and3A_280, %mul3A_281 : i32
          %add3A_283 = arith.addi %mul3A_278, %mul3A_282 : i32
          %add3A_284 = vector.broadcast %add3A_283 : i32 to vector<16xi32>
          %add3A_285 = arith.addi %add3A_284, %iota3A : vector<16xi32>
          %add3A_286 = arith.constant 0 : i32
          %add3A_287 = vector.broadcast %add3A_286 : i32 to vector<16xi32>
          %add3A_288 = arith.addi %min3A_275, %add3A_287 : vector<16xi32>
          %gather3A = tpu.vector_load_idx %arg7[%add3A_288] : memref<40064xf32, #tpu.memory_space<vmem>>[vector<16xi32>], vector<16xf32>,
          %add3A_289 = arith.constant 0 : i32
          %add3A_290 = vector.broadcast %add3A_289 : i32 to vector<16xi32>
          %add3A_291 = arith.addi %add3A_285, %add3A_290 : vector<16xi32>
          %scatter3A = arith.constant 0 : i32
          %scatter3A_292 = tpu.memref_slice %arg9[%scan3A_209, %scatter3A] : memref<2x25600xf32, #tpu.memory_space<vmem>> -> memref<1x25600xf32, #tpu.memory_space<vmem>>
          %scatter3A_293 = tpu.memref_squeeze %scatter3A_292 : memref<1x25600xf32, #tpu.memory_space<vmem>> -> memref<25600xf32, #tpu.memory_space<vmem>>
          tpu.vector_store_idx %scatter3A_293[%add3A_291], %gather3A : memref<25600xf32, #tpu.memory_space<vmem>>[vector<16xi32>], vector<16xf32>,
          %add3A_294 = arith.constant 5008 : i32
          %add3A_295 = vector.broadcast %add3A_294 : i32 to vector<16xi32>
          %add3A_296 = arith.addi %min3A_275, %add3A_295 : vector<16xi32>
          %gather3A_297 = tpu.vector_load_idx %arg7[%add3A_296] : memref<40064xf32, #tpu.memory_space<vmem>>[vector<16xi32>], vector<16xf32>,
          %add3A_298 = arith.constant 128 : i32
          %add3A_299 = vector.broadcast %add3A_298 : i32 to vector<16xi32>
          %add3A_300 = arith.addi %add3A_285, %add3A_299 : vector<16xi32>
          %scatter3A_301 = arith.constant 0 : i32
          %scatter3A_302 = tpu.memref_slice %arg9[%scan3A_209, %scatter3A_301] : memref<2x25600xf32, #tpu.memory_space<vmem>> -> memref<1x25600xf32, #tpu.memory_space<vmem>>
          %scatter3A_303 = tpu.memref_squeeze %scatter3A_302 : memref<1x25600xf32, #tpu.memory_space<vmem>> -> memref<25600xf32, #tpu.memory_space<vmem>>
          tpu.vector_store_idx %scatter3A_303[%add3A_300], %gather3A_297 : memref<25600xf32, #tpu.memory_space<vmem>>[vector<16xi32>], vector<16xf32>,
          %add3A_304 = arith.constant 10016 : i32
          %add3A_305 = vector.broadcast %add3A_304 : i32 to vector<16xi32>
          %add3A_306 = arith.addi %min3A_275, %add3A_305 : vector<16xi32>
          %gather3A_307 = tpu.vector_load_idx %arg7[%add3A_306] : memref<40064xf32, #tpu.memory_space<vmem>>[vector<16xi32>], vector<16xf32>,
          %add3A_308 = arith.constant 256 : i32
          %add3A_309 = vector.broadcast %add3A_308 : i32 to vector<16xi32>
          %add3A_310 = arith.addi %add3A_285, %add3A_309 : vector<16xi32>
          %scatter3A_311 = arith.constant 0 : i32
          %scatter3A_312 = tpu.memref_slice %arg9[%scan3A_209, %scatter3A_311] : memref<2x25600xf32, #tpu.memory_space<vmem>> -> memref<1x25600xf32, #tpu.memory_space<vmem>>
          %scatter3A_313 = tpu.memref_squeeze %scatter3A_312 : memref<1x25600xf32, #tpu.memory_space<vmem>> -> memref<25600xf32, #tpu.memory_space<vmem>>
          tpu.vector_store_idx %scatter3A_313[%add3A_310], %gather3A_307 : memref<25600xf32, #tpu.memory_space<vmem>>[vector<16xi32>], vector<16xf32>,
          %add3A_314 = arith.constant 15024 : i32
          %add3A_315 = vector.broadcast %add3A_314 : i32 to vector<16xi32>
          %add3A_316 = arith.addi %min3A_275, %add3A_315 : vector<16xi32>
          %gather3A_317 = tpu.vector_load_idx %arg7[%add3A_316] : memref<40064xf32, #tpu.memory_space<vmem>>[vector<16xi32>], vector<16xf32>,
          %add3A_318 = arith.constant 384 : i32
          %add3A_319 = vector.broadcast %add3A_318 : i32 to vector<16xi32>
          %add3A_320 = arith.addi %add3A_285, %add3A_319 : vector<16xi32>
          %scatter3A_321 = arith.constant 0 : i32
          %scatter3A_322 = tpu.memref_slice %arg9[%scan3A_209, %scatter3A_321] : memref<2x25600xf32, #tpu.memory_space<vmem>> -> memref<1x25600xf32, #tpu.memory_space<vmem>>
          %scatter3A_323 = tpu.memref_squeeze %scatter3A_322 : memref<1x25600xf32, #tpu.memory_space<vmem>> -> memref<25600xf32, #tpu.memory_space<vmem>>
          tpu.vector_store_idx %scatter3A_323[%add3A_320], %gather3A_317 : memref<25600xf32, #tpu.memory_space<vmem>>[vector<16xi32>], vector<16xf32>,
          %add3A_324 = arith.constant 20032 : i32
          %add3A_325 = vector.broadcast %add3A_324 : i32 to vector<16xi32>
          %add3A_326 = arith.addi %min3A_275, %add3A_325 : vector<16xi32>
          %gather3A_327 = tpu.vector_load_idx %arg7[%add3A_326] : memref<40064xf32, #tpu.memory_space<vmem>>[vector<16xi32>], vector<16xf32>,
          %add3A_328 = arith.constant 512 : i32
          %add3A_329 = vector.broadcast %add3A_328 : i32 to vector<16xi32>
          %add3A_330 = arith.addi %add3A_285, %add3A_329 : vector<16xi32>
          %scatter3A_331 = arith.constant 0 : i32
          %scatter3A_332 = tpu.memref_slice %arg9[%scan3A_209, %scatter3A_331] : memref<2x25600xf32, #tpu.memory_space<vmem>> -> memref<1x25600xf32, #tpu.memory_space<vmem>>
          %scatter3A_333 = tpu.memref_squeeze %scatter3A_332 : memref<1x25600xf32, #tpu.memory_space<vmem>> -> memref<25600xf32, #tpu.memory_space<vmem>>
          tpu.vector_store_idx %scatter3A_333[%add3A_330], %gather3A_327 : memref<25600xf32, #tpu.memory_space<vmem>>[vector<16xi32>], vector<16xf32>,
          %add3A_334 = arith.constant 25040 : i32
          %add3A_335 = vector.broadcast %add3A_334 : i32 to vector<16xi32>
          %add3A_336 = arith.addi %min3A_275, %add3A_335 : vector<16xi32>
          %gather3A_337 = tpu.vector_load_idx %arg7[%add3A_336] : memref<40064xf32, #tpu.memory_space<vmem>>[vector<16xi32>], vector<16xf32>,
          %add3A_338 = arith.constant 640 : i32
          %add3A_339 = vector.broadcast %add3A_338 : i32 to vector<16xi32>
          %add3A_340 = arith.addi %add3A_285, %add3A_339 : vector<16xi32>
          %scatter3A_341 = arith.constant 0 : i32
          %scatter3A_342 = tpu.memref_slice %arg9[%scan3A_209, %scatter3A_341] : memref<2x25600xf32, #tpu.memory_space<vmem>> -> memref<1x25600xf32, #tpu.memory_space<vmem>>
          %scatter3A_343 = tpu.memref_squeeze %scatter3A_342 : memref<1x25600xf32, #tpu.memory_space<vmem>> -> memref<25600xf32, #tpu.memory_space<vmem>>
          tpu.vector_store_idx %scatter3A_343[%add3A_340], %gather3A_337 : memref<25600xf32, #tpu.memory_space<vmem>>[vector<16xi32>], vector<16xf32>,
          %add3A_344 = arith.constant 30048 : i32
          %add3A_345 = vector.broadcast %add3A_344 : i32 to vector<16xi32>
          %add3A_346 = arith.addi %min3A_275, %add3A_345 : vector<16xi32>
          %gather3A_347 = tpu.vector_load_idx %arg7[%add3A_346] : memref<40064xf32, #tpu.memory_space<vmem>>[vector<16xi32>], vector<16xf32>,
          %add3A_348 = arith.constant 768 : i32
          %add3A_349 = vector.broadcast %add3A_348 : i32 to vector<16xi32>
          %add3A_350 = arith.addi %add3A_285, %add3A_349 : vector<16xi32>
          %scatter3A_351 = arith.constant 0 : i32
          %scatter3A_352 = tpu.memref_slice %arg9[%scan3A_209, %scatter3A_351] : memref<2x25600xf32, #tpu.memory_space<vmem>> -> memref<1x25600xf32, #tpu.memory_space<vmem>>
          %scatter3A_353 = tpu.memref_squeeze %scatter3A_352 : memref<1x25600xf32, #tpu.memory_space<vmem>> -> memref<25600xf32, #tpu.memory_space<vmem>>
          tpu.vector_store_idx %scatter3A_353[%add3A_350], %gather3A_347 : memref<25600xf32, #tpu.memory_space<vmem>>[vector<16xi32>], vector<16xf32>,
          %add3A_354 = arith.constant 35056 : i32
          %add3A_355 = vector.broadcast %add3A_354 : i32 to vector<16xi32>
          %add3A_356 = arith.addi %min3A_275, %add3A_355 : vector<16xi32>
          %gather3A_357 = tpu.vector_load_idx %arg7[%add3A_356] : memref<40064xf32, #tpu.memory_space<vmem>>[vector<16xi32>], vector<16xf32>,
          %add3A_358 = arith.constant 896 : i32
          %add3A_359 = vector.broadcast %add3A_358 : i32 to vector<16xi32>
          %add3A_360 = arith.addi %add3A_285, %add3A_359 : vector<16xi32>
          %scatter3A_361 = arith.constant 0 : i32
          %scatter3A_362 = tpu.memref_slice %arg9[%scan3A_209, %scatter3A_361] : memref<2x25600xf32, #tpu.memory_space<vmem>> -> memref<1x25600xf32, #tpu.memory_space<vmem>>
          %scatter3A_363 = tpu.memref_squeeze %scatter3A_362 : memref<1x25600xf32, #tpu.memory_space<vmem>> -> memref<25600xf32, #tpu.memory_space<vmem>>
          tpu.vector_store_idx %scatter3A_363[%add3A_360], %gather3A_357 : memref<25600xf32, #tpu.memory_space<vmem>>[vector<16xi32>], vector<16xf32>,
          %mul3A_364 = arith.constant 4 : i32
          %mul3A_365 = arith.muli %scan3A_250, %mul3A_364 : i32
          %add3A_366 = arith.constant 1 : i32
          %add3A_367 = arith.addi %mul3A_365, %add3A_366 : i32
          %mul3A_368 = arith.constant 16 : i32
          %mul3A_369 = arith.muli %add3A_367, %mul3A_368 : i32
          %get3A_370 = arith.constant 0 : i32
          %get3A_371 = tpu.memref_slice %arg8[%scan3A_208, %get3A_370] : memref<2x3200xf32, #tpu.memory_space<vmem>> -> memref<1x3200xf32, #tpu.memory_space<vmem>>
          %get3A_372 = tpu.memref_squeeze %get3A_371 : memref<1x3200xf32, #tpu.memory_space<vmem>> -> memref<3200xf32, #tpu.memory_space<vmem>>
          %get3A_373 = arith.index_cast %mul3A_369 : i32 to index
          %get3A_374 = tpu.vector_load %get3A_372[%get3A_373] {strides = array<i32>} : memref<3200xf32, #tpu.memory_space<vmem>>, vector<16xf32>,
          %min3A_375 = arith.minimumf %get3A_374, %get3A_3 : vector<16xf32>
          %mul3A_376 = arith.mulf %min3A_375, %get3A_7 : vector<16xf32>
          %convert_element_type3A_377 = arith.fptosi %mul3A_376 : vector<16xf32> to vector<16xi32>
          %convert_element_type3A_378 = arith.sitofp %convert_element_type3A_377 : vector<16xi32> to vector<16xf32>
          %lt3A_379 = arith.cmpf olt, %convert_element_type3A_378, %mul3A_376 : vector<16xf32>
          %add3A_380 = arith.constant 1 : i32
          %add3A_381 = vector.broadcast %add3A_380 : i32 to vector<16xi32>
          %add3A_382 = arith.addi %convert_element_type3A_377, %add3A_381 : vector<16xi32>
          %select_n3A_383 = arith.select %lt3A_379, %add3A_382, %convert_element_type3A_377 : vector<16xi1>, vector<16xi32>
          %max3A_384 = arith.constant 0 : i32
          %max3A_385 = vector.broadcast %max3A_384 : i32 to vector<16xi32>
          %max3A_386 = arith.maxsi %select_n3A_383, %max3A_385 : vector<16xi32>
          %min3A_387 = arith.constant 4999 : i32
          %min3A_388 = vector.broadcast %min3A_387 : i32 to vector<16xi32>
          %min3A_389 = arith.minsi %max3A_386, %min3A_388 : vector<16xi32>
          %shift_right_arithmetic3A_390 = arith.constant 3 : i32
          %shift_right_arithmetic3A_391 = arith.shrsi %add3A_367, %shift_right_arithmetic3A_390 : i32
          %mul3A_392 = arith.constant 1024 : i32
          %mul3A_393 = arith.muli %shift_right_arithmetic3A_391, %mul3A_392 : i32
          %and3A_394 = arith.constant 7 : i32
          %and3A_395 = arith.andi %add3A_367, %and3A_394 : i32
          %mul3A_396 = arith.constant 16 : i32
          %mul3A_397 = arith.muli %and3A_395, %mul3A_396 : i32
          %add3A_398 = arith.addi %mul3A_393, %mul3A_397 : i32
          %add3A_399 = vector.broadcast %add3A_398 : i32 to vector<16xi32>
          %add3A_400 = arith.addi %add3A_399, %iota3A : vector<16xi32>
          %add3A_401 = arith.constant 0 : i32
          %add3A_402 = vector.broadcast %add3A_401 : i32 to vector<16xi32>
          %add3A_403 = arith.addi %min3A_389, %add3A_402 : vector<16xi32>
          %gather3A_404 = tpu.vector_load_idx %arg7[%add3A_403] : memref<40064xf32, #tpu.memory_space<vmem>>[vector<16xi32>], vector<16xf32>,
          %add3A_405 = arith.constant 0 : i32
          %add3A_406 = vector.broadcast %add3A_405 : i32 to vector<16xi32>
          %add3A_407 = arith.addi %add3A_400, %add3A_406 : vector<16xi32>
          %scatter3A_408 = arith.constant 0 : i32
          %scatter3A_409 = tpu.memref_slice %arg9[%scan3A_209, %scatter3A_408] : memref<2x25600xf32, #tpu.memory_space<vmem>> -> memref<1x25600xf32, #tpu.memory_space<vmem>>
          %scatter3A_410 = tpu.memref_squeeze %scatter3A_409 : memref<1x25600xf32, #tpu.memory_space<vmem>> -> memref<25600xf32, #tpu.memory_space<vmem>>
          tpu.vector_store_idx %scatter3A_410[%add3A_407], %gather3A_404 : memref<25600xf32, #tpu.memory_space<vmem>>[vector<16xi32>], vector<16xf32>,
          %add3A_411 = arith.constant 5008 : i32
          %add3A_412 = vector.broadcast %add3A_411 : i32 to vector<16xi32>
          %add3A_413 = arith.addi %min3A_389, %add3A_412 : vector<16xi32>
          %gather3A_414 = tpu.vector_load_idx %arg7[%add3A_413] : memref<40064xf32, #tpu.memory_space<vmem>>[vector<16xi32>], vector<16xf32>,
          %add3A_415 = arith.constant 128 : i32
          %add3A_416 = vector.broadcast %add3A_415 : i32 to vector<16xi32>
          %add3A_417 = arith.addi %add3A_400, %add3A_416 : vector<16xi32>
          %scatter3A_418 = arith.constant 0 : i32
          %scatter3A_419 = tpu.memref_slice %arg9[%scan3A_209, %scatter3A_418] : memref<2x25600xf32, #tpu.memory_space<vmem>> -> memref<1x25600xf32, #tpu.memory_space<vmem>>
          %scatter3A_420 = tpu.memref_squeeze %scatter3A_419 : memref<1x25600xf32, #tpu.memory_space<vmem>> -> memref<25600xf32, #tpu.memory_space<vmem>>
          tpu.vector_store_idx %scatter3A_420[%add3A_417], %gather3A_414 : memref<25600xf32, #tpu.memory_space<vmem>>[vector<16xi32>], vector<16xf32>,
          %add3A_421 = arith.constant 10016 : i32
          %add3A_422 = vector.broadcast %add3A_421 : i32 to vector<16xi32>
          %add3A_423 = arith.addi %min3A_389, %add3A_422 : vector<16xi32>
          %gather3A_424 = tpu.vector_load_idx %arg7[%add3A_423] : memref<40064xf32, #tpu.memory_space<vmem>>[vector<16xi32>], vector<16xf32>,
          %add3A_425 = arith.constant 256 : i32
          %add3A_426 = vector.broadcast %add3A_425 : i32 to vector<16xi32>
          %add3A_427 = arith.addi %add3A_400, %add3A_426 : vector<16xi32>
          %scatter3A_428 = arith.constant 0 : i32
          %scatter3A_429 = tpu.memref_slice %arg9[%scan3A_209, %scatter3A_428] : memref<2x25600xf32, #tpu.memory_space<vmem>> -> memref<1x25600xf32, #tpu.memory_space<vmem>>
          %scatter3A_430 = tpu.memref_squeeze %scatter3A_429 : memref<1x25600xf32, #tpu.memory_space<vmem>> -> memref<25600xf32, #tpu.memory_space<vmem>>
          tpu.vector_store_idx %scatter3A_430[%add3A_427], %gather3A_424 : memref<25600xf32, #tpu.memory_space<vmem>>[vector<16xi32>], vector<16xf32>,
          %add3A_431 = arith.constant 15024 : i32
          %add3A_432 = vector.broadcast %add3A_431 : i32 to vector<16xi32>
          %add3A_433 = arith.addi %min3A_389, %add3A_432 : vector<16xi32>
          %gather3A_434 = tpu.vector_load_idx %arg7[%add3A_433] : memref<40064xf32, #tpu.memory_space<vmem>>[vector<16xi32>], vector<16xf32>,
          %add3A_435 = arith.constant 384 : i32
          %add3A_436 = vector.broadcast %add3A_435 : i32 to vector<16xi32>
          %add3A_437 = arith.addi %add3A_400, %add3A_436 : vector<16xi32>
          %scatter3A_438 = arith.constant 0 : i32
          %scatter3A_439 = tpu.memref_slice %arg9[%scan3A_209, %scatter3A_438] : memref<2x25600xf32, #tpu.memory_space<vmem>> -> memref<1x25600xf32, #tpu.memory_space<vmem>>
          %scatter3A_440 = tpu.memref_squeeze %scatter3A_439 : memref<1x25600xf32, #tpu.memory_space<vmem>> -> memref<25600xf32, #tpu.memory_space<vmem>>
          tpu.vector_store_idx %scatter3A_440[%add3A_437], %gather3A_434 : memref<25600xf32, #tpu.memory_space<vmem>>[vector<16xi32>], vector<16xf32>,
          %add3A_441 = arith.constant 20032 : i32
          %add3A_442 = vector.broadcast %add3A_441 : i32 to vector<16xi32>
          %add3A_443 = arith.addi %min3A_389, %add3A_442 : vector<16xi32>
          %gather3A_444 = tpu.vector_load_idx %arg7[%add3A_443] : memref<40064xf32, #tpu.memory_space<vmem>>[vector<16xi32>], vector<16xf32>,
          %add3A_445 = arith.constant 512 : i32
          %add3A_446 = vector.broadcast %add3A_445 : i32 to vector<16xi32>
          %add3A_447 = arith.addi %add3A_400, %add3A_446 : vector<16xi32>
          %scatter3A_448 = arith.constant 0 : i32
          %scatter3A_449 = tpu.memref_slice %arg9[%scan3A_209, %scatter3A_448] : memref<2x25600xf32, #tpu.memory_space<vmem>> -> memref<1x25600xf32, #tpu.memory_space<vmem>>
          %scatter3A_450 = tpu.memref_squeeze %scatter3A_449 : memref<1x25600xf32, #tpu.memory_space<vmem>> -> memref<25600xf32, #tpu.memory_space<vmem>>
          tpu.vector_store_idx %scatter3A_450[%add3A_447], %gather3A_444 : memref<25600xf32, #tpu.memory_space<vmem>>[vector<16xi32>], vector<16xf32>,
          %add3A_451 = arith.constant 25040 : i32
          %add3A_452 = vector.broadcast %add3A_451 : i32 to vector<16xi32>
          %add3A_453 = arith.addi %min3A_389, %add3A_452 : vector<16xi32>
          %gather3A_454 = tpu.vector_load_idx %arg7[%add3A_453] : memref<40064xf32, #tpu.memory_space<vmem>>[vector<16xi32>], vector<16xf32>,
          %add3A_455 = arith.constant 640 : i32
          %add3A_456 = vector.broadcast %add3A_455 : i32 to vector<16xi32>
          %add3A_457 = arith.addi %add3A_400, %add3A_456 : vector<16xi32>
          %scatter3A_458 = arith.constant 0 : i32
          %scatter3A_459 = tpu.memref_slice %arg9[%scan3A_209, %scatter3A_458] : memref<2x25600xf32, #tpu.memory_space<vmem>> -> memref<1x25600xf32, #tpu.memory_space<vmem>>
          %scatter3A_460 = tpu.memref_squeeze %scatter3A_459 : memref<1x25600xf32, #tpu.memory_space<vmem>> -> memref<25600xf32, #tpu.memory_space<vmem>>
          tpu.vector_store_idx %scatter3A_460[%add3A_457], %gather3A_454 : memref<25600xf32, #tpu.memory_space<vmem>>[vector<16xi32>], vector<16xf32>,
          %add3A_461 = arith.constant 30048 : i32
          %add3A_462 = vector.broadcast %add3A_461 : i32 to vector<16xi32>
          %add3A_463 = arith.addi %min3A_389, %add3A_462 : vector<16xi32>
          %gather3A_464 = tpu.vector_load_idx %arg7[%add3A_463] : memref<40064xf32, #tpu.memory_space<vmem>>[vector<16xi32>], vector<16xf32>,
          %add3A_465 = arith.constant 768 : i32
          %add3A_466 = vector.broadcast %add3A_465 : i32 to vector<16xi32>
          %add3A_467 = arith.addi %add3A_400, %add3A_466 : vector<16xi32>
          %scatter3A_468 = arith.constant 0 : i32
          %scatter3A_469 = tpu.memref_slice %arg9[%scan3A_209, %scatter3A_468] : memref<2x25600xf32, #tpu.memory_space<vmem>> -> memref<1x25600xf32, #tpu.memory_space<vmem>>
          %scatter3A_470 = tpu.memref_squeeze %scatter3A_469 : memref<1x25600xf32, #tpu.memory_space<vmem>> -> memref<25600xf32, #tpu.memory_space<vmem>>
          tpu.vector_store_idx %scatter3A_470[%add3A_467], %gather3A_464 : memref<25600xf32, #tpu.memory_space<vmem>>[vector<16xi32>], vector<16xf32>,
          %add3A_471 = arith.constant 35056 : i32
          %add3A_472 = vector.broadcast %add3A_471 : i32 to vector<16xi32>
          %add3A_473 = arith.addi %min3A_389, %add3A_472 : vector<16xi32>
          %gather3A_474 = tpu.vector_load_idx %arg7[%add3A_473] : memref<40064xf32, #tpu.memory_space<vmem>>[vector<16xi32>], vector<16xf32>,
          %add3A_475 = arith.constant 896 : i32
          %add3A_476 = vector.broadcast %add3A_475 : i32 to vector<16xi32>
          %add3A_477 = arith.addi %add3A_400, %add3A_476 : vector<16xi32>
          %scatter3A_478 = arith.constant 0 : i32
          %scatter3A_479 = tpu.memref_slice %arg9[%scan3A_209, %scatter3A_478] : memref<2x25600xf32, #tpu.memory_space<vmem>> -> memref<1x25600xf32, #tpu.memory_space<vmem>>
          %scatter3A_480 = tpu.memref_squeeze %scatter3A_479 : memref<1x25600xf32, #tpu.memory_space<vmem>> -> memref<25600xf32, #tpu.memory_space<vmem>>
          tpu.vector_store_idx %scatter3A_480[%add3A_477], %gather3A_474 : memref<25600xf32, #tpu.memory_space<vmem>>[vector<16xi32>], vector<16xf32>,
          %mul3A_481 = arith.constant 4 : i32
          %mul3A_482 = arith.muli %scan3A_250, %mul3A_481 : i32
          %add3A_483 = arith.constant 2 : i32
          %add3A_484 = arith.addi %mul3A_482, %add3A_483 : i32
          %mul3A_485 = arith.constant 16 : i32
          %mul3A_486 = arith.muli %add3A_484, %mul3A_485 : i32
          %get3A_487 = arith.constant 0 : i32
          %get3A_488 = tpu.memref_slice %arg8[%scan3A_208, %get3A_487] : memref<2x3200xf32, #tpu.memory_space<vmem>> -> memref<1x3200xf32, #tpu.memory_space<vmem>>
          %get3A_489 = tpu.memref_squeeze %get3A_488 : memref<1x3200xf32, #tpu.memory_space<vmem>> -> memref<3200xf32, #tpu.memory_space<vmem>>
          %get3A_490 = arith.index_cast %mul3A_486 : i32 to index
          %get3A_491 = tpu.vector_load %get3A_489[%get3A_490] {strides = array<i32>} : memref<3200xf32, #tpu.memory_space<vmem>>, vector<16xf32>,
          %min3A_492 = arith.minimumf %get3A_491, %get3A_3 : vector<16xf32>
          %mul3A_493 = arith.mulf %min3A_492, %get3A_7 : vector<16xf32>
          %convert_element_type3A_494 = arith.fptosi %mul3A_493 : vector<16xf32> to vector<16xi32>
          %convert_element_type3A_495 = arith.sitofp %convert_element_type3A_494 : vector<16xi32> to vector<16xf32>
          %lt3A_496 = arith.cmpf olt, %convert_element_type3A_495, %mul3A_493 : vector<16xf32>
          %add3A_497 = arith.constant 1 : i32
          %add3A_498 = vector.broadcast %add3A_497 : i32 to vector<16xi32>
          %add3A_499 = arith.addi %convert_element_type3A_494, %add3A_498 : vector<16xi32>
          %select_n3A_500 = arith.select %lt3A_496, %add3A_499, %convert_element_type3A_494 : vector<16xi1>, vector<16xi32>
          %max3A_501 = arith.constant 0 : i32
          %max3A_502 = vector.broadcast %max3A_501 : i32 to vector<16xi32>
          %max3A_503 = arith.maxsi %select_n3A_500, %max3A_502 : vector<16xi32>
          %min3A_504 = arith.constant 4999 : i32
          %min3A_505 = vector.broadcast %min3A_504 : i32 to vector<16xi32>
          %min3A_506 = arith.minsi %max3A_503, %min3A_505 : vector<16xi32>
          %shift_right_arithmetic3A_507 = arith.constant 3 : i32
          %shift_right_arithmetic3A_508 = arith.shrsi %add3A_484, %shift_right_arithmetic3A_507 : i32
          %mul3A_509 = arith.constant 1024 : i32
          %mul3A_510 = arith.muli %shift_right_arithmetic3A_508, %mul3A_509 : i32
          %and3A_511 = arith.constant 7 : i32
          %and3A_512 = arith.andi %add3A_484, %and3A_511 : i32
          %mul3A_513 = arith.constant 16 : i32
          %mul3A_514 = arith.muli %and3A_512, %mul3A_513 : i32
          %add3A_515 = arith.addi %mul3A_510, %mul3A_514 : i32
          %add3A_516 = vector.broadcast %add3A_515 : i32 to vector<16xi32>
          %add3A_517 = arith.addi %add3A_516, %iota3A : vector<16xi32>
          %add3A_518 = arith.constant 0 : i32
          %add3A_519 = vector.broadcast %add3A_518 : i32 to vector<16xi32>
          %add3A_520 = arith.addi %min3A_506, %add3A_519 : vector<16xi32>
          %gather3A_521 = tpu.vector_load_idx %arg7[%add3A_520] : memref<40064xf32, #tpu.memory_space<vmem>>[vector<16xi32>], vector<16xf32>,
          %add3A_522 = arith.constant 0 : i32
          %add3A_523 = vector.broadcast %add3A_522 : i32 to vector<16xi32>
          %add3A_524 = arith.addi %add3A_517, %add3A_523 : vector<16xi32>
          %scatter3A_525 = arith.constant 0 : i32
          %scatter3A_526 = tpu.memref_slice %arg9[%scan3A_209, %scatter3A_525] : memref<2x25600xf32, #tpu.memory_space<vmem>> -> memref<1x25600xf32, #tpu.memory_space<vmem>>
          %scatter3A_527 = tpu.memref_squeeze %scatter3A_526 : memref<1x25600xf32, #tpu.memory_space<vmem>> -> memref<25600xf32, #tpu.memory_space<vmem>>
          tpu.vector_store_idx %scatter3A_527[%add3A_524], %gather3A_521 : memref<25600xf32, #tpu.memory_space<vmem>>[vector<16xi32>], vector<16xf32>,
          %add3A_528 = arith.constant 5008 : i32
          %add3A_529 = vector.broadcast %add3A_528 : i32 to vector<16xi32>
          %add3A_530 = arith.addi %min3A_506, %add3A_529 : vector<16xi32>
          %gather3A_531 = tpu.vector_load_idx %arg7[%add3A_530] : memref<40064xf32, #tpu.memory_space<vmem>>[vector<16xi32>], vector<16xf32>,
          %add3A_532 = arith.constant 128 : i32
          %add3A_533 = vector.broadcast %add3A_532 : i32 to vector<16xi32>
          %add3A_534 = arith.addi %add3A_517, %add3A_533 : vector<16xi32>
          %scatter3A_535 = arith.constant 0 : i32
          %scatter3A_536 = tpu.memref_slice %arg9[%scan3A_209, %scatter3A_535] : memref<2x25600xf32, #tpu.memory_space<vmem>> -> memref<1x25600xf32, #tpu.memory_space<vmem>>
          %scatter3A_537 = tpu.memref_squeeze %scatter3A_536 : memref<1x25600xf32, #tpu.memory_space<vmem>> -> memref<25600xf32, #tpu.memory_space<vmem>>
          tpu.vector_store_idx %scatter3A_537[%add3A_534], %gather3A_531 : memref<25600xf32, #tpu.memory_space<vmem>>[vector<16xi32>], vector<16xf32>,
          %add3A_538 = arith.constant 10016 : i32
          %add3A_539 = vector.broadcast %add3A_538 : i32 to vector<16xi32>
          %add3A_540 = arith.addi %min3A_506, %add3A_539 : vector<16xi32>
          %gather3A_541 = tpu.vector_load_idx %arg7[%add3A_540] : memref<40064xf32, #tpu.memory_space<vmem>>[vector<16xi32>], vector<16xf32>,
          %add3A_542 = arith.constant 256 : i32
          %add3A_543 = vector.broadcast %add3A_542 : i32 to vector<16xi32>
          %add3A_544 = arith.addi %add3A_517, %add3A_543 : vector<16xi32>
          %scatter3A_545 = arith.constant 0 : i32
          %scatter3A_546 = tpu.memref_slice %arg9[%scan3A_209, %scatter3A_545] : memref<2x25600xf32, #tpu.memory_space<vmem>> -> memref<1x25600xf32, #tpu.memory_space<vmem>>
          %scatter3A_547 = tpu.memref_squeeze %scatter3A_546 : memref<1x25600xf32, #tpu.memory_space<vmem>> -> memref<25600xf32, #tpu.memory_space<vmem>>
          tpu.vector_store_idx %scatter3A_547[%add3A_544], %gather3A_541 : memref<25600xf32, #tpu.memory_space<vmem>>[vector<16xi32>], vector<16xf32>,
          %add3A_548 = arith.constant 15024 : i32
          %add3A_549 = vector.broadcast %add3A_548 : i32 to vector<16xi32>
          %add3A_550 = arith.addi %min3A_506, %add3A_549 : vector<16xi32>
          %gather3A_551 = tpu.vector_load_idx %arg7[%add3A_550] : memref<40064xf32, #tpu.memory_space<vmem>>[vector<16xi32>], vector<16xf32>,
          %add3A_552 = arith.constant 384 : i32
          %add3A_553 = vector.broadcast %add3A_552 : i32 to vector<16xi32>
          %add3A_554 = arith.addi %add3A_517, %add3A_553 : vector<16xi32>
          %scatter3A_555 = arith.constant 0 : i32
          %scatter3A_556 = tpu.memref_slice %arg9[%scan3A_209, %scatter3A_555] : memref<2x25600xf32, #tpu.memory_space<vmem>> -> memref<1x25600xf32, #tpu.memory_space<vmem>>
          %scatter3A_557 = tpu.memref_squeeze %scatter3A_556 : memref<1x25600xf32, #tpu.memory_space<vmem>> -> memref<25600xf32, #tpu.memory_space<vmem>>
          tpu.vector_store_idx %scatter3A_557[%add3A_554], %gather3A_551 : memref<25600xf32, #tpu.memory_space<vmem>>[vector<16xi32>], vector<16xf32>,
          %add3A_558 = arith.constant 20032 : i32
          %add3A_559 = vector.broadcast %add3A_558 : i32 to vector<16xi32>
          %add3A_560 = arith.addi %min3A_506, %add3A_559 : vector<16xi32>
          %gather3A_561 = tpu.vector_load_idx %arg7[%add3A_560] : memref<40064xf32, #tpu.memory_space<vmem>>[vector<16xi32>], vector<16xf32>,
          %add3A_562 = arith.constant 512 : i32
          %add3A_563 = vector.broadcast %add3A_562 : i32 to vector<16xi32>
          %add3A_564 = arith.addi %add3A_517, %add3A_563 : vector<16xi32>
          %scatter3A_565 = arith.constant 0 : i32
          %scatter3A_566 = tpu.memref_slice %arg9[%scan3A_209, %scatter3A_565] : memref<2x25600xf32, #tpu.memory_space<vmem>> -> memref<1x25600xf32, #tpu.memory_space<vmem>>
          %scatter3A_567 = tpu.memref_squeeze %scatter3A_566 : memref<1x25600xf32, #tpu.memory_space<vmem>> -> memref<25600xf32, #tpu.memory_space<vmem>>
          tpu.vector_store_idx %scatter3A_567[%add3A_564], %gather3A_561 : memref<25600xf32, #tpu.memory_space<vmem>>[vector<16xi32>], vector<16xf32>,
          %add3A_568 = arith.constant 25040 : i32
          %add3A_569 = vector.broadcast %add3A_568 : i32 to vector<16xi32>
          %add3A_570 = arith.addi %min3A_506, %add3A_569 : vector<16xi32>
          %gather3A_571 = tpu.vector_load_idx %arg7[%add3A_570] : memref<40064xf32, #tpu.memory_space<vmem>>[vector<16xi32>], vector<16xf32>,
          %add3A_572 = arith.constant 640 : i32
          %add3A_573 = vector.broadcast %add3A_572 : i32 to vector<16xi32>
          %add3A_574 = arith.addi %add3A_517, %add3A_573 : vector<16xi32>
          %scatter3A_575 = arith.constant 0 : i32
          %scatter3A_576 = tpu.memref_slice %arg9[%scan3A_209, %scatter3A_575] : memref<2x25600xf32, #tpu.memory_space<vmem>> -> memref<1x25600xf32, #tpu.memory_space<vmem>>
          %scatter3A_577 = tpu.memref_squeeze %scatter3A_576 : memref<1x25600xf32, #tpu.memory_space<vmem>> -> memref<25600xf32, #tpu.memory_space<vmem>>
          tpu.vector_store_idx %scatter3A_577[%add3A_574], %gather3A_571 : memref<25600xf32, #tpu.memory_space<vmem>>[vector<16xi32>], vector<16xf32>,
          %add3A_578 = arith.constant 30048 : i32
          %add3A_579 = vector.broadcast %add3A_578 : i32 to vector<16xi32>
          %add3A_580 = arith.addi %min3A_506, %add3A_579 : vector<16xi32>
          %gather3A_581 = tpu.vector_load_idx %arg7[%add3A_580] : memref<40064xf32, #tpu.memory_space<vmem>>[vector<16xi32>], vector<16xf32>,
          %add3A_582 = arith.constant 768 : i32
          %add3A_583 = vector.broadcast %add3A_582 : i32 to vector<16xi32>
          %add3A_584 = arith.addi %add3A_517, %add3A_583 : vector<16xi32>
          %scatter3A_585 = arith.constant 0 : i32
          %scatter3A_586 = tpu.memref_slice %arg9[%scan3A_209, %scatter3A_585] : memref<2x25600xf32, #tpu.memory_space<vmem>> -> memref<1x25600xf32, #tpu.memory_space<vmem>>
          %scatter3A_587 = tpu.memref_squeeze %scatter3A_586 : memref<1x25600xf32, #tpu.memory_space<vmem>> -> memref<25600xf32, #tpu.memory_space<vmem>>
          tpu.vector_store_idx %scatter3A_587[%add3A_584], %gather3A_581 : memref<25600xf32, #tpu.memory_space<vmem>>[vector<16xi32>], vector<16xf32>,
          %add3A_588 = arith.constant 35056 : i32
          %add3A_589 = vector.broadcast %add3A_588 : i32 to vector<16xi32>
          %add3A_590 = arith.addi %min3A_506, %add3A_589 : vector<16xi32>
          %gather3A_591 = tpu.vector_load_idx %arg7[%add3A_590] : memref<40064xf32, #tpu.memory_space<vmem>>[vector<16xi32>], vector<16xf32>,
          %add3A_592 = arith.constant 896 : i32
          %add3A_593 = vector.broadcast %add3A_592 : i32 to vector<16xi32>
          %add3A_594 = arith.addi %add3A_517, %add3A_593 : vector<16xi32>
          %scatter3A_595 = arith.constant 0 : i32
          %scatter3A_596 = tpu.memref_slice %arg9[%scan3A_209, %scatter3A_595] : memref<2x25600xf32, #tpu.memory_space<vmem>> -> memref<1x25600xf32, #tpu.memory_space<vmem>>
          %scatter3A_597 = tpu.memref_squeeze %scatter3A_596 : memref<1x25600xf32, #tpu.memory_space<vmem>> -> memref<25600xf32, #tpu.memory_space<vmem>>
          tpu.vector_store_idx %scatter3A_597[%add3A_594], %gather3A_591 : memref<25600xf32, #tpu.memory_space<vmem>>[vector<16xi32>], vector<16xf32>,
          %mul3A_598 = arith.constant 4 : i32
          %mul3A_599 = arith.muli %scan3A_250, %mul3A_598 : i32
          %add3A_600 = arith.constant 3 : i32
          %add3A_601 = arith.addi %mul3A_599, %add3A_600 : i32
          %mul3A_602 = arith.constant 16 : i32
          %mul3A_603 = arith.muli %add3A_601, %mul3A_602 : i32
          %get3A_604 = arith.constant 0 : i32
          %get3A_605 = tpu.memref_slice %arg8[%scan3A_208, %get3A_604] : memref<2x3200xf32, #tpu.memory_space<vmem>> -> memref<1x3200xf32, #tpu.memory_space<vmem>>
          %get3A_606 = tpu.memref_squeeze %get3A_605 : memref<1x3200xf32, #tpu.memory_space<vmem>> -> memref<3200xf32, #tpu.memory_space<vmem>>
          %get3A_607 = arith.index_cast %mul3A_603 : i32 to index
          %get3A_608 = tpu.vector_load %get3A_606[%get3A_607] {strides = array<i32>} : memref<3200xf32, #tpu.memory_space<vmem>>, vector<16xf32>,
          %min3A_609 = arith.minimumf %get3A_608, %get3A_3 : vector<16xf32>
          %mul3A_610 = arith.mulf %min3A_609, %get3A_7 : vector<16xf32>
          %convert_element_type3A_611 = arith.fptosi %mul3A_610 : vector<16xf32> to vector<16xi32>
          %convert_element_type3A_612 = arith.sitofp %convert_element_type3A_611 : vector<16xi32> to vector<16xf32>
          %lt3A_613 = arith.cmpf olt, %convert_element_type3A_612, %mul3A_610 : vector<16xf32>
          %add3A_614 = arith.constant 1 : i32
          %add3A_615 = vector.broadcast %add3A_614 : i32 to vector<16xi32>
          %add3A_616 = arith.addi %convert_element_type3A_611, %add3A_615 : vector<16xi32>
          %select_n3A_617 = arith.select %lt3A_613, %add3A_616, %convert_element_type3A_611 : vector<16xi1>, vector<16xi32>
          %max3A_618 = arith.constant 0 : i32
          %max3A_619 = vector.broadcast %max3A_618 : i32 to vector<16xi32>
          %max3A_620 = arith.maxsi %select_n3A_617, %max3A_619 : vector<16xi32>
          %min3A_621 = arith.constant 4999 : i32
          %min3A_622 = vector.broadcast %min3A_621 : i32 to vector<16xi32>
          %min3A_623 = arith.minsi %max3A_620, %min3A_622 : vector<16xi32>
          %shift_right_arithmetic3A_624 = arith.constant 3 : i32
          %shift_right_arithmetic3A_625 = arith.shrsi %add3A_601, %shift_right_arithmetic3A_624 : i32
          %mul3A_626 = arith.constant 1024 : i32
          %mul3A_627 = arith.muli %shift_right_arithmetic3A_625, %mul3A_626 : i32
          %and3A_628 = arith.constant 7 : i32
          %and3A_629 = arith.andi %add3A_601, %and3A_628 : i32
          %mul3A_630 = arith.constant 16 : i32
          %mul3A_631 = arith.muli %and3A_629, %mul3A_630 : i32
          %add3A_632 = arith.addi %mul3A_627, %mul3A_631 : i32
          %add3A_633 = vector.broadcast %add3A_632 : i32 to vector<16xi32>
          %add3A_634 = arith.addi %add3A_633, %iota3A : vector<16xi32>
          %add3A_635 = arith.constant 0 : i32
          %add3A_636 = vector.broadcast %add3A_635 : i32 to vector<16xi32>
          %add3A_637 = arith.addi %min3A_623, %add3A_636 : vector<16xi32>
          %gather3A_638 = tpu.vector_load_idx %arg7[%add3A_637] : memref<40064xf32, #tpu.memory_space<vmem>>[vector<16xi32>], vector<16xf32>,
          %add3A_639 = arith.constant 0 : i32
          %add3A_640 = vector.broadcast %add3A_639 : i32 to vector<16xi32>
          %add3A_641 = arith.addi %add3A_634, %add3A_640 : vector<16xi32>
          %scatter3A_642 = arith.constant 0 : i32
          %scatter3A_643 = tpu.memref_slice %arg9[%scan3A_209, %scatter3A_642] : memref<2x25600xf32, #tpu.memory_space<vmem>> -> memref<1x25600xf32, #tpu.memory_space<vmem>>
          %scatter3A_644 = tpu.memref_squeeze %scatter3A_643 : memref<1x25600xf32, #tpu.memory_space<vmem>> -> memref<25600xf32, #tpu.memory_space<vmem>>
          tpu.vector_store_idx %scatter3A_644[%add3A_641], %gather3A_638 : memref<25600xf32, #tpu.memory_space<vmem>>[vector<16xi32>], vector<16xf32>,
          %add3A_645 = arith.constant 5008 : i32
          %add3A_646 = vector.broadcast %add3A_645 : i32 to vector<16xi32>
          %add3A_647 = arith.addi %min3A_623, %add3A_646 : vector<16xi32>
          %gather3A_648 = tpu.vector_load_idx %arg7[%add3A_647] : memref<40064xf32, #tpu.memory_space<vmem>>[vector<16xi32>], vector<16xf32>,
          %add3A_649 = arith.constant 128 : i32
          %add3A_650 = vector.broadcast %add3A_649 : i32 to vector<16xi32>
          %add3A_651 = arith.addi %add3A_634, %add3A_650 : vector<16xi32>
          %scatter3A_652 = arith.constant 0 : i32
          %scatter3A_653 = tpu.memref_slice %arg9[%scan3A_209, %scatter3A_652] : memref<2x25600xf32, #tpu.memory_space<vmem>> -> memref<1x25600xf32, #tpu.memory_space<vmem>>
          %scatter3A_654 = tpu.memref_squeeze %scatter3A_653 : memref<1x25600xf32, #tpu.memory_space<vmem>> -> memref<25600xf32, #tpu.memory_space<vmem>>
          tpu.vector_store_idx %scatter3A_654[%add3A_651], %gather3A_648 : memref<25600xf32, #tpu.memory_space<vmem>>[vector<16xi32>], vector<16xf32>,
          %add3A_655 = arith.constant 10016 : i32
          %add3A_656 = vector.broadcast %add3A_655 : i32 to vector<16xi32>
          %add3A_657 = arith.addi %min3A_623, %add3A_656 : vector<16xi32>
          %gather3A_658 = tpu.vector_load_idx %arg7[%add3A_657] : memref<40064xf32, #tpu.memory_space<vmem>>[vector<16xi32>], vector<16xf32>,
          %add3A_659 = arith.constant 256 : i32
          %add3A_660 = vector.broadcast %add3A_659 : i32 to vector<16xi32>
          %add3A_661 = arith.addi %add3A_634, %add3A_660 : vector<16xi32>
          %scatter3A_662 = arith.constant 0 : i32
          %scatter3A_663 = tpu.memref_slice %arg9[%scan3A_209, %scatter3A_662] : memref<2x25600xf32, #tpu.memory_space<vmem>> -> memref<1x25600xf32, #tpu.memory_space<vmem>>
          %scatter3A_664 = tpu.memref_squeeze %scatter3A_663 : memref<1x25600xf32, #tpu.memory_space<vmem>> -> memref<25600xf32, #tpu.memory_space<vmem>>
          tpu.vector_store_idx %scatter3A_664[%add3A_661], %gather3A_658 : memref<25600xf32, #tpu.memory_space<vmem>>[vector<16xi32>], vector<16xf32>,
          %add3A_665 = arith.constant 15024 : i32
          %add3A_666 = vector.broadcast %add3A_665 : i32 to vector<16xi32>
          %add3A_667 = arith.addi %min3A_623, %add3A_666 : vector<16xi32>
          %gather3A_668 = tpu.vector_load_idx %arg7[%add3A_667] : memref<40064xf32, #tpu.memory_space<vmem>>[vector<16xi32>], vector<16xf32>,
          %add3A_669 = arith.constant 384 : i32
          %add3A_670 = vector.broadcast %add3A_669 : i32 to vector<16xi32>
          %add3A_671 = arith.addi %add3A_634, %add3A_670 : vector<16xi32>
          %scatter3A_672 = arith.constant 0 : i32
          %scatter3A_673 = tpu.memref_slice %arg9[%scan3A_209, %scatter3A_672] : memref<2x25600xf32, #tpu.memory_space<vmem>> -> memref<1x25600xf32, #tpu.memory_space<vmem>>
          %scatter3A_674 = tpu.memref_squeeze %scatter3A_673 : memref<1x25600xf32, #tpu.memory_space<vmem>> -> memref<25600xf32, #tpu.memory_space<vmem>>
          tpu.vector_store_idx %scatter3A_674[%add3A_671], %gather3A_668 : memref<25600xf32, #tpu.memory_space<vmem>>[vector<16xi32>], vector<16xf32>,
          %add3A_675 = arith.constant 20032 : i32
          %add3A_676 = vector.broadcast %add3A_675 : i32 to vector<16xi32>
          %add3A_677 = arith.addi %min3A_623, %add3A_676 : vector<16xi32>
          %gather3A_678 = tpu.vector_load_idx %arg7[%add3A_677] : memref<40064xf32, #tpu.memory_space<vmem>>[vector<16xi32>], vector<16xf32>,
          %add3A_679 = arith.constant 512 : i32
          %add3A_680 = vector.broadcast %add3A_679 : i32 to vector<16xi32>
          %add3A_681 = arith.addi %add3A_634, %add3A_680 : vector<16xi32>
          %scatter3A_682 = arith.constant 0 : i32
          %scatter3A_683 = tpu.memref_slice %arg9[%scan3A_209, %scatter3A_682] : memref<2x25600xf32, #tpu.memory_space<vmem>> -> memref<1x25600xf32, #tpu.memory_space<vmem>>
          %scatter3A_684 = tpu.memref_squeeze %scatter3A_683 : memref<1x25600xf32, #tpu.memory_space<vmem>> -> memref<25600xf32, #tpu.memory_space<vmem>>
          tpu.vector_store_idx %scatter3A_684[%add3A_681], %gather3A_678 : memref<25600xf32, #tpu.memory_space<vmem>>[vector<16xi32>], vector<16xf32>,
          %add3A_685 = arith.constant 25040 : i32
          %add3A_686 = vector.broadcast %add3A_685 : i32 to vector<16xi32>
          %add3A_687 = arith.addi %min3A_623, %add3A_686 : vector<16xi32>
          %gather3A_688 = tpu.vector_load_idx %arg7[%add3A_687] : memref<40064xf32, #tpu.memory_space<vmem>>[vector<16xi32>], vector<16xf32>,
          %add3A_689 = arith.constant 640 : i32
          %add3A_690 = vector.broadcast %add3A_689 : i32 to vector<16xi32>
          %add3A_691 = arith.addi %add3A_634, %add3A_690 : vector<16xi32>
          %scatter3A_692 = arith.constant 0 : i32
          %scatter3A_693 = tpu.memref_slice %arg9[%scan3A_209, %scatter3A_692] : memref<2x25600xf32, #tpu.memory_space<vmem>> -> memref<1x25600xf32, #tpu.memory_space<vmem>>
          %scatter3A_694 = tpu.memref_squeeze %scatter3A_693 : memref<1x25600xf32, #tpu.memory_space<vmem>> -> memref<25600xf32, #tpu.memory_space<vmem>>
          tpu.vector_store_idx %scatter3A_694[%add3A_691], %gather3A_688 : memref<25600xf32, #tpu.memory_space<vmem>>[vector<16xi32>], vector<16xf32>,
          %add3A_695 = arith.constant 30048 : i32
          %add3A_696 = vector.broadcast %add3A_695 : i32 to vector<16xi32>
          %add3A_697 = arith.addi %min3A_623, %add3A_696 : vector<16xi32>
          %gather3A_698 = tpu.vector_load_idx %arg7[%add3A_697] : memref<40064xf32, #tpu.memory_space<vmem>>[vector<16xi32>], vector<16xf32>,
          %add3A_699 = arith.constant 768 : i32
          %add3A_700 = vector.broadcast %add3A_699 : i32 to vector<16xi32>
          %add3A_701 = arith.addi %add3A_634, %add3A_700 : vector<16xi32>
          %scatter3A_702 = arith.constant 0 : i32
          %scatter3A_703 = tpu.memref_slice %arg9[%scan3A_209, %scatter3A_702] : memref<2x25600xf32, #tpu.memory_space<vmem>> -> memref<1x25600xf32, #tpu.memory_space<vmem>>
          %scatter3A_704 = tpu.memref_squeeze %scatter3A_703 : memref<1x25600xf32, #tpu.memory_space<vmem>> -> memref<25600xf32, #tpu.memory_space<vmem>>
          tpu.vector_store_idx %scatter3A_704[%add3A_701], %gather3A_698 : memref<25600xf32, #tpu.memory_space<vmem>>[vector<16xi32>], vector<16xf32>,
          %add3A_705 = arith.constant 35056 : i32
          %add3A_706 = vector.broadcast %add3A_705 : i32 to vector<16xi32>
          %add3A_707 = arith.addi %min3A_623, %add3A_706 : vector<16xi32>
          %gather3A_708 = tpu.vector_load_idx %arg7[%add3A_707] : memref<40064xf32, #tpu.memory_space<vmem>>[vector<16xi32>], vector<16xf32>,
          %add3A_709 = arith.constant 896 : i32
          %add3A_710 = vector.broadcast %add3A_709 : i32 to vector<16xi32>
          %add3A_711 = arith.addi %add3A_634, %add3A_710 : vector<16xi32>
          %scatter3A_712 = arith.constant 0 : i32
          %scatter3A_713 = tpu.memref_slice %arg9[%scan3A_209, %scatter3A_712] : memref<2x25600xf32, #tpu.memory_space<vmem>> -> memref<1x25600xf32, #tpu.memory_space<vmem>>
          %scatter3A_714 = tpu.memref_squeeze %scatter3A_713 : memref<1x25600xf32, #tpu.memory_space<vmem>> -> memref<25600xf32, #tpu.memory_space<vmem>>
          tpu.vector_store_idx %scatter3A_714[%add3A_711], %gather3A_708 : memref<25600xf32, #tpu.memory_space<vmem>>[vector<16xi32>], vector<16xf32>,
          %scan3A_715 = arith.constant 0 : i32
          scf.yield %scan3A_715 : i32
        }
        %scan3A_216 = arith.constant 50 : i32
        %mul3A_217 = arith.constant 8 : i32
        %mul3A_218 = arith.muli %mul3A_188, %mul3A_217 : i32
        %add3A_219 = arith.constant 0 : i32
        %add3A_220 = arith.addi %mul3A_218, %add3A_219 : i32
        %dma_start3A = arith.constant 0 : i32
        %dma_start3A_221 = arith.constant 0 : i32
        %dma_start3A_222 = tpu.memref_slice %arg9[%dma_start3A, %dma_start3A_221] : memref<2x25600xf32, #tpu.memory_space<vmem>> -> memref<1x25600xf32, #tpu.memory_space<vmem>>
        %dma_start3A_223 = tpu.memref_squeeze %dma_start3A_222 : memref<1x25600xf32, #tpu.memory_space<vmem>> -> memref<25600xf32, #tpu.memory_space<vmem>>
        %dma_start3A_224 = arith.constant 0 : i32
        %dma_start3A_225 = tpu.memref_slice %dma_start3A_223[%dma_start3A_224] : memref<25600xf32, #tpu.memory_space<vmem>> -> memref<12800xf32, #tpu.memory_space<vmem>>
        %dma_start3A_226 = tpu.memref_slice %arg6[%add3A_220] : memref<51200000xf32, #tpu.memory_space<hbm>> -> memref<12800xf32, #tpu.memory_space<hbm>>
        %dma_start3A_227 = tpu.memref_slice %arg6[%add3A_220] : memref<51200000xf32, #tpu.memory_space<hbm>> -> memref<12800xf32, #tpu.memory_space<hbm>>
        %dma_start3A_228 = arith.constant 0 : i32
        %dma_start3A_229 = tpu.memref_slice %arg9[%dma_start3A, %dma_start3A_228] : memref<2x25600xf32, #tpu.memory_space<vmem>> -> memref<1x25600xf32, #tpu.memory_space<vmem>>
        %dma_start3A_230 = tpu.memref_squeeze %dma_start3A_229 : memref<1x25600xf32, #tpu.memory_space<vmem>> -> memref<25600xf32, #tpu.memory_space<vmem>>
        %dma_start3A_231 = arith.constant 0 : i32
        %dma_start3A_232 = tpu.memref_slice %dma_start3A_230[%dma_start3A_231] : memref<25600xf32, #tpu.memory_space<vmem>> -> memref<12800xf32, #tpu.memory_space<vmem>>
        tpu.enqueue_dma source(%dma_start3A_232 : memref<12800xf32, #tpu.memory_space<vmem>>) target(%dma_start3A_227 : memref<12800xf32, #tpu.memory_space<hbm>>) target_semaphore(%arg12 : memref<!tpu.dma_semaphore, #tpu.memory_space<semaphore_mem>>)
        %mul3A_233 = arith.constant 8 : i32
        %mul3A_234 = arith.muli %mul3A_188, %mul3A_233 : i32
        %add3A_235 = arith.constant 12800 : i32
        %add3A_236 = arith.addi %mul3A_234, %add3A_235 : i32
        %dma_start3A_237 = arith.constant 0 : i32
        %dma_start3A_238 = arith.constant 0 : i32
        %dma_start3A_239 = tpu.memref_slice %arg9[%dma_start3A_237, %dma_start3A_238] : memref<2x25600xf32, #tpu.memory_space<vmem>> -> memref<1x25600xf32, #tpu.memory_space<vmem>>
        %dma_start3A_240 = tpu.memref_squeeze %dma_start3A_239 : memref<1x25600xf32, #tpu.memory_space<vmem>> -> memref<25600xf32, #tpu.memory_space<vmem>>
        %dma_start3A_241 = arith.constant 12800 : i32
        %dma_start3A_242 = tpu.memref_slice %dma_start3A_240[%dma_start3A_241] : memref<25600xf32, #tpu.memory_space<vmem>> -> memref<12800xf32, #tpu.memory_space<vmem>>
        %dma_start3A_243 = tpu.memref_slice %arg6[%add3A_236] : memref<51200000xf32, #tpu.memory_space<hbm>> -> memref<12800xf32, #tpu.memory_space<hbm>>
        %dma_start3A_244 = tpu.memref_slice %arg6[%add3A_236] : memref<51200000xf32, #tpu.memory_space<hbm>> -> memref<12800xf32, #tpu.memory_space<hbm>>
        %dma_start3A_245 = arith.constant 0 : i32
        %dma_start3A_246 = tpu.memref_slice %arg9[%dma_start3A_237, %dma_start3A_245] : memref<2x25600xf32, #tpu.memory_space<vmem>> -> memref<1x25600xf32, #tpu.memory_space<vmem>>
        %dma_start3A_247 = tpu.memref_squeeze %dma_start3A_246 : memref<1x25600xf32, #tpu.memory_space<vmem>> -> memref<25600xf32, #tpu.memory_space<vmem>>
        %dma_start3A_248 = arith.constant 12800 : i32
        %dma_start3A_249 = tpu.memref_slice %dma_start3A_247[%dma_start3A_248] : memref<25600xf32, #tpu.memory_space<vmem>> -> memref<12800xf32, #tpu.memory_space<vmem>>
        tpu.enqueue_dma source(%dma_start3A_249 : memref<12800xf32, #tpu.memory_space<vmem>>) target(%dma_start3A_244 : memref<12800xf32, #tpu.memory_space<hbm>>) target_semaphore(%arg13 : memref<!tpu.dma_semaphore, #tpu.memory_space<semaphore_mem>>)
      } else {
      }
      %mul3A_175 = arith.constant 2 : i32
      %mul3A_176 = arith.muli %while3A_166, %mul3A_175 : i32
      %add3A_177 = arith.constant 1 : i32
      %add3A_178 = arith.addi %mul3A_176, %add3A_177 : i32
      %lt3A_179 = arith.cmpi slt, %add3A_178, %select_n3A : i32
      %convert_element_type3A_180 = arith.extui %lt3A_179 : i1 to i32
      %cond3A_181 = arith.constant 0 : i32
      %cond3A_182 = arith.cmpi ne, %convert_element_type3A_180, %cond3A_181 : i32
      scf.if %cond3A_182 {
        %mul3A_184 = arith.constant 32 : i32
        %mul3A_185 = arith.muli %add3A_178, %mul3A_184 : i32
        %add3A_186 = arith.addi %add3A, %mul3A_185 : i32
        %mul3A_187 = arith.constant 3200 : i32
        %mul3A_188 = arith.muli %add3A_186, %mul3A_187 : i32
        %add3A_189 = arith.constant 1 : i32
        %add3A_190 = arith.addi %add3A_178, %add3A_189 : i32
        %lt3A_191 = arith.cmpi slt, %add3A_190, %select_n3A : i32
        %convert_element_type3A_192 = arith.extui %lt3A_191 : i1 to i32
        %cond3A_193 = arith.constant 0 : i32
        %cond3A_194 = arith.cmpi ne, %convert_element_type3A_192, %cond3A_193 : i32
        scf.if %cond3A_194 {
          %add3A_250 = arith.constant 1 : i32
          %add3A_251 = arith.addi %add3A_178, %add3A_250 : i32
          %mul3A_252 = arith.constant 32 : i32
          %mul3A_253 = arith.muli %add3A_251, %mul3A_252 : i32
          %add3A_254 = arith.addi %add3A, %mul3A_253 : i32
          %mul3A_255 = arith.constant 3200 : i32
          %mul3A_256 = arith.muli %add3A_254, %mul3A_255 : i32
          %dma_start3A_257 = arith.constant 0 : i32
          %dma_start3A_258 = arith.constant 0 : i32
          %dma_start3A_259 = tpu.memref_slice %arg8[%dma_start3A_257, %dma_start3A_258] : memref<2x3200xf32, #tpu.memory_space<vmem>> -> memref<1x3200xf32, #tpu.memory_space<vmem>>
          %dma_start3A_260 = tpu.memref_squeeze %dma_start3A_259 : memref<1x3200xf32, #tpu.memory_space<vmem>> -> memref<3200xf32, #tpu.memory_space<vmem>>
          %dma_start3A_261 = tpu.memref_slice %arg2[%mul3A_256] : memref<6400000xf32, #tpu.memory_space<hbm>> -> memref<3200xf32, #tpu.memory_space<hbm>>
          %dma_start3A_262 = arith.constant 0 : i32
          %dma_start3A_263 = tpu.memref_slice %arg8[%dma_start3A_257, %dma_start3A_262] : memref<2x3200xf32, #tpu.memory_space<vmem>> -> memref<1x3200xf32, #tpu.memory_space<vmem>>
          %dma_start3A_264 = tpu.memref_squeeze %dma_start3A_263 : memref<1x3200xf32, #tpu.memory_space<vmem>> -> memref<3200xf32, #tpu.memory_space<vmem>>
          %dma_start3A_265 = tpu.memref_slice %arg2[%mul3A_256] : memref<6400000xf32, #tpu.memory_space<hbm>> -> memref<3200xf32, #tpu.memory_space<hbm>>
          tpu.enqueue_dma source(%dma_start3A_265 : memref<3200xf32, #tpu.memory_space<hbm>>) target(%dma_start3A_264 : memref<3200xf32, #tpu.memory_space<vmem>>) target_semaphore(%arg16 : memref<!tpu.dma_semaphore, #tpu.memory_space<semaphore_mem>>)
        } else {
        }
        %dma_wait3A = arith.constant 1 : i32
        %dma_wait3A_195 = arith.constant 0 : i32
        %dma_wait3A_196 = tpu.memref_slice %arg8[%dma_wait3A, %dma_wait3A_195] : memref<2x3200xf32, #tpu.memory_space<vmem>> -> memref<1x3200xf32, #tpu.memory_space<vmem>>
        %dma_wait3A_197 = tpu.memref_squeeze %dma_wait3A_196 : memref<1x3200xf32, #tpu.memory_space<vmem>> -> memref<3200xf32, #tpu.memory_space<vmem>>
        %dma_wait3A_198 = tpu.memref_slice %arg2[%mul3A_188] : memref<6400000xf32, #tpu.memory_space<hbm>> -> memref<3200xf32, #tpu.memory_space<hbm>>
        %dma_wait3A_199 = arith.constant 0 : i32
        %dma_wait3A_200 = tpu.memref_slice %arg8[%dma_wait3A, %dma_wait3A_199] : memref<2x3200xf32, #tpu.memory_space<vmem>> -> memref<1x3200xf32, #tpu.memory_space<vmem>>
        %dma_wait3A_201 = tpu.memref_squeeze %dma_wait3A_200 : memref<1x3200xf32, #tpu.memory_space<vmem>> -> memref<3200xf32, #tpu.memory_space<vmem>>
        %dma_wait3A_202 = tpu.memref_slice %arg2[%mul3A_188] : memref<6400000xf32, #tpu.memory_space<hbm>> -> memref<3200xf32, #tpu.memory_space<hbm>>
        tpu.wait_dma2 semaphore(%arg17 : memref<!tpu.dma_semaphore, #tpu.memory_space<semaphore_mem>>) src(%dma_wait3A_202 : memref<3200xf32, #tpu.memory_space<hbm>>) dst(%dma_wait3A_201 : memref<3200xf32, #tpu.memory_space<vmem>>)
        %ge3A = arith.constant 2 : i32
        %ge3A_203 = arith.cmpi sge, %add3A_178, %ge3A : i32
        %convert_element_type3A_204 = arith.extui %ge3A_203 : i1 to i32
        %cond3A_205 = arith.constant 1 : i32
        %cond3A_206 = arith.constant 0 : i32
        %cond3A_207 = arith.cmpi ne, %convert_element_type3A_204, %cond3A_206 : i32
        scf.if %cond3A_207 {
          %mul3A_250 = arith.constant 8 : i32
          %mul3A_251 = arith.muli %mul3A_188, %mul3A_250 : i32
          %add3A_252 = arith.constant 0 : i32
          %add3A_253 = arith.addi %mul3A_251, %add3A_252 : i32
          %dma_wait3A_254 = arith.constant 0 : i32
          %dma_wait3A_255 = tpu.memref_slice %arg9[%cond3A_205, %dma_wait3A_254] : memref<2x25600xf32, #tpu.memory_space<vmem>> -> memref<1x25600xf32, #tpu.memory_space<vmem>>
          %dma_wait3A_256 = tpu.memref_squeeze %dma_wait3A_255 : memref<1x25600xf32, #tpu.memory_space<vmem>> -> memref<25600xf32, #tpu.memory_space<vmem>>
          %dma_wait3A_257 = arith.constant 0 : i32
          %dma_wait3A_258 = tpu.memref_slice %dma_wait3A_256[%dma_wait3A_257] : memref<25600xf32, #tpu.memory_space<vmem>> -> memref<12800xf32, #tpu.memory_space<vmem>>
          %dma_wait3A_259 = tpu.memref_slice %arg6[%add3A_253] : memref<51200000xf32, #tpu.memory_space<hbm>> -> memref<12800xf32, #tpu.memory_space<hbm>>
          %dma_wait3A_260 = tpu.memref_slice %arg6[%add3A_253] : memref<51200000xf32, #tpu.memory_space<hbm>> -> memref<12800xf32, #tpu.memory_space<hbm>>
          %dma_wait3A_261 = arith.constant 0 : i32
          %dma_wait3A_262 = tpu.memref_slice %arg9[%cond3A_205, %dma_wait3A_261] : memref<2x25600xf32, #tpu.memory_space<vmem>> -> memref<1x25600xf32, #tpu.memory_space<vmem>>
          %dma_wait3A_263 = tpu.memref_squeeze %dma_wait3A_262 : memref<1x25600xf32, #tpu.memory_space<vmem>> -> memref<25600xf32, #tpu.memory_space<vmem>>
          %dma_wait3A_264 = arith.constant 0 : i32
          %dma_wait3A_265 = tpu.memref_slice %dma_wait3A_263[%dma_wait3A_264] : memref<25600xf32, #tpu.memory_space<vmem>> -> memref<12800xf32, #tpu.memory_space<vmem>>
          tpu.wait_dma2 semaphore(%arg14 : memref<!tpu.dma_semaphore, #tpu.memory_space<semaphore_mem>>) src(%dma_wait3A_265 : memref<12800xf32, #tpu.memory_space<vmem>>) dst(%dma_wait3A_260 : memref<12800xf32, #tpu.memory_space<hbm>>)
          %mul3A_266 = arith.constant 8 : i32
          %mul3A_267 = arith.muli %mul3A_188, %mul3A_266 : i32
          %add3A_268 = arith.constant 12800 : i32
          %add3A_269 = arith.addi %mul3A_267, %add3A_268 : i32
          %dma_wait3A_270 = arith.constant 0 : i32
          %dma_wait3A_271 = tpu.memref_slice %arg9[%cond3A_205, %dma_wait3A_270] : memref<2x25600xf32, #tpu.memory_space<vmem>> -> memref<1x25600xf32, #tpu.memory_space<vmem>>
          %dma_wait3A_272 = tpu.memref_squeeze %dma_wait3A_271 : memref<1x25600xf32, #tpu.memory_space<vmem>> -> memref<25600xf32, #tpu.memory_space<vmem>>
          %dma_wait3A_273 = arith.constant 12800 : i32
          %dma_wait3A_274 = tpu.memref_slice %dma_wait3A_272[%dma_wait3A_273] : memref<25600xf32, #tpu.memory_space<vmem>> -> memref<12800xf32, #tpu.memory_space<vmem>>
          %dma_wait3A_275 = tpu.memref_slice %arg6[%add3A_269] : memref<51200000xf32, #tpu.memory_space<hbm>> -> memref<12800xf32, #tpu.memory_space<hbm>>
          %dma_wait3A_276 = tpu.memref_slice %arg6[%add3A_269] : memref<51200000xf32, #tpu.memory_space<hbm>> -> memref<12800xf32, #tpu.memory_space<hbm>>
          %dma_wait3A_277 = arith.constant 0 : i32
          %dma_wait3A_278 = tpu.memref_slice %arg9[%cond3A_205, %dma_wait3A_277] : memref<2x25600xf32, #tpu.memory_space<vmem>> -> memref<1x25600xf32, #tpu.memory_space<vmem>>
          %dma_wait3A_279 = tpu.memref_squeeze %dma_wait3A_278 : memref<1x25600xf32, #tpu.memory_space<vmem>> -> memref<25600xf32, #tpu.memory_space<vmem>>
          %dma_wait3A_280 = arith.constant 12800 : i32
          %dma_wait3A_281 = tpu.memref_slice %dma_wait3A_279[%dma_wait3A_280] : memref<25600xf32, #tpu.memory_space<vmem>> -> memref<12800xf32, #tpu.memory_space<vmem>>
          tpu.wait_dma2 semaphore(%arg15 : memref<!tpu.dma_semaphore, #tpu.memory_space<semaphore_mem>>) src(%dma_wait3A_281 : memref<12800xf32, #tpu.memory_space<vmem>>) dst(%dma_wait3A_276 : memref<12800xf32, #tpu.memory_space<hbm>>)
        } else {
        }
        %scan3A_208 = arith.constant 1 : i32
        %scan3A_209 = arith.constant 1 : i32
        %scan3A_210 = arith.constant 0 : i32
        %scan3A_211 = arith.constant 0 : i32
        %scan3A_212 = arith.constant 50 : i32
        %scan3A_213 = arith.addi %scan3A_211, %scan3A_212 : i32
        %scan3A_214 = arith.constant 1 : i32
        %scan3A_215 = scf.for %scan3A_250 = %scan3A_211 to %scan3A_213 step %scan3A_214 iter_args(%scan3A_251 = %scan3A_210) -> (i32)  : i32 {
          %mul3A_252 = arith.constant 4 : i32
          %mul3A_253 = arith.muli %scan3A_250, %mul3A_252 : i32
          %add3A_254 = arith.constant 0 : i32
          %add3A_255 = arith.addi %mul3A_253, %add3A_254 : i32
          %mul3A_256 = arith.constant 16 : i32
          %mul3A_257 = arith.muli %add3A_255, %mul3A_256 : i32
          %get3A_258 = arith.constant 0 : i32
          %get3A_259 = tpu.memref_slice %arg8[%scan3A_208, %get3A_258] : memref<2x3200xf32, #tpu.memory_space<vmem>> -> memref<1x3200xf32, #tpu.memory_space<vmem>>
          %get3A_260 = tpu.memref_squeeze %get3A_259 : memref<1x3200xf32, #tpu.memory_space<vmem>> -> memref<3200xf32, #tpu.memory_space<vmem>>
          %get3A_261 = arith.index_cast %mul3A_257 : i32 to index
          %get3A_262 = tpu.vector_load %get3A_260[%get3A_261] {strides = array<i32>} : memref<3200xf32, #tpu.memory_space<vmem>>, vector<16xf32>,
          %min3A = arith.minimumf %get3A_262, %get3A_3 : vector<16xf32>
          %mul3A_263 = arith.mulf %min3A, %get3A_7 : vector<16xf32>
          %convert_element_type3A_264 = arith.fptosi %mul3A_263 : vector<16xf32> to vector<16xi32>
          %convert_element_type3A_265 = arith.sitofp %convert_element_type3A_264 : vector<16xi32> to vector<16xf32>
          %lt3A_266 = arith.cmpf olt, %convert_element_type3A_265, %mul3A_263 : vector<16xf32>
          %add3A_267 = arith.constant 1 : i32
          %add3A_268 = vector.broadcast %add3A_267 : i32 to vector<16xi32>
          %add3A_269 = arith.addi %convert_element_type3A_264, %add3A_268 : vector<16xi32>
          %select_n3A_270 = arith.select %lt3A_266, %add3A_269, %convert_element_type3A_264 : vector<16xi1>, vector<16xi32>
          %max3A = arith.constant 0 : i32
          %max3A_271 = vector.broadcast %max3A : i32 to vector<16xi32>
          %max3A_272 = arith.maxsi %select_n3A_270, %max3A_271 : vector<16xi32>
          %min3A_273 = arith.constant 4999 : i32
          %min3A_274 = vector.broadcast %min3A_273 : i32 to vector<16xi32>
          %min3A_275 = arith.minsi %max3A_272, %min3A_274 : vector<16xi32>
          %shift_right_arithmetic3A = arith.constant 3 : i32
          %shift_right_arithmetic3A_276 = arith.shrsi %add3A_255, %shift_right_arithmetic3A : i32
          %mul3A_277 = arith.constant 1024 : i32
          %mul3A_278 = arith.muli %shift_right_arithmetic3A_276, %mul3A_277 : i32
          %and3A_279 = arith.constant 7 : i32
          %and3A_280 = arith.andi %add3A_255, %and3A_279 : i32
          %mul3A_281 = arith.constant 16 : i32
          %mul3A_282 = arith.muli %and3A_280, %mul3A_281 : i32
          %add3A_283 = arith.addi %mul3A_278, %mul3A_282 : i32
          %add3A_284 = vector.broadcast %add3A_283 : i32 to vector<16xi32>
          %add3A_285 = arith.addi %add3A_284, %iota3A : vector<16xi32>
          %add3A_286 = arith.constant 0 : i32
          %add3A_287 = vector.broadcast %add3A_286 : i32 to vector<16xi32>
          %add3A_288 = arith.addi %min3A_275, %add3A_287 : vector<16xi32>
          %gather3A = tpu.vector_load_idx %arg7[%add3A_288] : memref<40064xf32, #tpu.memory_space<vmem>>[vector<16xi32>], vector<16xf32>,
          %add3A_289 = arith.constant 0 : i32
          %add3A_290 = vector.broadcast %add3A_289 : i32 to vector<16xi32>
          %add3A_291 = arith.addi %add3A_285, %add3A_290 : vector<16xi32>
          %scatter3A = arith.constant 0 : i32
          %scatter3A_292 = tpu.memref_slice %arg9[%scan3A_209, %scatter3A] : memref<2x25600xf32, #tpu.memory_space<vmem>> -> memref<1x25600xf32, #tpu.memory_space<vmem>>
          %scatter3A_293 = tpu.memref_squeeze %scatter3A_292 : memref<1x25600xf32, #tpu.memory_space<vmem>> -> memref<25600xf32, #tpu.memory_space<vmem>>
          tpu.vector_store_idx %scatter3A_293[%add3A_291], %gather3A : memref<25600xf32, #tpu.memory_space<vmem>>[vector<16xi32>], vector<16xf32>,
          %add3A_294 = arith.constant 5008 : i32
          %add3A_295 = vector.broadcast %add3A_294 : i32 to vector<16xi32>
          %add3A_296 = arith.addi %min3A_275, %add3A_295 : vector<16xi32>
          %gather3A_297 = tpu.vector_load_idx %arg7[%add3A_296] : memref<40064xf32, #tpu.memory_space<vmem>>[vector<16xi32>], vector<16xf32>,
          %add3A_298 = arith.constant 128 : i32
          %add3A_299 = vector.broadcast %add3A_298 : i32 to vector<16xi32>
          %add3A_300 = arith.addi %add3A_285, %add3A_299 : vector<16xi32>
          %scatter3A_301 = arith.constant 0 : i32
          %scatter3A_302 = tpu.memref_slice %arg9[%scan3A_209, %scatter3A_301] : memref<2x25600xf32, #tpu.memory_space<vmem>> -> memref<1x25600xf32, #tpu.memory_space<vmem>>
          %scatter3A_303 = tpu.memref_squeeze %scatter3A_302 : memref<1x25600xf32, #tpu.memory_space<vmem>> -> memref<25600xf32, #tpu.memory_space<vmem>>
          tpu.vector_store_idx %scatter3A_303[%add3A_300], %gather3A_297 : memref<25600xf32, #tpu.memory_space<vmem>>[vector<16xi32>], vector<16xf32>,
          %add3A_304 = arith.constant 10016 : i32
          %add3A_305 = vector.broadcast %add3A_304 : i32 to vector<16xi32>
          %add3A_306 = arith.addi %min3A_275, %add3A_305 : vector<16xi32>
          %gather3A_307 = tpu.vector_load_idx %arg7[%add3A_306] : memref<40064xf32, #tpu.memory_space<vmem>>[vector<16xi32>], vector<16xf32>,
          %add3A_308 = arith.constant 256 : i32
          %add3A_309 = vector.broadcast %add3A_308 : i32 to vector<16xi32>
          %add3A_310 = arith.addi %add3A_285, %add3A_309 : vector<16xi32>
          %scatter3A_311 = arith.constant 0 : i32
          %scatter3A_312 = tpu.memref_slice %arg9[%scan3A_209, %scatter3A_311] : memref<2x25600xf32, #tpu.memory_space<vmem>> -> memref<1x25600xf32, #tpu.memory_space<vmem>>
          %scatter3A_313 = tpu.memref_squeeze %scatter3A_312 : memref<1x25600xf32, #tpu.memory_space<vmem>> -> memref<25600xf32, #tpu.memory_space<vmem>>
          tpu.vector_store_idx %scatter3A_313[%add3A_310], %gather3A_307 : memref<25600xf32, #tpu.memory_space<vmem>>[vector<16xi32>], vector<16xf32>,
          %add3A_314 = arith.constant 15024 : i32
          %add3A_315 = vector.broadcast %add3A_314 : i32 to vector<16xi32>
          %add3A_316 = arith.addi %min3A_275, %add3A_315 : vector<16xi32>
          %gather3A_317 = tpu.vector_load_idx %arg7[%add3A_316] : memref<40064xf32, #tpu.memory_space<vmem>>[vector<16xi32>], vector<16xf32>,
          %add3A_318 = arith.constant 384 : i32
          %add3A_319 = vector.broadcast %add3A_318 : i32 to vector<16xi32>
          %add3A_320 = arith.addi %add3A_285, %add3A_319 : vector<16xi32>
          %scatter3A_321 = arith.constant 0 : i32
          %scatter3A_322 = tpu.memref_slice %arg9[%scan3A_209, %scatter3A_321] : memref<2x25600xf32, #tpu.memory_space<vmem>> -> memref<1x25600xf32, #tpu.memory_space<vmem>>
          %scatter3A_323 = tpu.memref_squeeze %scatter3A_322 : memref<1x25600xf32, #tpu.memory_space<vmem>> -> memref<25600xf32, #tpu.memory_space<vmem>>
          tpu.vector_store_idx %scatter3A_323[%add3A_320], %gather3A_317 : memref<25600xf32, #tpu.memory_space<vmem>>[vector<16xi32>], vector<16xf32>,
          %add3A_324 = arith.constant 20032 : i32
          %add3A_325 = vector.broadcast %add3A_324 : i32 to vector<16xi32>
          %add3A_326 = arith.addi %min3A_275, %add3A_325 : vector<16xi32>
          %gather3A_327 = tpu.vector_load_idx %arg7[%add3A_326] : memref<40064xf32, #tpu.memory_space<vmem>>[vector<16xi32>], vector<16xf32>,
          %add3A_328 = arith.constant 512 : i32
          %add3A_329 = vector.broadcast %add3A_328 : i32 to vector<16xi32>
          %add3A_330 = arith.addi %add3A_285, %add3A_329 : vector<16xi32>
          %scatter3A_331 = arith.constant 0 : i32
          %scatter3A_332 = tpu.memref_slice %arg9[%scan3A_209, %scatter3A_331] : memref<2x25600xf32, #tpu.memory_space<vmem>> -> memref<1x25600xf32, #tpu.memory_space<vmem>>
          %scatter3A_333 = tpu.memref_squeeze %scatter3A_332 : memref<1x25600xf32, #tpu.memory_space<vmem>> -> memref<25600xf32, #tpu.memory_space<vmem>>
          tpu.vector_store_idx %scatter3A_333[%add3A_330], %gather3A_327 : memref<25600xf32, #tpu.memory_space<vmem>>[vector<16xi32>], vector<16xf32>,
          %add3A_334 = arith.constant 25040 : i32
          %add3A_335 = vector.broadcast %add3A_334 : i32 to vector<16xi32>
          %add3A_336 = arith.addi %min3A_275, %add3A_335 : vector<16xi32>
          %gather3A_337 = tpu.vector_load_idx %arg7[%add3A_336] : memref<40064xf32, #tpu.memory_space<vmem>>[vector<16xi32>], vector<16xf32>,
          %add3A_338 = arith.constant 640 : i32
          %add3A_339 = vector.broadcast %add3A_338 : i32 to vector<16xi32>
          %add3A_340 = arith.addi %add3A_285, %add3A_339 : vector<16xi32>
          %scatter3A_341 = arith.constant 0 : i32
          %scatter3A_342 = tpu.memref_slice %arg9[%scan3A_209, %scatter3A_341] : memref<2x25600xf32, #tpu.memory_space<vmem>> -> memref<1x25600xf32, #tpu.memory_space<vmem>>
          %scatter3A_343 = tpu.memref_squeeze %scatter3A_342 : memref<1x25600xf32, #tpu.memory_space<vmem>> -> memref<25600xf32, #tpu.memory_space<vmem>>
          tpu.vector_store_idx %scatter3A_343[%add3A_340], %gather3A_337 : memref<25600xf32, #tpu.memory_space<vmem>>[vector<16xi32>], vector<16xf32>,
          %add3A_344 = arith.constant 30048 : i32
          %add3A_345 = vector.broadcast %add3A_344 : i32 to vector<16xi32>
          %add3A_346 = arith.addi %min3A_275, %add3A_345 : vector<16xi32>
          %gather3A_347 = tpu.vector_load_idx %arg7[%add3A_346] : memref<40064xf32, #tpu.memory_space<vmem>>[vector<16xi32>], vector<16xf32>,
          %add3A_348 = arith.constant 768 : i32
          %add3A_349 = vector.broadcast %add3A_348 : i32 to vector<16xi32>
          %add3A_350 = arith.addi %add3A_285, %add3A_349 : vector<16xi32>
          %scatter3A_351 = arith.constant 0 : i32
          %scatter3A_352 = tpu.memref_slice %arg9[%scan3A_209, %scatter3A_351] : memref<2x25600xf32, #tpu.memory_space<vmem>> -> memref<1x25600xf32, #tpu.memory_space<vmem>>
          %scatter3A_353 = tpu.memref_squeeze %scatter3A_352 : memref<1x25600xf32, #tpu.memory_space<vmem>> -> memref<25600xf32, #tpu.memory_space<vmem>>
          tpu.vector_store_idx %scatter3A_353[%add3A_350], %gather3A_347 : memref<25600xf32, #tpu.memory_space<vmem>>[vector<16xi32>], vector<16xf32>,
          %add3A_354 = arith.constant 35056 : i32
          %add3A_355 = vector.broadcast %add3A_354 : i32 to vector<16xi32>
          %add3A_356 = arith.addi %min3A_275, %add3A_355 : vector<16xi32>
          %gather3A_357 = tpu.vector_load_idx %arg7[%add3A_356] : memref<40064xf32, #tpu.memory_space<vmem>>[vector<16xi32>], vector<16xf32>,
          %add3A_358 = arith.constant 896 : i32
          %add3A_359 = vector.broadcast %add3A_358 : i32 to vector<16xi32>
          %add3A_360 = arith.addi %add3A_285, %add3A_359 : vector<16xi32>
          %scatter3A_361 = arith.constant 0 : i32
          %scatter3A_362 = tpu.memref_slice %arg9[%scan3A_209, %scatter3A_361] : memref<2x25600xf32, #tpu.memory_space<vmem>> -> memref<1x25600xf32, #tpu.memory_space<vmem>>
          %scatter3A_363 = tpu.memref_squeeze %scatter3A_362 : memref<1x25600xf32, #tpu.memory_space<vmem>> -> memref<25600xf32, #tpu.memory_space<vmem>>
          tpu.vector_store_idx %scatter3A_363[%add3A_360], %gather3A_357 : memref<25600xf32, #tpu.memory_space<vmem>>[vector<16xi32>], vector<16xf32>,
          %mul3A_364 = arith.constant 4 : i32
          %mul3A_365 = arith.muli %scan3A_250, %mul3A_364 : i32
          %add3A_366 = arith.constant 1 : i32
          %add3A_367 = arith.addi %mul3A_365, %add3A_366 : i32
          %mul3A_368 = arith.constant 16 : i32
          %mul3A_369 = arith.muli %add3A_367, %mul3A_368 : i32
          %get3A_370 = arith.constant 0 : i32
          %get3A_371 = tpu.memref_slice %arg8[%scan3A_208, %get3A_370] : memref<2x3200xf32, #tpu.memory_space<vmem>> -> memref<1x3200xf32, #tpu.memory_space<vmem>>
          %get3A_372 = tpu.memref_squeeze %get3A_371 : memref<1x3200xf32, #tpu.memory_space<vmem>> -> memref<3200xf32, #tpu.memory_space<vmem>>
          %get3A_373 = arith.index_cast %mul3A_369 : i32 to index
          %get3A_374 = tpu.vector_load %get3A_372[%get3A_373] {strides = array<i32>} : memref<3200xf32, #tpu.memory_space<vmem>>, vector<16xf32>,
          %min3A_375 = arith.minimumf %get3A_374, %get3A_3 : vector<16xf32>
          %mul3A_376 = arith.mulf %min3A_375, %get3A_7 : vector<16xf32>
          %convert_element_type3A_377 = arith.fptosi %mul3A_376 : vector<16xf32> to vector<16xi32>
          %convert_element_type3A_378 = arith.sitofp %convert_element_type3A_377 : vector<16xi32> to vector<16xf32>
          %lt3A_379 = arith.cmpf olt, %convert_element_type3A_378, %mul3A_376 : vector<16xf32>
          %add3A_380 = arith.constant 1 : i32
          %add3A_381 = vector.broadcast %add3A_380 : i32 to vector<16xi32>
          %add3A_382 = arith.addi %convert_element_type3A_377, %add3A_381 : vector<16xi32>
          %select_n3A_383 = arith.select %lt3A_379, %add3A_382, %convert_element_type3A_377 : vector<16xi1>, vector<16xi32>
          %max3A_384 = arith.constant 0 : i32
          %max3A_385 = vector.broadcast %max3A_384 : i32 to vector<16xi32>
          %max3A_386 = arith.maxsi %select_n3A_383, %max3A_385 : vector<16xi32>
          %min3A_387 = arith.constant 4999 : i32
          %min3A_388 = vector.broadcast %min3A_387 : i32 to vector<16xi32>
          %min3A_389 = arith.minsi %max3A_386, %min3A_388 : vector<16xi32>
          %shift_right_arithmetic3A_390 = arith.constant 3 : i32
          %shift_right_arithmetic3A_391 = arith.shrsi %add3A_367, %shift_right_arithmetic3A_390 : i32
          %mul3A_392 = arith.constant 1024 : i32
          %mul3A_393 = arith.muli %shift_right_arithmetic3A_391, %mul3A_392 : i32
          %and3A_394 = arith.constant 7 : i32
          %and3A_395 = arith.andi %add3A_367, %and3A_394 : i32
          %mul3A_396 = arith.constant 16 : i32
          %mul3A_397 = arith.muli %and3A_395, %mul3A_396 : i32
          %add3A_398 = arith.addi %mul3A_393, %mul3A_397 : i32
          %add3A_399 = vector.broadcast %add3A_398 : i32 to vector<16xi32>
          %add3A_400 = arith.addi %add3A_399, %iota3A : vector<16xi32>
          %add3A_401 = arith.constant 0 : i32
          %add3A_402 = vector.broadcast %add3A_401 : i32 to vector<16xi32>
          %add3A_403 = arith.addi %min3A_389, %add3A_402 : vector<16xi32>
          %gather3A_404 = tpu.vector_load_idx %arg7[%add3A_403] : memref<40064xf32, #tpu.memory_space<vmem>>[vector<16xi32>], vector<16xf32>,
          %add3A_405 = arith.constant 0 : i32
          %add3A_406 = vector.broadcast %add3A_405 : i32 to vector<16xi32>
          %add3A_407 = arith.addi %add3A_400, %add3A_406 : vector<16xi32>
          %scatter3A_408 = arith.constant 0 : i32
          %scatter3A_409 = tpu.memref_slice %arg9[%scan3A_209, %scatter3A_408] : memref<2x25600xf32, #tpu.memory_space<vmem>> -> memref<1x25600xf32, #tpu.memory_space<vmem>>
          %scatter3A_410 = tpu.memref_squeeze %scatter3A_409 : memref<1x25600xf32, #tpu.memory_space<vmem>> -> memref<25600xf32, #tpu.memory_space<vmem>>
          tpu.vector_store_idx %scatter3A_410[%add3A_407], %gather3A_404 : memref<25600xf32, #tpu.memory_space<vmem>>[vector<16xi32>], vector<16xf32>,
          %add3A_411 = arith.constant 5008 : i32
          %add3A_412 = vector.broadcast %add3A_411 : i32 to vector<16xi32>
          %add3A_413 = arith.addi %min3A_389, %add3A_412 : vector<16xi32>
          %gather3A_414 = tpu.vector_load_idx %arg7[%add3A_413] : memref<40064xf32, #tpu.memory_space<vmem>>[vector<16xi32>], vector<16xf32>,
          %add3A_415 = arith.constant 128 : i32
          %add3A_416 = vector.broadcast %add3A_415 : i32 to vector<16xi32>
          %add3A_417 = arith.addi %add3A_400, %add3A_416 : vector<16xi32>
          %scatter3A_418 = arith.constant 0 : i32
          %scatter3A_419 = tpu.memref_slice %arg9[%scan3A_209, %scatter3A_418] : memref<2x25600xf32, #tpu.memory_space<vmem>> -> memref<1x25600xf32, #tpu.memory_space<vmem>>
          %scatter3A_420 = tpu.memref_squeeze %scatter3A_419 : memref<1x25600xf32, #tpu.memory_space<vmem>> -> memref<25600xf32, #tpu.memory_space<vmem>>
          tpu.vector_store_idx %scatter3A_420[%add3A_417], %gather3A_414 : memref<25600xf32, #tpu.memory_space<vmem>>[vector<16xi32>], vector<16xf32>,
          %add3A_421 = arith.constant 10016 : i32
          %add3A_422 = vector.broadcast %add3A_421 : i32 to vector<16xi32>
          %add3A_423 = arith.addi %min3A_389, %add3A_422 : vector<16xi32>
          %gather3A_424 = tpu.vector_load_idx %arg7[%add3A_423] : memref<40064xf32, #tpu.memory_space<vmem>>[vector<16xi32>], vector<16xf32>,
          %add3A_425 = arith.constant 256 : i32
          %add3A_426 = vector.broadcast %add3A_425 : i32 to vector<16xi32>
          %add3A_427 = arith.addi %add3A_400, %add3A_426 : vector<16xi32>
          %scatter3A_428 = arith.constant 0 : i32
          %scatter3A_429 = tpu.memref_slice %arg9[%scan3A_209, %scatter3A_428] : memref<2x25600xf32, #tpu.memory_space<vmem>> -> memref<1x25600xf32, #tpu.memory_space<vmem>>
          %scatter3A_430 = tpu.memref_squeeze %scatter3A_429 : memref<1x25600xf32, #tpu.memory_space<vmem>> -> memref<25600xf32, #tpu.memory_space<vmem>>
          tpu.vector_store_idx %scatter3A_430[%add3A_427], %gather3A_424 : memref<25600xf32, #tpu.memory_space<vmem>>[vector<16xi32>], vector<16xf32>,
          %add3A_431 = arith.constant 15024 : i32
          %add3A_432 = vector.broadcast %add3A_431 : i32 to vector<16xi32>
          %add3A_433 = arith.addi %min3A_389, %add3A_432 : vector<16xi32>
          %gather3A_434 = tpu.vector_load_idx %arg7[%add3A_433] : memref<40064xf32, #tpu.memory_space<vmem>>[vector<16xi32>], vector<16xf32>,
          %add3A_435 = arith.constant 384 : i32
          %add3A_436 = vector.broadcast %add3A_435 : i32 to vector<16xi32>
          %add3A_437 = arith.addi %add3A_400, %add3A_436 : vector<16xi32>
          %scatter3A_438 = arith.constant 0 : i32
          %scatter3A_439 = tpu.memref_slice %arg9[%scan3A_209, %scatter3A_438] : memref<2x25600xf32, #tpu.memory_space<vmem>> -> memref<1x25600xf32, #tpu.memory_space<vmem>>
          %scatter3A_440 = tpu.memref_squeeze %scatter3A_439 : memref<1x25600xf32, #tpu.memory_space<vmem>> -> memref<25600xf32, #tpu.memory_space<vmem>>
          tpu.vector_store_idx %scatter3A_440[%add3A_437], %gather3A_434 : memref<25600xf32, #tpu.memory_space<vmem>>[vector<16xi32>], vector<16xf32>,
          %add3A_441 = arith.constant 20032 : i32
          %add3A_442 = vector.broadcast %add3A_441 : i32 to vector<16xi32>
          %add3A_443 = arith.addi %min3A_389, %add3A_442 : vector<16xi32>
          %gather3A_444 = tpu.vector_load_idx %arg7[%add3A_443] : memref<40064xf32, #tpu.memory_space<vmem>>[vector<16xi32>], vector<16xf32>,
          %add3A_445 = arith.constant 512 : i32
          %add3A_446 = vector.broadcast %add3A_445 : i32 to vector<16xi32>
          %add3A_447 = arith.addi %add3A_400, %add3A_446 : vector<16xi32>
          %scatter3A_448 = arith.constant 0 : i32
          %scatter3A_449 = tpu.memref_slice %arg9[%scan3A_209, %scatter3A_448] : memref<2x25600xf32, #tpu.memory_space<vmem>> -> memref<1x25600xf32, #tpu.memory_space<vmem>>
          %scatter3A_450 = tpu.memref_squeeze %scatter3A_449 : memref<1x25600xf32, #tpu.memory_space<vmem>> -> memref<25600xf32, #tpu.memory_space<vmem>>
          tpu.vector_store_idx %scatter3A_450[%add3A_447], %gather3A_444 : memref<25600xf32, #tpu.memory_space<vmem>>[vector<16xi32>], vector<16xf32>,
          %add3A_451 = arith.constant 25040 : i32
          %add3A_452 = vector.broadcast %add3A_451 : i32 to vector<16xi32>
          %add3A_453 = arith.addi %min3A_389, %add3A_452 : vector<16xi32>
          %gather3A_454 = tpu.vector_load_idx %arg7[%add3A_453] : memref<40064xf32, #tpu.memory_space<vmem>>[vector<16xi32>], vector<16xf32>,
          %add3A_455 = arith.constant 640 : i32
          %add3A_456 = vector.broadcast %add3A_455 : i32 to vector<16xi32>
          %add3A_457 = arith.addi %add3A_400, %add3A_456 : vector<16xi32>
          %scatter3A_458 = arith.constant 0 : i32
          %scatter3A_459 = tpu.memref_slice %arg9[%scan3A_209, %scatter3A_458] : memref<2x25600xf32, #tpu.memory_space<vmem>> -> memref<1x25600xf32, #tpu.memory_space<vmem>>
          %scatter3A_460 = tpu.memref_squeeze %scatter3A_459 : memref<1x25600xf32, #tpu.memory_space<vmem>> -> memref<25600xf32, #tpu.memory_space<vmem>>
          tpu.vector_store_idx %scatter3A_460[%add3A_457], %gather3A_454 : memref<25600xf32, #tpu.memory_space<vmem>>[vector<16xi32>], vector<16xf32>,
          %add3A_461 = arith.constant 30048 : i32
          %add3A_462 = vector.broadcast %add3A_461 : i32 to vector<16xi32>
          %add3A_463 = arith.addi %min3A_389, %add3A_462 : vector<16xi32>
          %gather3A_464 = tpu.vector_load_idx %arg7[%add3A_463] : memref<40064xf32, #tpu.memory_space<vmem>>[vector<16xi32>], vector<16xf32>,
          %add3A_465 = arith.constant 768 : i32
          %add3A_466 = vector.broadcast %add3A_465 : i32 to vector<16xi32>
          %add3A_467 = arith.addi %add3A_400, %add3A_466 : vector<16xi32>
          %scatter3A_468 = arith.constant 0 : i32
          %scatter3A_469 = tpu.memref_slice %arg9[%scan3A_209, %scatter3A_468] : memref<2x25600xf32, #tpu.memory_space<vmem>> -> memref<1x25600xf32, #tpu.memory_space<vmem>>
          %scatter3A_470 = tpu.memref_squeeze %scatter3A_469 : memref<1x25600xf32, #tpu.memory_space<vmem>> -> memref<25600xf32, #tpu.memory_space<vmem>>
          tpu.vector_store_idx %scatter3A_470[%add3A_467], %gather3A_464 : memref<25600xf32, #tpu.memory_space<vmem>>[vector<16xi32>], vector<16xf32>,
          %add3A_471 = arith.constant 35056 : i32
          %add3A_472 = vector.broadcast %add3A_471 : i32 to vector<16xi32>
          %add3A_473 = arith.addi %min3A_389, %add3A_472 : vector<16xi32>
          %gather3A_474 = tpu.vector_load_idx %arg7[%add3A_473] : memref<40064xf32, #tpu.memory_space<vmem>>[vector<16xi32>], vector<16xf32>,
          %add3A_475 = arith.constant 896 : i32
          %add3A_476 = vector.broadcast %add3A_475 : i32 to vector<16xi32>
          %add3A_477 = arith.addi %add3A_400, %add3A_476 : vector<16xi32>
          %scatter3A_478 = arith.constant 0 : i32
          %scatter3A_479 = tpu.memref_slice %arg9[%scan3A_209, %scatter3A_478] : memref<2x25600xf32, #tpu.memory_space<vmem>> -> memref<1x25600xf32, #tpu.memory_space<vmem>>
          %scatter3A_480 = tpu.memref_squeeze %scatter3A_479 : memref<1x25600xf32, #tpu.memory_space<vmem>> -> memref<25600xf32, #tpu.memory_space<vmem>>
          tpu.vector_store_idx %scatter3A_480[%add3A_477], %gather3A_474 : memref<25600xf32, #tpu.memory_space<vmem>>[vector<16xi32>], vector<16xf32>,
          %mul3A_481 = arith.constant 4 : i32
          %mul3A_482 = arith.muli %scan3A_250, %mul3A_481 : i32
          %add3A_483 = arith.constant 2 : i32
          %add3A_484 = arith.addi %mul3A_482, %add3A_483 : i32
          %mul3A_485 = arith.constant 16 : i32
          %mul3A_486 = arith.muli %add3A_484, %mul3A_485 : i32
          %get3A_487 = arith.constant 0 : i32
          %get3A_488 = tpu.memref_slice %arg8[%scan3A_208, %get3A_487] : memref<2x3200xf32, #tpu.memory_space<vmem>> -> memref<1x3200xf32, #tpu.memory_space<vmem>>
          %get3A_489 = tpu.memref_squeeze %get3A_488 : memref<1x3200xf32, #tpu.memory_space<vmem>> -> memref<3200xf32, #tpu.memory_space<vmem>>
          %get3A_490 = arith.index_cast %mul3A_486 : i32 to index
          %get3A_491 = tpu.vector_load %get3A_489[%get3A_490] {strides = array<i32>} : memref<3200xf32, #tpu.memory_space<vmem>>, vector<16xf32>,
          %min3A_492 = arith.minimumf %get3A_491, %get3A_3 : vector<16xf32>
          %mul3A_493 = arith.mulf %min3A_492, %get3A_7 : vector<16xf32>
          %convert_element_type3A_494 = arith.fptosi %mul3A_493 : vector<16xf32> to vector<16xi32>
          %convert_element_type3A_495 = arith.sitofp %convert_element_type3A_494 : vector<16xi32> to vector<16xf32>
          %lt3A_496 = arith.cmpf olt, %convert_element_type3A_495, %mul3A_493 : vector<16xf32>
          %add3A_497 = arith.constant 1 : i32
          %add3A_498 = vector.broadcast %add3A_497 : i32 to vector<16xi32>
          %add3A_499 = arith.addi %convert_element_type3A_494, %add3A_498 : vector<16xi32>
          %select_n3A_500 = arith.select %lt3A_496, %add3A_499, %convert_element_type3A_494 : vector<16xi1>, vector<16xi32>
          %max3A_501 = arith.constant 0 : i32
          %max3A_502 = vector.broadcast %max3A_501 : i32 to vector<16xi32>
          %max3A_503 = arith.maxsi %select_n3A_500, %max3A_502 : vector<16xi32>
          %min3A_504 = arith.constant 4999 : i32
          %min3A_505 = vector.broadcast %min3A_504 : i32 to vector<16xi32>
          %min3A_506 = arith.minsi %max3A_503, %min3A_505 : vector<16xi32>
          %shift_right_arithmetic3A_507 = arith.constant 3 : i32
          %shift_right_arithmetic3A_508 = arith.shrsi %add3A_484, %shift_right_arithmetic3A_507 : i32
          %mul3A_509 = arith.constant 1024 : i32
          %mul3A_510 = arith.muli %shift_right_arithmetic3A_508, %mul3A_509 : i32
          %and3A_511 = arith.constant 7 : i32
          %and3A_512 = arith.andi %add3A_484, %and3A_511 : i32
          %mul3A_513 = arith.constant 16 : i32
          %mul3A_514 = arith.muli %and3A_512, %mul3A_513 : i32
          %add3A_515 = arith.addi %mul3A_510, %mul3A_514 : i32
          %add3A_516 = vector.broadcast %add3A_515 : i32 to vector<16xi32>
          %add3A_517 = arith.addi %add3A_516, %iota3A : vector<16xi32>
          %add3A_518 = arith.constant 0 : i32
          %add3A_519 = vector.broadcast %add3A_518 : i32 to vector<16xi32>
          %add3A_520 = arith.addi %min3A_506, %add3A_519 : vector<16xi32>
          %gather3A_521 = tpu.vector_load_idx %arg7[%add3A_520] : memref<40064xf32, #tpu.memory_space<vmem>>[vector<16xi32>], vector<16xf32>,
          %add3A_522 = arith.constant 0 : i32
          %add3A_523 = vector.broadcast %add3A_522 : i32 to vector<16xi32>
          %add3A_524 = arith.addi %add3A_517, %add3A_523 : vector<16xi32>
          %scatter3A_525 = arith.constant 0 : i32
          %scatter3A_526 = tpu.memref_slice %arg9[%scan3A_209, %scatter3A_525] : memref<2x25600xf32, #tpu.memory_space<vmem>> -> memref<1x25600xf32, #tpu.memory_space<vmem>>
          %scatter3A_527 = tpu.memref_squeeze %scatter3A_526 : memref<1x25600xf32, #tpu.memory_space<vmem>> -> memref<25600xf32, #tpu.memory_space<vmem>>
          tpu.vector_store_idx %scatter3A_527[%add3A_524], %gather3A_521 : memref<25600xf32, #tpu.memory_space<vmem>>[vector<16xi32>], vector<16xf32>,
          %add3A_528 = arith.constant 5008 : i32
          %add3A_529 = vector.broadcast %add3A_528 : i32 to vector<16xi32>
          %add3A_530 = arith.addi %min3A_506, %add3A_529 : vector<16xi32>
          %gather3A_531 = tpu.vector_load_idx %arg7[%add3A_530] : memref<40064xf32, #tpu.memory_space<vmem>>[vector<16xi32>], vector<16xf32>,
          %add3A_532 = arith.constant 128 : i32
          %add3A_533 = vector.broadcast %add3A_532 : i32 to vector<16xi32>
          %add3A_534 = arith.addi %add3A_517, %add3A_533 : vector<16xi32>
          %scatter3A_535 = arith.constant 0 : i32
          %scatter3A_536 = tpu.memref_slice %arg9[%scan3A_209, %scatter3A_535] : memref<2x25600xf32, #tpu.memory_space<vmem>> -> memref<1x25600xf32, #tpu.memory_space<vmem>>
          %scatter3A_537 = tpu.memref_squeeze %scatter3A_536 : memref<1x25600xf32, #tpu.memory_space<vmem>> -> memref<25600xf32, #tpu.memory_space<vmem>>
          tpu.vector_store_idx %scatter3A_537[%add3A_534], %gather3A_531 : memref<25600xf32, #tpu.memory_space<vmem>>[vector<16xi32>], vector<16xf32>,
          %add3A_538 = arith.constant 10016 : i32
          %add3A_539 = vector.broadcast %add3A_538 : i32 to vector<16xi32>
          %add3A_540 = arith.addi %min3A_506, %add3A_539 : vector<16xi32>
          %gather3A_541 = tpu.vector_load_idx %arg7[%add3A_540] : memref<40064xf32, #tpu.memory_space<vmem>>[vector<16xi32>], vector<16xf32>,
          %add3A_542 = arith.constant 256 : i32
          %add3A_543 = vector.broadcast %add3A_542 : i32 to vector<16xi32>
          %add3A_544 = arith.addi %add3A_517, %add3A_543 : vector<16xi32>
          %scatter3A_545 = arith.constant 0 : i32
          %scatter3A_546 = tpu.memref_slice %arg9[%scan3A_209, %scatter3A_545] : memref<2x25600xf32, #tpu.memory_space<vmem>> -> memref<1x25600xf32, #tpu.memory_space<vmem>>
          %scatter3A_547 = tpu.memref_squeeze %scatter3A_546 : memref<1x25600xf32, #tpu.memory_space<vmem>> -> memref<25600xf32, #tpu.memory_space<vmem>>
          tpu.vector_store_idx %scatter3A_547[%add3A_544], %gather3A_541 : memref<25600xf32, #tpu.memory_space<vmem>>[vector<16xi32>], vector<16xf32>,
          %add3A_548 = arith.constant 15024 : i32
          %add3A_549 = vector.broadcast %add3A_548 : i32 to vector<16xi32>
          %add3A_550 = arith.addi %min3A_506, %add3A_549 : vector<16xi32>
          %gather3A_551 = tpu.vector_load_idx %arg7[%add3A_550] : memref<40064xf32, #tpu.memory_space<vmem>>[vector<16xi32>], vector<16xf32>,
          %add3A_552 = arith.constant 384 : i32
          %add3A_553 = vector.broadcast %add3A_552 : i32 to vector<16xi32>
          %add3A_554 = arith.addi %add3A_517, %add3A_553 : vector<16xi32>
          %scatter3A_555 = arith.constant 0 : i32
          %scatter3A_556 = tpu.memref_slice %arg9[%scan3A_209, %scatter3A_555] : memref<2x25600xf32, #tpu.memory_space<vmem>> -> memref<1x25600xf32, #tpu.memory_space<vmem>>
          %scatter3A_557 = tpu.memref_squeeze %scatter3A_556 : memref<1x25600xf32, #tpu.memory_space<vmem>> -> memref<25600xf32, #tpu.memory_space<vmem>>
          tpu.vector_store_idx %scatter3A_557[%add3A_554], %gather3A_551 : memref<25600xf32, #tpu.memory_space<vmem>>[vector<16xi32>], vector<16xf32>,
          %add3A_558 = arith.constant 20032 : i32
          %add3A_559 = vector.broadcast %add3A_558 : i32 to vector<16xi32>
          %add3A_560 = arith.addi %min3A_506, %add3A_559 : vector<16xi32>
          %gather3A_561 = tpu.vector_load_idx %arg7[%add3A_560] : memref<40064xf32, #tpu.memory_space<vmem>>[vector<16xi32>], vector<16xf32>,
          %add3A_562 = arith.constant 512 : i32
          %add3A_563 = vector.broadcast %add3A_562 : i32 to vector<16xi32>
          %add3A_564 = arith.addi %add3A_517, %add3A_563 : vector<16xi32>
          %scatter3A_565 = arith.constant 0 : i32
          %scatter3A_566 = tpu.memref_slice %arg9[%scan3A_209, %scatter3A_565] : memref<2x25600xf32, #tpu.memory_space<vmem>> -> memref<1x25600xf32, #tpu.memory_space<vmem>>
          %scatter3A_567 = tpu.memref_squeeze %scatter3A_566 : memref<1x25600xf32, #tpu.memory_space<vmem>> -> memref<25600xf32, #tpu.memory_space<vmem>>
          tpu.vector_store_idx %scatter3A_567[%add3A_564], %gather3A_561 : memref<25600xf32, #tpu.memory_space<vmem>>[vector<16xi32>], vector<16xf32>,
          %add3A_568 = arith.constant 25040 : i32
          %add3A_569 = vector.broadcast %add3A_568 : i32 to vector<16xi32>
          %add3A_570 = arith.addi %min3A_506, %add3A_569 : vector<16xi32>
          %gather3A_571 = tpu.vector_load_idx %arg7[%add3A_570] : memref<40064xf32, #tpu.memory_space<vmem>>[vector<16xi32>], vector<16xf32>,
          %add3A_572 = arith.constant 640 : i32
          %add3A_573 = vector.broadcast %add3A_572 : i32 to vector<16xi32>
          %add3A_574 = arith.addi %add3A_517, %add3A_573 : vector<16xi32>
          %scatter3A_575 = arith.constant 0 : i32
          %scatter3A_576 = tpu.memref_slice %arg9[%scan3A_209, %scatter3A_575] : memref<2x25600xf32, #tpu.memory_space<vmem>> -> memref<1x25600xf32, #tpu.memory_space<vmem>>
          %scatter3A_577 = tpu.memref_squeeze %scatter3A_576 : memref<1x25600xf32, #tpu.memory_space<vmem>> -> memref<25600xf32, #tpu.memory_space<vmem>>
          tpu.vector_store_idx %scatter3A_577[%add3A_574], %gather3A_571 : memref<25600xf32, #tpu.memory_space<vmem>>[vector<16xi32>], vector<16xf32>,
          %add3A_578 = arith.constant 30048 : i32
          %add3A_579 = vector.broadcast %add3A_578 : i32 to vector<16xi32>
          %add3A_580 = arith.addi %min3A_506, %add3A_579 : vector<16xi32>
          %gather3A_581 = tpu.vector_load_idx %arg7[%add3A_580] : memref<40064xf32, #tpu.memory_space<vmem>>[vector<16xi32>], vector<16xf32>,
          %add3A_582 = arith.constant 768 : i32
          %add3A_583 = vector.broadcast %add3A_582 : i32 to vector<16xi32>
          %add3A_584 = arith.addi %add3A_517, %add3A_583 : vector<16xi32>
          %scatter3A_585 = arith.constant 0 : i32
          %scatter3A_586 = tpu.memref_slice %arg9[%scan3A_209, %scatter3A_585] : memref<2x25600xf32, #tpu.memory_space<vmem>> -> memref<1x25600xf32, #tpu.memory_space<vmem>>
          %scatter3A_587 = tpu.memref_squeeze %scatter3A_586 : memref<1x25600xf32, #tpu.memory_space<vmem>> -> memref<25600xf32, #tpu.memory_space<vmem>>
          tpu.vector_store_idx %scatter3A_587[%add3A_584], %gather3A_581 : memref<25600xf32, #tpu.memory_space<vmem>>[vector<16xi32>], vector<16xf32>,
          %add3A_588 = arith.constant 35056 : i32
          %add3A_589 = vector.broadcast %add3A_588 : i32 to vector<16xi32>
          %add3A_590 = arith.addi %min3A_506, %add3A_589 : vector<16xi32>
          %gather3A_591 = tpu.vector_load_idx %arg7[%add3A_590] : memref<40064xf32, #tpu.memory_space<vmem>>[vector<16xi32>], vector<16xf32>,
          %add3A_592 = arith.constant 896 : i32
          %add3A_593 = vector.broadcast %add3A_592 : i32 to vector<16xi32>
          %add3A_594 = arith.addi %add3A_517, %add3A_593 : vector<16xi32>
          %scatter3A_595 = arith.constant 0 : i32
          %scatter3A_596 = tpu.memref_slice %arg9[%scan3A_209, %scatter3A_595] : memref<2x25600xf32, #tpu.memory_space<vmem>> -> memref<1x25600xf32, #tpu.memory_space<vmem>>
          %scatter3A_597 = tpu.memref_squeeze %scatter3A_596 : memref<1x25600xf32, #tpu.memory_space<vmem>> -> memref<25600xf32, #tpu.memory_space<vmem>>
          tpu.vector_store_idx %scatter3A_597[%add3A_594], %gather3A_591 : memref<25600xf32, #tpu.memory_space<vmem>>[vector<16xi32>], vector<16xf32>,
          %mul3A_598 = arith.constant 4 : i32
          %mul3A_599 = arith.muli %scan3A_250, %mul3A_598 : i32
          %add3A_600 = arith.constant 3 : i32
          %add3A_601 = arith.addi %mul3A_599, %add3A_600 : i32
          %mul3A_602 = arith.constant 16 : i32
          %mul3A_603 = arith.muli %add3A_601, %mul3A_602 : i32
          %get3A_604 = arith.constant 0 : i32
          %get3A_605 = tpu.memref_slice %arg8[%scan3A_208, %get3A_604] : memref<2x3200xf32, #tpu.memory_space<vmem>> -> memref<1x3200xf32, #tpu.memory_space<vmem>>
          %get3A_606 = tpu.memref_squeeze %get3A_605 : memref<1x3200xf32, #tpu.memory_space<vmem>> -> memref<3200xf32, #tpu.memory_space<vmem>>
          %get3A_607 = arith.index_cast %mul3A_603 : i32 to index
          %get3A_608 = tpu.vector_load %get3A_606[%get3A_607] {strides = array<i32>} : memref<3200xf32, #tpu.memory_space<vmem>>, vector<16xf32>,
          %min3A_609 = arith.minimumf %get3A_608, %get3A_3 : vector<16xf32>
          %mul3A_610 = arith.mulf %min3A_609, %get3A_7 : vector<16xf32>
          %convert_element_type3A_611 = arith.fptosi %mul3A_610 : vector<16xf32> to vector<16xi32>
          %convert_element_type3A_612 = arith.sitofp %convert_element_type3A_611 : vector<16xi32> to vector<16xf32>
          %lt3A_613 = arith.cmpf olt, %convert_element_type3A_612, %mul3A_610 : vector<16xf32>
          %add3A_614 = arith.constant 1 : i32
          %add3A_615 = vector.broadcast %add3A_614 : i32 to vector<16xi32>
          %add3A_616 = arith.addi %convert_element_type3A_611, %add3A_615 : vector<16xi32>
          %select_n3A_617 = arith.select %lt3A_613, %add3A_616, %convert_element_type3A_611 : vector<16xi1>, vector<16xi32>
          %max3A_618 = arith.constant 0 : i32
          %max3A_619 = vector.broadcast %max3A_618 : i32 to vector<16xi32>
          %max3A_620 = arith.maxsi %select_n3A_617, %max3A_619 : vector<16xi32>
          %min3A_621 = arith.constant 4999 : i32
          %min3A_622 = vector.broadcast %min3A_621 : i32 to vector<16xi32>
          %min3A_623 = arith.minsi %max3A_620, %min3A_622 : vector<16xi32>
          %shift_right_arithmetic3A_624 = arith.constant 3 : i32
          %shift_right_arithmetic3A_625 = arith.shrsi %add3A_601, %shift_right_arithmetic3A_624 : i32
          %mul3A_626 = arith.constant 1024 : i32
          %mul3A_627 = arith.muli %shift_right_arithmetic3A_625, %mul3A_626 : i32
          %and3A_628 = arith.constant 7 : i32
          %and3A_629 = arith.andi %add3A_601, %and3A_628 : i32
          %mul3A_630 = arith.constant 16 : i32
          %mul3A_631 = arith.muli %and3A_629, %mul3A_630 : i32
          %add3A_632 = arith.addi %mul3A_627, %mul3A_631 : i32
          %add3A_633 = vector.broadcast %add3A_632 : i32 to vector<16xi32>
          %add3A_634 = arith.addi %add3A_633, %iota3A : vector<16xi32>
          %add3A_635 = arith.constant 0 : i32
          %add3A_636 = vector.broadcast %add3A_635 : i32 to vector<16xi32>
          %add3A_637 = arith.addi %min3A_623, %add3A_636 : vector<16xi32>
          %gather3A_638 = tpu.vector_load_idx %arg7[%add3A_637] : memref<40064xf32, #tpu.memory_space<vmem>>[vector<16xi32>], vector<16xf32>,
          %add3A_639 = arith.constant 0 : i32
          %add3A_640 = vector.broadcast %add3A_639 : i32 to vector<16xi32>
          %add3A_641 = arith.addi %add3A_634, %add3A_640 : vector<16xi32>
          %scatter3A_642 = arith.constant 0 : i32
          %scatter3A_643 = tpu.memref_slice %arg9[%scan3A_209, %scatter3A_642] : memref<2x25600xf32, #tpu.memory_space<vmem>> -> memref<1x25600xf32, #tpu.memory_space<vmem>>
          %scatter3A_644 = tpu.memref_squeeze %scatter3A_643 : memref<1x25600xf32, #tpu.memory_space<vmem>> -> memref<25600xf32, #tpu.memory_space<vmem>>
          tpu.vector_store_idx %scatter3A_644[%add3A_641], %gather3A_638 : memref<25600xf32, #tpu.memory_space<vmem>>[vector<16xi32>], vector<16xf32>,
          %add3A_645 = arith.constant 5008 : i32
          %add3A_646 = vector.broadcast %add3A_645 : i32 to vector<16xi32>
          %add3A_647 = arith.addi %min3A_623, %add3A_646 : vector<16xi32>
          %gather3A_648 = tpu.vector_load_idx %arg7[%add3A_647] : memref<40064xf32, #tpu.memory_space<vmem>>[vector<16xi32>], vector<16xf32>,
          %add3A_649 = arith.constant 128 : i32
          %add3A_650 = vector.broadcast %add3A_649 : i32 to vector<16xi32>
          %add3A_651 = arith.addi %add3A_634, %add3A_650 : vector<16xi32>
          %scatter3A_652 = arith.constant 0 : i32
          %scatter3A_653 = tpu.memref_slice %arg9[%scan3A_209, %scatter3A_652] : memref<2x25600xf32, #tpu.memory_space<vmem>> -> memref<1x25600xf32, #tpu.memory_space<vmem>>
          %scatter3A_654 = tpu.memref_squeeze %scatter3A_653 : memref<1x25600xf32, #tpu.memory_space<vmem>> -> memref<25600xf32, #tpu.memory_space<vmem>>
          tpu.vector_store_idx %scatter3A_654[%add3A_651], %gather3A_648 : memref<25600xf32, #tpu.memory_space<vmem>>[vector<16xi32>], vector<16xf32>,
          %add3A_655 = arith.constant 10016 : i32
          %add3A_656 = vector.broadcast %add3A_655 : i32 to vector<16xi32>
          %add3A_657 = arith.addi %min3A_623, %add3A_656 : vector<16xi32>
          %gather3A_658 = tpu.vector_load_idx %arg7[%add3A_657] : memref<40064xf32, #tpu.memory_space<vmem>>[vector<16xi32>], vector<16xf32>,
          %add3A_659 = arith.constant 256 : i32
          %add3A_660 = vector.broadcast %add3A_659 : i32 to vector<16xi32>
          %add3A_661 = arith.addi %add3A_634, %add3A_660 : vector<16xi32>
          %scatter3A_662 = arith.constant 0 : i32
          %scatter3A_663 = tpu.memref_slice %arg9[%scan3A_209, %scatter3A_662] : memref<2x25600xf32, #tpu.memory_space<vmem>> -> memref<1x25600xf32, #tpu.memory_space<vmem>>
          %scatter3A_664 = tpu.memref_squeeze %scatter3A_663 : memref<1x25600xf32, #tpu.memory_space<vmem>> -> memref<25600xf32, #tpu.memory_space<vmem>>
          tpu.vector_store_idx %scatter3A_664[%add3A_661], %gather3A_658 : memref<25600xf32, #tpu.memory_space<vmem>>[vector<16xi32>], vector<16xf32>,
          %add3A_665 = arith.constant 15024 : i32
          %add3A_666 = vector.broadcast %add3A_665 : i32 to vector<16xi32>
          %add3A_667 = arith.addi %min3A_623, %add3A_666 : vector<16xi32>
          %gather3A_668 = tpu.vector_load_idx %arg7[%add3A_667] : memref<40064xf32, #tpu.memory_space<vmem>>[vector<16xi32>], vector<16xf32>,
          %add3A_669 = arith.constant 384 : i32
          %add3A_670 = vector.broadcast %add3A_669 : i32 to vector<16xi32>
          %add3A_671 = arith.addi %add3A_634, %add3A_670 : vector<16xi32>
          %scatter3A_672 = arith.constant 0 : i32
          %scatter3A_673 = tpu.memref_slice %arg9[%scan3A_209, %scatter3A_672] : memref<2x25600xf32, #tpu.memory_space<vmem>> -> memref<1x25600xf32, #tpu.memory_space<vmem>>
          %scatter3A_674 = tpu.memref_squeeze %scatter3A_673 : memref<1x25600xf32, #tpu.memory_space<vmem>> -> memref<25600xf32, #tpu.memory_space<vmem>>
          tpu.vector_store_idx %scatter3A_674[%add3A_671], %gather3A_668 : memref<25600xf32, #tpu.memory_space<vmem>>[vector<16xi32>], vector<16xf32>,
          %add3A_675 = arith.constant 20032 : i32
          %add3A_676 = vector.broadcast %add3A_675 : i32 to vector<16xi32>
          %add3A_677 = arith.addi %min3A_623, %add3A_676 : vector<16xi32>
          %gather3A_678 = tpu.vector_load_idx %arg7[%add3A_677] : memref<40064xf32, #tpu.memory_space<vmem>>[vector<16xi32>], vector<16xf32>,
          %add3A_679 = arith.constant 512 : i32
          %add3A_680 = vector.broadcast %add3A_679 : i32 to vector<16xi32>
          %add3A_681 = arith.addi %add3A_634, %add3A_680 : vector<16xi32>
          %scatter3A_682 = arith.constant 0 : i32
          %scatter3A_683 = tpu.memref_slice %arg9[%scan3A_209, %scatter3A_682] : memref<2x25600xf32, #tpu.memory_space<vmem>> -> memref<1x25600xf32, #tpu.memory_space<vmem>>
          %scatter3A_684 = tpu.memref_squeeze %scatter3A_683 : memref<1x25600xf32, #tpu.memory_space<vmem>> -> memref<25600xf32, #tpu.memory_space<vmem>>
          tpu.vector_store_idx %scatter3A_684[%add3A_681], %gather3A_678 : memref<25600xf32, #tpu.memory_space<vmem>>[vector<16xi32>], vector<16xf32>,
          %add3A_685 = arith.constant 25040 : i32
          %add3A_686 = vector.broadcast %add3A_685 : i32 to vector<16xi32>
          %add3A_687 = arith.addi %min3A_623, %add3A_686 : vector<16xi32>
          %gather3A_688 = tpu.vector_load_idx %arg7[%add3A_687] : memref<40064xf32, #tpu.memory_space<vmem>>[vector<16xi32>], vector<16xf32>,
          %add3A_689 = arith.constant 640 : i32
          %add3A_690 = vector.broadcast %add3A_689 : i32 to vector<16xi32>
          %add3A_691 = arith.addi %add3A_634, %add3A_690 : vector<16xi32>
          %scatter3A_692 = arith.constant 0 : i32
          %scatter3A_693 = tpu.memref_slice %arg9[%scan3A_209, %scatter3A_692] : memref<2x25600xf32, #tpu.memory_space<vmem>> -> memref<1x25600xf32, #tpu.memory_space<vmem>>
          %scatter3A_694 = tpu.memref_squeeze %scatter3A_693 : memref<1x25600xf32, #tpu.memory_space<vmem>> -> memref<25600xf32, #tpu.memory_space<vmem>>
          tpu.vector_store_idx %scatter3A_694[%add3A_691], %gather3A_688 : memref<25600xf32, #tpu.memory_space<vmem>>[vector<16xi32>], vector<16xf32>,
          %add3A_695 = arith.constant 30048 : i32
          %add3A_696 = vector.broadcast %add3A_695 : i32 to vector<16xi32>
          %add3A_697 = arith.addi %min3A_623, %add3A_696 : vector<16xi32>
          %gather3A_698 = tpu.vector_load_idx %arg7[%add3A_697] : memref<40064xf32, #tpu.memory_space<vmem>>[vector<16xi32>], vector<16xf32>,
          %add3A_699 = arith.constant 768 : i32
          %add3A_700 = vector.broadcast %add3A_699 : i32 to vector<16xi32>
          %add3A_701 = arith.addi %add3A_634, %add3A_700 : vector<16xi32>
          %scatter3A_702 = arith.constant 0 : i32
          %scatter3A_703 = tpu.memref_slice %arg9[%scan3A_209, %scatter3A_702] : memref<2x25600xf32, #tpu.memory_space<vmem>> -> memref<1x25600xf32, #tpu.memory_space<vmem>>
          %scatter3A_704 = tpu.memref_squeeze %scatter3A_703 : memref<1x25600xf32, #tpu.memory_space<vmem>> -> memref<25600xf32, #tpu.memory_space<vmem>>
          tpu.vector_store_idx %scatter3A_704[%add3A_701], %gather3A_698 : memref<25600xf32, #tpu.memory_space<vmem>>[vector<16xi32>], vector<16xf32>,
          %add3A_705 = arith.constant 35056 : i32
          %add3A_706 = vector.broadcast %add3A_705 : i32 to vector<16xi32>
          %add3A_707 = arith.addi %min3A_623, %add3A_706 : vector<16xi32>
          %gather3A_708 = tpu.vector_load_idx %arg7[%add3A_707] : memref<40064xf32, #tpu.memory_space<vmem>>[vector<16xi32>], vector<16xf32>,
          %add3A_709 = arith.constant 896 : i32
          %add3A_710 = vector.broadcast %add3A_709 : i32 to vector<16xi32>
          %add3A_711 = arith.addi %add3A_634, %add3A_710 : vector<16xi32>
          %scatter3A_712 = arith.constant 0 : i32
          %scatter3A_713 = tpu.memref_slice %arg9[%scan3A_209, %scatter3A_712] : memref<2x25600xf32, #tpu.memory_space<vmem>> -> memref<1x25600xf32, #tpu.memory_space<vmem>>
          %scatter3A_714 = tpu.memref_squeeze %scatter3A_713 : memref<1x25600xf32, #tpu.memory_space<vmem>> -> memref<25600xf32, #tpu.memory_space<vmem>>
          tpu.vector_store_idx %scatter3A_714[%add3A_711], %gather3A_708 : memref<25600xf32, #tpu.memory_space<vmem>>[vector<16xi32>], vector<16xf32>,
          %scan3A_715 = arith.constant 0 : i32
          scf.yield %scan3A_715 : i32
        }
        %scan3A_216 = arith.constant 50 : i32
        %mul3A_217 = arith.constant 8 : i32
        %mul3A_218 = arith.muli %mul3A_188, %mul3A_217 : i32
        %add3A_219 = arith.constant 0 : i32
        %add3A_220 = arith.addi %mul3A_218, %add3A_219 : i32
        %dma_start3A = arith.constant 1 : i32
        %dma_start3A_221 = arith.constant 0 : i32
        %dma_start3A_222 = tpu.memref_slice %arg9[%dma_start3A, %dma_start3A_221] : memref<2x25600xf32, #tpu.memory_space<vmem>> -> memref<1x25600xf32, #tpu.memory_space<vmem>>
        %dma_start3A_223 = tpu.memref_squeeze %dma_start3A_222 : memref<1x25600xf32, #tpu.memory_space<vmem>> -> memref<25600xf32, #tpu.memory_space<vmem>>
        %dma_start3A_224 = arith.constant 0 : i32
        %dma_start3A_225 = tpu.memref_slice %dma_start3A_223[%dma_start3A_224] : memref<25600xf32, #tpu.memory_space<vmem>> -> memref<12800xf32, #tpu.memory_space<vmem>>
        %dma_start3A_226 = tpu.memref_slice %arg6[%add3A_220] : memref<51200000xf32, #tpu.memory_space<hbm>> -> memref<12800xf32, #tpu.memory_space<hbm>>
        %dma_start3A_227 = tpu.memref_slice %arg6[%add3A_220] : memref<51200000xf32, #tpu.memory_space<hbm>> -> memref<12800xf32, #tpu.memory_space<hbm>>
        %dma_start3A_228 = arith.constant 0 : i32
        %dma_start3A_229 = tpu.memref_slice %arg9[%dma_start3A, %dma_start3A_228] : memref<2x25600xf32, #tpu.memory_space<vmem>> -> memref<1x25600xf32, #tpu.memory_space<vmem>>
        %dma_start3A_230 = tpu.memref_squeeze %dma_start3A_229 : memref<1x25600xf32, #tpu.memory_space<vmem>> -> memref<25600xf32, #tpu.memory_space<vmem>>
        %dma_start3A_231 = arith.constant 0 : i32
        %dma_start3A_232 = tpu.memref_slice %dma_start3A_230[%dma_start3A_231] : memref<25600xf32, #tpu.memory_space<vmem>> -> memref<12800xf32, #tpu.memory_space<vmem>>
        tpu.enqueue_dma source(%dma_start3A_232 : memref<12800xf32, #tpu.memory_space<vmem>>) target(%dma_start3A_227 : memref<12800xf32, #tpu.memory_space<hbm>>) target_semaphore(%arg14 : memref<!tpu.dma_semaphore, #tpu.memory_space<semaphore_mem>>)
        %mul3A_233 = arith.constant 8 : i32
        %mul3A_234 = arith.muli %mul3A_188, %mul3A_233 : i32
        %add3A_235 = arith.constant 12800 : i32
        %add3A_236 = arith.addi %mul3A_234, %add3A_235 : i32
        %dma_start3A_237 = arith.constant 1 : i32
        %dma_start3A_238 = arith.constant 0 : i32
        %dma_start3A_239 = tpu.memref_slice %arg9[%dma_start3A_237, %dma_start3A_238] : memref<2x25600xf32, #tpu.memory_space<vmem>> -> memref<1x25600xf32, #tpu.memory_space<vmem>>
        %dma_start3A_240 = tpu.memref_squeeze %dma_start3A_239 : memref<1x25600xf32, #tpu.memory_space<vmem>> -> memref<25600xf32, #tpu.memory_space<vmem>>
        %dma_start3A_241 = arith.constant 12800 : i32
        %dma_start3A_242 = tpu.memref_slice %dma_start3A_240[%dma_start3A_241] : memref<25600xf32, #tpu.memory_space<vmem>> -> memref<12800xf32, #tpu.memory_space<vmem>>
        %dma_start3A_243 = tpu.memref_slice %arg6[%add3A_236] : memref<51200000xf32, #tpu.memory_space<hbm>> -> memref<12800xf32, #tpu.memory_space<hbm>>
        %dma_start3A_244 = tpu.memref_slice %arg6[%add3A_236] : memref<51200000xf32, #tpu.memory_space<hbm>> -> memref<12800xf32, #tpu.memory_space<hbm>>
        %dma_start3A_245 = arith.constant 0 : i32
        %dma_start3A_246 = tpu.memref_slice %arg9[%dma_start3A_237, %dma_start3A_245] : memref<2x25600xf32, #tpu.memory_space<vmem>> -> memref<1x25600xf32, #tpu.memory_space<vmem>>
        %dma_start3A_247 = tpu.memref_squeeze %dma_start3A_246 : memref<1x25600xf32, #tpu.memory_space<vmem>> -> memref<25600xf32, #tpu.memory_space<vmem>>
        %dma_start3A_248 = arith.constant 12800 : i32
        %dma_start3A_249 = tpu.memref_slice %dma_start3A_247[%dma_start3A_248] : memref<25600xf32, #tpu.memory_space<vmem>> -> memref<12800xf32, #tpu.memory_space<vmem>>
        tpu.enqueue_dma source(%dma_start3A_249 : memref<12800xf32, #tpu.memory_space<vmem>>) target(%dma_start3A_244 : memref<12800xf32, #tpu.memory_space<hbm>>) target_semaphore(%arg15 : memref<!tpu.dma_semaphore, #tpu.memory_space<semaphore_mem>>)
      } else {
      }
      %while3A_183 = arith.constant 0 : i32
      scf.yield %while3A_183 : i32
    }
    %gt3A_156 = arith.constant 0 : i32
    %gt3A_157 = arith.cmpi sgt, %select_n3A, %gt3A_156 : i32
    %convert_element_type3A_158 = arith.extui %gt3A_157 : i1 to i32
    %cond3A_159 = arith.constant 0 : i32
    %cond3A_160 = arith.cmpi ne, %convert_element_type3A_158, %cond3A_159 : i32
    scf.if %cond3A_160 {
      %dma_wait3A = arith.constant 0 : i32
      %dma_wait3A_166 = arith.constant 0 : i32
      %dma_wait3A_167 = tpu.memref_slice %arg9[%dma_wait3A, %dma_wait3A_166] : memref<2x25600xf32, #tpu.memory_space<vmem>> -> memref<1x25600xf32, #tpu.memory_space<vmem>>
      %dma_wait3A_168 = tpu.memref_squeeze %dma_wait3A_167 : memref<1x25600xf32, #tpu.memory_space<vmem>> -> memref<25600xf32, #tpu.memory_space<vmem>>
      %dma_wait3A_169 = arith.constant 0 : i32
      %dma_wait3A_170 = tpu.memref_slice %dma_wait3A_168[%dma_wait3A_169] : memref<25600xf32, #tpu.memory_space<vmem>> -> memref<12800xf32, #tpu.memory_space<vmem>>
      %dma_wait3A_171 = arith.constant 0 : i32
      %dma_wait3A_172 = tpu.memref_slice %arg6[%dma_wait3A_171] : memref<51200000xf32, #tpu.memory_space<hbm>> -> memref<12800xf32, #tpu.memory_space<hbm>>
      %dma_wait3A_173 = arith.constant 0 : i32
      %dma_wait3A_174 = tpu.memref_slice %arg6[%dma_wait3A_173] : memref<51200000xf32, #tpu.memory_space<hbm>> -> memref<12800xf32, #tpu.memory_space<hbm>>
      %dma_wait3A_175 = arith.constant 0 : i32
      %dma_wait3A_176 = tpu.memref_slice %arg9[%dma_wait3A, %dma_wait3A_175] : memref<2x25600xf32, #tpu.memory_space<vmem>> -> memref<1x25600xf32, #tpu.memory_space<vmem>>
      %dma_wait3A_177 = tpu.memref_squeeze %dma_wait3A_176 : memref<1x25600xf32, #tpu.memory_space<vmem>> -> memref<25600xf32, #tpu.memory_space<vmem>>
      %dma_wait3A_178 = arith.constant 0 : i32
      %dma_wait3A_179 = tpu.memref_slice %dma_wait3A_177[%dma_wait3A_178] : memref<25600xf32, #tpu.memory_space<vmem>> -> memref<12800xf32, #tpu.memory_space<vmem>>
      tpu.wait_dma2 semaphore(%arg12 : memref<!tpu.dma_semaphore, #tpu.memory_space<semaphore_mem>>) src(%dma_wait3A_179 : memref<12800xf32, #tpu.memory_space<vmem>>) dst(%dma_wait3A_174 : memref<12800xf32, #tpu.memory_space<hbm>>)
      %dma_wait3A_180 = arith.constant 0 : i32
      %dma_wait3A_181 = arith.constant 0 : i32
      %dma_wait3A_182 = tpu.memref_slice %arg9[%dma_wait3A_180, %dma_wait3A_181] : memref<2x25600xf32, #tpu.memory_space<vmem>> -> memref<1x25600xf32, #tpu.memory_space<vmem>>
      %dma_wait3A_183 = tpu.memref_squeeze %dma_wait3A_182 : memref<1x25600xf32, #tpu.memory_space<vmem>> -> memref<25600xf32, #tpu.memory_space<vmem>>
      %dma_wait3A_184 = arith.constant 12800 : i32
      %dma_wait3A_185 = tpu.memref_slice %dma_wait3A_183[%dma_wait3A_184] : memref<25600xf32, #tpu.memory_space<vmem>> -> memref<12800xf32, #tpu.memory_space<vmem>>
      %dma_wait3A_186 = arith.constant 12800 : i32
      %dma_wait3A_187 = tpu.memref_slice %arg6[%dma_wait3A_186] : memref<51200000xf32, #tpu.memory_space<hbm>> -> memref<12800xf32, #tpu.memory_space<hbm>>
      %dma_wait3A_188 = arith.constant 12800 : i32
      %dma_wait3A_189 = tpu.memref_slice %arg6[%dma_wait3A_188] : memref<51200000xf32, #tpu.memory_space<hbm>> -> memref<12800xf32, #tpu.memory_space<hbm>>
      %dma_wait3A_190 = arith.constant 0 : i32
      %dma_wait3A_191 = tpu.memref_slice %arg9[%dma_wait3A_180, %dma_wait3A_190] : memref<2x25600xf32, #tpu.memory_space<vmem>> -> memref<1x25600xf32, #tpu.memory_space<vmem>>
      %dma_wait3A_192 = tpu.memref_squeeze %dma_wait3A_191 : memref<1x25600xf32, #tpu.memory_space<vmem>> -> memref<25600xf32, #tpu.memory_space<vmem>>
      %dma_wait3A_193 = arith.constant 12800 : i32
      %dma_wait3A_194 = tpu.memref_slice %dma_wait3A_192[%dma_wait3A_193] : memref<25600xf32, #tpu.memory_space<vmem>> -> memref<12800xf32, #tpu.memory_space<vmem>>
      tpu.wait_dma2 semaphore(%arg13 : memref<!tpu.dma_semaphore, #tpu.memory_space<semaphore_mem>>) src(%dma_wait3A_194 : memref<12800xf32, #tpu.memory_space<vmem>>) dst(%dma_wait3A_189 : memref<12800xf32, #tpu.memory_space<hbm>>)
    } else {
    }
    %gt3A_161 = arith.constant 1 : i32
    %gt3A_162 = arith.cmpi sgt, %select_n3A, %gt3A_161 : i32
    %convert_element_type3A_163 = arith.extui %gt3A_162 : i1 to i32
    %cond3A_164 = arith.constant 0 : i32
    %cond3A_165 = arith.cmpi ne, %convert_element_type3A_163, %cond3A_164 : i32
    scf.if %cond3A_165 {
      %dma_wait3A = arith.constant 1 : i32
      %dma_wait3A_166 = arith.constant 0 : i32
      %dma_wait3A_167 = tpu.memref_slice %arg9[%dma_wait3A, %dma_wait3A_166] : memref<2x25600xf32, #tpu.memory_space<vmem>> -> memref<1x25600xf32, #tpu.memory_space<vmem>>
      %dma_wait3A_168 = tpu.memref_squeeze %dma_wait3A_167 : memref<1x25600xf32, #tpu.memory_space<vmem>> -> memref<25600xf32, #tpu.memory_space<vmem>>
      %dma_wait3A_169 = arith.constant 0 : i32
      %dma_wait3A_170 = tpu.memref_slice %dma_wait3A_168[%dma_wait3A_169] : memref<25600xf32, #tpu.memory_space<vmem>> -> memref<12800xf32, #tpu.memory_space<vmem>>
      %dma_wait3A_171 = arith.constant 0 : i32
      %dma_wait3A_172 = tpu.memref_slice %arg6[%dma_wait3A_171] : memref<51200000xf32, #tpu.memory_space<hbm>> -> memref<12800xf32, #tpu.memory_space<hbm>>
      %dma_wait3A_173 = arith.constant 0 : i32
      %dma_wait3A_174 = tpu.memref_slice %arg6[%dma_wait3A_173] : memref<51200000xf32, #tpu.memory_space<hbm>> -> memref<12800xf32, #tpu.memory_space<hbm>>
      %dma_wait3A_175 = arith.constant 0 : i32
      %dma_wait3A_176 = tpu.memref_slice %arg9[%dma_wait3A, %dma_wait3A_175] : memref<2x25600xf32, #tpu.memory_space<vmem>> -> memref<1x25600xf32, #tpu.memory_space<vmem>>
      %dma_wait3A_177 = tpu.memref_squeeze %dma_wait3A_176 : memref<1x25600xf32, #tpu.memory_space<vmem>> -> memref<25600xf32, #tpu.memory_space<vmem>>
      %dma_wait3A_178 = arith.constant 0 : i32
      %dma_wait3A_179 = tpu.memref_slice %dma_wait3A_177[%dma_wait3A_178] : memref<25600xf32, #tpu.memory_space<vmem>> -> memref<12800xf32, #tpu.memory_space<vmem>>
      tpu.wait_dma2 semaphore(%arg14 : memref<!tpu.dma_semaphore, #tpu.memory_space<semaphore_mem>>) src(%dma_wait3A_179 : memref<12800xf32, #tpu.memory_space<vmem>>) dst(%dma_wait3A_174 : memref<12800xf32, #tpu.memory_space<hbm>>)
      %dma_wait3A_180 = arith.constant 1 : i32
      %dma_wait3A_181 = arith.constant 0 : i32
      %dma_wait3A_182 = tpu.memref_slice %arg9[%dma_wait3A_180, %dma_wait3A_181] : memref<2x25600xf32, #tpu.memory_space<vmem>> -> memref<1x25600xf32, #tpu.memory_space<vmem>>
      %dma_wait3A_183 = tpu.memref_squeeze %dma_wait3A_182 : memref<1x25600xf32, #tpu.memory_space<vmem>> -> memref<25600xf32, #tpu.memory_space<vmem>>
      %dma_wait3A_184 = arith.constant 12800 : i32
      %dma_wait3A_185 = tpu.memref_slice %dma_wait3A_183[%dma_wait3A_184] : memref<25600xf32, #tpu.memory_space<vmem>> -> memref<12800xf32, #tpu.memory_space<vmem>>
      %dma_wait3A_186 = arith.constant 12800 : i32
      %dma_wait3A_187 = tpu.memref_slice %arg6[%dma_wait3A_186] : memref<51200000xf32, #tpu.memory_space<hbm>> -> memref<12800xf32, #tpu.memory_space<hbm>>
      %dma_wait3A_188 = arith.constant 12800 : i32
      %dma_wait3A_189 = tpu.memref_slice %arg6[%dma_wait3A_188] : memref<51200000xf32, #tpu.memory_space<hbm>> -> memref<12800xf32, #tpu.memory_space<hbm>>
      %dma_wait3A_190 = arith.constant 0 : i32
      %dma_wait3A_191 = tpu.memref_slice %arg9[%dma_wait3A_180, %dma_wait3A_190] : memref<2x25600xf32, #tpu.memory_space<vmem>> -> memref<1x25600xf32, #tpu.memory_space<vmem>>
      %dma_wait3A_192 = tpu.memref_squeeze %dma_wait3A_191 : memref<1x25600xf32, #tpu.memory_space<vmem>> -> memref<25600xf32, #tpu.memory_space<vmem>>
      %dma_wait3A_193 = arith.constant 12800 : i32
      %dma_wait3A_194 = tpu.memref_slice %dma_wait3A_192[%dma_wait3A_193] : memref<25600xf32, #tpu.memory_space<vmem>> -> memref<12800xf32, #tpu.memory_space<vmem>>
      tpu.wait_dma2 semaphore(%arg15 : memref<!tpu.dma_semaphore, #tpu.memory_space<semaphore_mem>>) src(%dma_wait3A_194 : memref<12800xf32, #tpu.memory_space<vmem>>) dst(%dma_wait3A_189 : memref<12800xf32, #tpu.memory_space<hbm>>)
    } else {
    }
    return
  }
}

</mosaic_0001>

<sc_bundles>
// kernel: kernel.3.cloned.1.call-start
scs
__scs_entry_jumppad:
0x0: {  	(pc) =	sbr.rel $0x88, $3  }
0x1: {  	(tag) =	ssettag $0x0;
	lr =	simm.s32 $0x1  }
0x2: {  	[smem:$0x3F9D] =	sst lr;
	_ =	strace $0xD0000000  }
0x3: {  	_ = 	snop  }
0x4: {  	_ = 	snop  }
0x5: {  	_ = 	snop  }
0x6: {  	_ = 	snop  }
0x7: {  	_ = 	snop  }
__scs_overlays_trampoline_lowered:
0x8: {  	[smem:$0x3FAC] =	sst s0  }
0x9: {  	[smem:$0x3FAD] =	sst s1  }
0xa: {  	[smem:$0x3FAE] =	sst s2  }
0xb: {  	[smem:$0x3FAF] =	sst s3  }
0xc: {  	[smem:$0x3FB0] =	sst s4  }
0xd: {  	[smem:$0x3FB1] =	sst s5  }
0xe: {  	[smem:$0x3FB2] =	sst s6  }
0xf: {  	[smem:$0x3FB3] =	sst s7  }
0x10: {  	[smem:$0x3FB4] =	sst s8  }
0x11: {  	[smem:$0x3FB5] =	sst s9;
	s0 =	simm.s32 @!p0 $0x0  }
0x12: {  	s1 =	sld [smem:$0x3F9B];
	s0 =	simm.s32 @p0 $0x1  }
0x13: {  	[smem:$0x3FB6] =	sst s0;
	s0 =	simm.s32 @!p1 $0x0  }
0x14: {  	s2 =	sld [smem:$0x3F9A];
	s0 =	simm.s32 @p1 $0x1  }
0x15: {  	[smem:$0x3FB7] =	sst s0;
	s0 =	simm.s32 @!p2 $0x0  }
0x16: {  	s3 =	sld [smem:$0x3FDB];
	s0 =	simm.s32 @p2 $0x1  }
0x17: {  	s4 =	simm.s32 $0x1BF5;
	[smem:$0x3FB9] =	sst s0  }
0x18: {  	s0 =	sld [smem:$0x3F9C];
	_ =	swait.ge [sflag:s4], $0x0  }
0x19: {  	s7 =	sld [smem:$0x3F9D]  }
0x1a: {  	s8 =	sadd.s32 $0xFFFFE003, lr  }
0x1b: {  	s9 =	sadd.s32 $0xFFFFFEF7, lr;
	s5 =	simm.s32 $0xFFFFFFFF;
	p2 =	slt.u32 s8, $0xFFFFF086  }
0x1c: {  	p1 =	slt.u32 s9, $0xF7A;
	s5 =	simm.s32 @!p2 $0x0  }
0x1d: {  	s5 =	simm.s32 @p1 $0x1;
	p0 =	seq.s32 s7, s2  }
0x1e: {  	s7 =	smul.u32 @!p0 $0xF7A, s2;
	p2 =	seq.s32 @!p0 s5, $0x0  }
0x1f: {  	s9 =	smul.u32 $0xF7A, s1;
	s8 =	simm.s32 @!p0 $0x1BF5;
	p2 =	por !p2, p0  }
0x20: {  	[sflag:s8] =	ssyncset.s32 @!p0 $0xFFFFF086;
	s6 =	sadd.s32 @!p0 s3, s7;
	s7 =	simm.s32 @!p0 $0x108  }
0x21: {  	s3 =	sadd.s32 s3, s9;
	s6 =	sadd.s32 @!p0 $0x88, s6;
	s7 =	simm.s32 @p2 $0x1082  }
0x22: {  	[simem:s7], [sflag:s8] =	dma.local @!p0 [hbm:s6], $0xF7A  }
0x23: {  	s9 =	sor.u32 $0xD0000000, s2;
	s6 =	simm.s32 $0x108;
	_ =	swait.ge @!p0 [sflag:s8], $0x0  }
0x24: {  	s3 =	sadd.s32 $0x88, s3;
	s6 =	simm.s32 @!p1 $0x1082;
	[sflag:s4] =	ssyncset.s32 $0xFFFFF086  }
0x25: {  	[simem:s6], [sflag:s4] =	dma.local [hbm:s3], $0xF7A  }
0x26: {  	[smem:$0x3F9D] =	sst s1;
	(tag) =	ssettag s2;
	_ =	strace s9  }
0x27: {  	s1 =	sld [smem:$0x3FAD]  }
0x28: {  	s2 =	sld [smem:$0x3FAE]  }
0x29: {  	s4 =	sld [smem:$0x3FB0]  }
0x2a: {  	p0 =	seq.s32 s5, $0x0;
	s5 =	sld [smem:$0x3FB1]  }
0x2b: {  	s6 =	sld [smem:$0x3FB2]  }
0x2c: {  	s7 =	sld [smem:$0x3FB3]  }
0x2d: {  	s3 =	simm.s32 $0x108;
	s8 =	sld [smem:$0x3FB4]  }
0x2e: {  	s3 =	simm.s32 @!p0 $0x1082;
	s9 =	sld [smem:$0x3FB5]  }
0x2f: {  	lr =	sadd.s32 s0, s3;
	s0 =	sld [smem:$0x3FAC]  }
0x30: {  	s3 =	sld [smem:$0x3FAF]  }
0x31: {  	[smem:$0x3FB8] =	sst s10  }
0x32: {  	s10 =	sld [smem:$0x3FB6];
	_ =	sdelay $0x3  }
0x33: {  	p0 =	seq.s32 s10, $0x1;
	s10 =	sld [smem:$0x3FB8];
	_ =	sdelay $0x3  }
0x34: {  	[smem:$0x3FB8] =	sst s10  }
0x35: {  	s10 =	sld [smem:$0x3FB7];
	_ =	sdelay $0x3  }
0x36: {  	p1 =	seq.s32 s10, $0x1;
	s10 =	sld [smem:$0x3FB8];
	_ =	sdelay $0x3  }
0x37: {  	[smem:$0x3FB8] =	sst s10  }
0x38: {  	s10 =	sld [smem:$0x3FB9]  }
0x39: {  	_ = 	snop;
	(pc) =	sbr.ind lr, $3  }
0x3a: {  	_ = 	snop  }
0x3b: {  	_ = 	snop  }
0x3c: {  	p2 =	seq.s32 s10, $0x1;
	s10 =	sld [smem:$0x3FB8]  }
0x3d: {  	_ =	shalt  }
0x3e: {  	_ =	shalt  }
0x3f: {  	_ =	shalt  }
0x40: {  	_ =	shalt  }
0x41: {  	_ =	shalt  }
0x42: {  	_ =	shalt  }
0x43: {  	_ =	shalt  }
0x44: {  	_ =	shalt  }
0x45: {  	_ =	shalt  }
0x46: {  	_ =	shalt  }
0x47: {  	_ =	shalt  }
0x48: {  	_ =	shalt  }
0x49: {  	_ =	shalt  }
0x4a: {  	_ =	shalt  }
0x4b: {  	_ =	shalt  }
0x4c: {  	_ =	shalt  }
0x4d: {  	_ =	shalt  }
0x4e: {  	_ =	shalt  }
0x4f: {  	_ =	shalt  }
0x50: {  	_ =	shalt  }
0x51: {  	_ =	shalt  }
0x52: {  	_ =	shalt  }
0x53: {  	_ =	shalt  }
0x54: {  	_ =	shalt  }
0x55: {  	_ =	shalt  }
0x56: {  	_ =	shalt  }
0x57: {  	_ =	shalt  }
0x58: {  	_ =	shalt  }
0x59: {  	_ =	shalt  }
0x5a: {  	_ =	shalt  }
0x5b: {  	_ =	shalt  }
0x5c: {  	_ =	shalt  }
0x5d: {  	_ =	shalt  }
0x5e: {  	_ =	shalt  }
0x5f: {  	_ =	shalt  }
0x60: {  	_ =	shalt  }
0x61: {  	_ =	shalt  }
0x62: {  	_ =	shalt  }
0x63: {  	_ =	shalt  }
0x64: {  	_ =	shalt  }
0x65: {  	_ =	shalt  }
0x66: {  	_ =	shalt  }
0x67: {  	_ =	shalt  }
0x68: {  	_ =	shalt  }
0x69: {  	_ =	shalt  }
0x6a: {  	_ =	shalt  }
0x6b: {  	_ =	shalt  }
0x6c: {  	_ =	shalt  }
0x6d: {  	_ =	shalt  }
0x6e: {  	_ =	shalt  }
0x6f: {  	_ =	shalt  }
0x70: {  	_ =	shalt  }
0x71: {  	_ =	shalt  }
0x72: {  	_ =	shalt  }
0x73: {  	_ =	shalt  }
0x74: {  	_ =	shalt  }
0x75: {  	_ =	shalt  }
0x76: {  	_ =	shalt  }
0x77: {  	_ =	shalt  }
0x78: {  	_ =	shalt  }
0x79: {  	_ =	shalt  }
0x7a: {  	_ =	shalt  }
0x7b: {  	_ =	shalt  }
0x7c: {  	_ =	shalt  }
0x7d: {  	_ =	shalt  }
0x7e: {  	_ =	shalt  }
0x7f: {  	_ =	shalt  }
0x80: {  	_ =	shalt  }
0x81: {  	_ =	shalt  }
0x82: {  	_ =	shalt  }
0x83: {  	_ =	shalt  }
0x84: {  	_ =	shalt  }
0x85: {  	_ =	shalt  }
0x86: {  	_ =	shalt  }
0x87: {  	_ =	shalt  }
.Lfunc_end0:
.L_simem_size_0:
called_computation_lowered:
.L_overlay_start_0:
0x88: {  	s2 =	sld [smem:$0x3FD9]  }
0x89: {  	s3 =	sld [smem:$0x3FFE];
	_ =	sdelay $0x1  }
0x8a: {  	s1 =	srdreg.scid  }
0x8b: {  	s0 =	sand.u32 $0x1, s1  }
0x8c: {  	s17 =	sshll.u32 s0, $0xA;
	s2 =	sadd.s32 s3, s2  }
0x8d: {  	s2 =	sadd.s32 s2, s17  }
0x8e: {  	[smem:$0x3FC4] =	sst s2  }
0x8f: {  	_ = 	snop  }
0x90: {  	s2 =	sld [smem:$0x3FC9]  }
0x91: {  	s18 =	sld [smem:$0x3FD0];
	(tm) =	ssettm $0x1  }
0x92: {  	s4 =	sld [smem:$0x3FFB];
	_ =	sdelay $0x3  }
0x93: {  	_ =	strace s4  }
0x94: {  	s4 =	sld [smem:$0x3FFC];
	_ =	sdelay $0x3  }
0x95: {  	_ =	strace s4  }
0x96: {  	s4 =	sld [smem:$0x3FFD];
	_ =	sdelay $0x3  }
0x97: {  	_ =	strace s4  }
0x98: {  	_ =	strace $0x8FFFFFFF  }
0x99: {  	s19 =	sld [smem:$0x3FDB];
	_ =	sdelay $0x1  }
0x9a: {  	s5 =	simm.s32 $_scs_section_size  }
0x9b: {  	s6 =	simm.s32 $_size__tile_overlayer_lowered;
	s7 =	simm.s32 $_tile_overlayer_lowered  }
0x9c: {  	s22 =	simm.s32 $0x1BFF;
	s21 =	sshll.u32 s7, $0x1;
	s4 =	sadd.s32 s5, s19  }
0x9d: {  	s8 =	simm.s32 $0x0;
	s20 =	sshll.u32 s6, $0x1;
	s6 =	sadd.s32 s21, s4  }
0x9e: {  	[timem:s8], [sflag:s22] =	dma.local [hbm:s6], s20  }
0x9f: {  	_ =	swait.ge [sflag:s22], s20  }
0xa0: {  	s5 =	ssub.s32 $0x0, s20;
	[sflag:s22] =	ssyncset.done $0x0  }
0xa1: {  	[sflag:s22] =	ssyncadd.s32 s5;
	_ =	sdelay $0x1  }
0xa2: {  	s23 =	simm.s32 $0x1B8B  }
0xa3: {  	_ =	swait.ge [sflag:s23], $0x1  }
0xa4: {  	[sflag:s23] =	ssyncset.done $0x0  }
0xa5: {  	s25 =	simm.s32 $0x1B8E;
	s24 =	sld [smem:$0x3FFE];
	[sflag:s23] =	ssyncadd.s32 $0xFFFFFFFF  }
0xa6: {  	s26 =	simm.s32 $execute0_lowered;
	[smem:$0x3FD2] =	sst s25  }
0xa7: {  	s6 =	sshll.u32 s26, $0x1;
	_ =	strace $0x80000046;
	[dreg:$0x1] =	wrdreg $0xFFFFFFFF  }
0xa8: {  	s28 =	simm.s32 $_size_execute0_lowered;
	s4 =	sadd.s32 s4, s6;
	[dreg:$0x0] =	wrdreg $0x0  }
0xa9: {  	s6 =	sshll.u32 s28, $0x1;
	[dreg:$0x2] =	wrdreg s4  }
0xaa: {  	[dreg:$0x3] =	wrdreg s6  }
0xab: {  	[dreg:$0x4] =	wrdreg $0xC0  }
0xac: {  	_ =	task [dreg:s8], $0x5FFFF  }
0xad: {  	[dreg:$0x1] =	wrdreg $0xFFFFFFFF  }
0xae: {  	[dreg:$0x0] =	wrdreg $0x60  }
0xaf: {  	[dreg:$0x2] =	wrdreg s2  }
0xb0: {  	[dreg:$0x3] =	wrdreg s24  }
0xb1: {  	[dreg:$0x4] =	wrdreg s18  }
0xb2: {  	[dreg:$0x5] =	wrdreg $0x9  }
0xb3: {  	_ =	task.clear_ibuf [dreg:s8], $0x6FFFF;
	_ =	strace $0x90000046  }
0xb4: {  	s29 =	simm.s32 $0x9;
	_ =	strace $0x80000048  }
0xb5: {  	_ =	swait.ge [sflag:s29], $0x1  }
0xb6: {  	[sflag:s29] =	ssyncadd.s32 $0xFFFFFFFF  }
0xb7: {  	_ =	strace $0x90000048  }
0xb8: {  	_ =	sfence  }
0xb9: {  	s30 =	sld [smem:$0x0];
	_ =	sdelay $0x2  }
0xba: {  	s31 =	sshll.u32 s1, $0xD;
	s1 =	sshrl.u32 s1, $0x2  }
0xbb: {  	s3 =	sand.u32 $0x4000, s31;
	s1 =	sadd.s32 s1, s30  }
0xbc: {  	s0 =	sor.u32 s3, s0;
	s1 =	sshll.u32 s1, $0x11  }
0xbd: {  	s0 =	sor.u32 s1, s0  }
0xbe: {  	s0 =	sadd.s32 $0x8F2B, s0  }
0xbf: {  	[sflag:s0] =	ssyncadd.remote.s32 $0x1  }
0xc0: {  	_ =	sfence.sel $0xFFFF  }
0xc1: {  	[dreg:$0x0] =	wrdreg $0xFFFFFFFF;
	(pc) =	sbr.abs _section_cstart, $3  }
0xc2: {  	[dreg:$0x1] =	wrdreg $0xFFFFFFFF  }
0xc3: {  	_ =	task.clear_ibuf [dreg:s8], $0x2FFFF;
	_ =	strace $0x9FFFFFFF  }
0xc4: {  	(tm) =	ssettm $0x7FFFFFFF  }
0xc5: {  	_ =	shalt  }
tec
execute0_lowered:
.L_overlay_start_1:
0x0: {  	(tag) =	ssettag $0x1  }
0x1: {  	s1 =	rddreg [dreg:$0x0]  }
0x2: {  	s0 =	rddreg [dreg:$0x1]  }
0x3: {  	s3 =	rddreg [dreg:$0x2];
	s4 =	simm.s32 $0x0;
	s2 =	srdreg.scid  }
0x4: {  	s5 =	stileid.u32;
	s13 =	simm.s32 $0x7;
	s17 =	simm.s32 $0x5  }
0x5: {  	s18 =	simm.s32 $0xB580;
	s19 =	simm.s32 $0xE780;
	s20 =	simm.s32 $0x6  }
0x6: {  	s21 =	simm.s32 $0x11980;
	s22 =	simm.s32 $0x14B80;
	s23 =	simm.s32 $0x1  }
0x7: {  	s24 =	simm.s32 $0x2;
	s25 =	simm.s32 $0x3;
	s26 =	simm.s32 $0x4  }
0x8: {  	s28 =	simm.s32 $0x0;
	[smem:$0x7FF] =	sst s4;
	s2 =	sand.u32 $0x1, s2  }
0x9: {  	s6 =	sshll.u32 s5, $0x1;
	s29 =	sadd.s32 $0x800, s0;
	s7 =	sadd.s32 $0x600, s0  }
.Ltmp0:
0xa: {  	v0 =	vlaneseq.u32;
	s9 =	sadd.s32 $0x400, s0;
	s6 =	sor.u32 s2, s6;
	(pc) =	sbr.rel .LBB2_1-.Ltmp0, $4  }
0xb: {  	v1 =	vimm.s32 $0x0;
	v2 =	vor.u32 $0xFFFFFC48, v0;
	v3 =	vor.u32 $0x80, v0;
	_ =	strace $0x80000047;
	s2 =	ssub.s32 $0x2, s2;
	s8 =	ssub.s32 $0x7EF, s6  }
0xc: {  	v4 =	vor.u32 $0x100, v0;
	v5 =	vor.u32 $0x180, v0;
	v6 =	vor.u32 $0x200, v0;
	s10 =	sshrl.u32 s2, $0x1;
	s11 =	smul.u32 $0x190, s6;
	s8 =	sshrl.u32 s8, $0x5  }
0xd: {  	v7 =	vor.u32 $0x280, v0;
	v8 =	vor.u32 $0x300, v0;
	v9 =	vor.u32 $0x380, v0;
	[dreg:$0x4] =	wrdreg s29;
	s30 =	ssub.s32 s2, s10;
	s31 =	sadd.s32 $0x1, s8  }
0xe: {  	v10 =	vor.u32 $0xFFFFFC58, v0;
	v11 =	vor.u32 $0xFFFFFC68, v0;
	v12 =	vor.u32 $0xFFFFFC78, v0;
	s10 =	sadd.s32 s1, s11;
	s12 =	smax.u32 s30, $0x1;
	s11 =	sshrl.u32 s31, $0x1  }
.LBB2_27:
0xf: {  	_ =	swait.ge [sflag:s23], $0x3200  }
0x10: {  	[sflag:s23] =	ssyncset.done $0x0  }
0x11: {  	[sflag:s23] =	ssyncadd.s32 $0xFFFFCE00  }
0x12: {  	_ =	swait.ge [sflag:s24], $0x3200  }
0x13: {  	[sflag:s24] =	ssyncset.done $0x0  }
0x14: {  	s28 =	sadd.s32 $0x1, s28;
	[sflag:s24] =	ssyncadd.s32 $0xFFFFCE00  }
0x15: {  	p0 =	sne.s32 s28, s12;
	_ =	swait.ge [sflag:s25], $0x3200  }
.Ltmp1:
0x16: {  	[sflag:s25] =	ssyncset.done $0x0;
	(pc) =	sbr.rel @!p0 .LBB2_28-.Ltmp1, $4  }
0x17: {  	[sflag:s25] =	ssyncadd.s32 $0xFFFFCE00  }
0x18: {  	_ =	swait.ge [sflag:s26], $0x3200  }
0x19: {  	[sflag:s26] =	ssyncset.done $0x0  }
0x1a: {  	[sflag:s26] =	ssyncadd.s32 $0xFFFFCE00  }
.LBB2_1:
0x1b: {  	s0 =	rddreg [dreg:$0x4]  }
0x1c: {  	[tilespmem:s4], [sflag:$0x7] =	stream.linear.gather [hbm4b:s0+s4], $0x9C80, $0x38;
	[tilespmem:$0x17E20] =	vst v63  }
0x1d: {  	_ =	swait.ge [sflag:s13], $0x9C80  }
0x1e: {  	[sflag:s13] =	ssyncset.done $0x0  }
0x1f: {  	s30 =	simm.s32 $0x17D80;
	[sflag:s13] =	ssyncadd.s32 $0xFFFF6380  }
0x20: {  	[tilespmem:s30], [sflag:$0x7] =	stream.linear.gather [hbm4b:s7+s4], $0x80, $0x38;
	[tilespmem:$0x17E20] =	vst v63  }
0x21: {  	_ =	swait.ge [sflag:s13], $0x80  }
0x22: {  	[sflag:s13] =	ssyncset.done $0x0  }
0x23: {  	s31 =	simm.s32 $0x17E00;
	[sflag:s13] =	ssyncadd.s32 $0xFFFFFF80  }
0x24: {  	[tilespmem:s31], [sflag:$0x7] =	stream.linear.gather [hbm4b:s9+s4], $0x20, $0x38;
	[tilespmem:$0x17E20] =	vst v63  }
0x25: {  	_ =	swait.ge [sflag:s13], $0x20  }
0x26: {  	[sflag:s13] =	ssyncset.done $0x0  }
0x27: {  	[sflag:s13] =	ssyncadd.s32 $0xFFFFFFE0  }
0x28: {  	v13 =	vld [tilespmem:$0x17E00]  }
0x29: {  	v14 =	vld [tilespmem:$0x17E10]  }
0x2a: {  	s2 =	simm.s32 $0x40;
	s0 =	simm.s32 $0x0;
	v15 =	vld [tilespmem:$0x17D80]  }
.LBB2_2:
0x2b: {  	p0 =	sne.s32 s2, $0x4E00;
	v16 =	vld [tilespmem:s0+$0x0];
	_ =	sdelay $0x2  }
.Ltmp2:
0x2c: {  	(pc) =	sbr.rel @p0 .LBB2_2-.Ltmp2, $3  }
0x2d: {  	_ = 	snop  }
0x2e: {  	v16 =	vmul.f32 v16, v15;
	_ =	sdelay $0x1  }
0x2f: {  	[tilespmem:s0+$0x0] =	vst v16;
	s0 =	sshra.s32 s2, $0x2;
	s2 =	sadd.s32 $0x40, s2  }
0x30: {  	v16 =	vld [tilespmem:s0+$0x0];
	_ =	sdelay $0x4  }
0x31: {  	v15 =	vmul.f32 v16, v15;
	_ =	sdelay $0x1  }
0x32: {  	[tilespmem:s0+$0x0] =	vst v15  }
0x33: {  	s2 =	simm.s32 $0x40;
	s0 =	simm.s32 $0x0;
	v15 =	vld [tilespmem:$0x17D90]  }
.LBB2_4:
0x34: {  	p0 =	sne.s32 s2, $0x4E00;
	v16 =	vld [tilespmem:s0+$0x1390];
	_ =	sdelay $0x2  }
.Ltmp3:
0x35: {  	(pc) =	sbr.rel @p0 .LBB2_4-.Ltmp3, $3  }
0x36: {  	_ = 	snop  }
0x37: {  	v16 =	vmul.f32 v16, v15;
	_ =	sdelay $0x1  }
0x38: {  	[tilespmem:s0+$0x1390] =	vst v16;
	s0 =	sshra.s32 s2, $0x2;
	s2 =	sadd.s32 $0x40, s2  }
0x39: {  	v16 =	vld [tilespmem:s0+$0x1390];
	_ =	sdelay $0x4  }
0x3a: {  	v15 =	vmul.f32 v16, v15;
	_ =	sdelay $0x1  }
0x3b: {  	[tilespmem:s0+$0x1390] =	vst v15  }
0x3c: {  	s2 =	simm.s32 $0x40;
	s0 =	simm.s32 $0x0;
	v15 =	vld [tilespmem:$0x17DA0]  }
.LBB2_6:
0x3d: {  	p0 =	sne.s32 s2, $0x4E00;
	v16 =	vld [tilespmem:s0+$0x2720];
	_ =	sdelay $0x2  }
.Ltmp4:
0x3e: {  	(pc) =	sbr.rel @p0 .LBB2_6-.Ltmp4, $3  }
0x3f: {  	_ = 	snop  }
0x40: {  	v16 =	vmul.f32 v16, v15;
	_ =	sdelay $0x1  }
0x41: {  	[tilespmem:s0+$0x2720] =	vst v16;
	s0 =	sshra.s32 s2, $0x2;
	s2 =	sadd.s32 $0x40, s2  }
0x42: {  	v16 =	vld [tilespmem:s0+$0x2720];
	_ =	sdelay $0x4  }
0x43: {  	v15 =	vmul.f32 v16, v15;
	_ =	sdelay $0x1  }
0x44: {  	[tilespmem:s0+$0x2720] =	vst v15  }
0x45: {  	s2 =	simm.s32 $0x40;
	s0 =	simm.s32 $0x0;
	v15 =	vld [tilespmem:$0x17DB0]  }
.LBB2_8:
0x46: {  	p0 =	sne.s32 s2, $0x4E00;
	v16 =	vld [tilespmem:s0+$0x3AB0];
	_ =	sdelay $0x2  }
.Ltmp5:
0x47: {  	(pc) =	sbr.rel @p0 .LBB2_8-.Ltmp5, $3  }
0x48: {  	_ = 	snop  }
0x49: {  	v16 =	vmul.f32 v16, v15;
	_ =	sdelay $0x1  }
0x4a: {  	[tilespmem:s0+$0x3AB0] =	vst v16;
	s0 =	sshra.s32 s2, $0x2;
	s2 =	sadd.s32 $0x40, s2  }
0x4b: {  	v16 =	vld [tilespmem:s0+$0x3AB0];
	_ =	sdelay $0x4  }
0x4c: {  	v15 =	vmul.f32 v16, v15;
	_ =	sdelay $0x1  }
0x4d: {  	[tilespmem:s0+$0x3AB0] =	vst v15  }
0x4e: {  	s2 =	simm.s32 $0x40;
	s0 =	simm.s32 $0x0;
	v15 =	vld [tilespmem:$0x17DC0]  }
.LBB2_10:
0x4f: {  	p0 =	sne.s32 s2, $0x4E00;
	v16 =	vld [tilespmem:s0+$0x4E40];
	_ =	sdelay $0x2  }
.Ltmp6:
0x50: {  	(pc) =	sbr.rel @p0 .LBB2_10-.Ltmp6, $3  }
0x51: {  	_ = 	snop  }
0x52: {  	v16 =	vmul.f32 v16, v15;
	_ =	sdelay $0x1  }
0x53: {  	[tilespmem:s0+$0x4E40] =	vst v16;
	s0 =	sshra.s32 s2, $0x2;
	s2 =	sadd.s32 $0x40, s2  }
0x54: {  	v16 =	vld [tilespmem:s0+$0x4E40];
	_ =	sdelay $0x4  }
0x55: {  	v15 =	vmul.f32 v16, v15;
	_ =	sdelay $0x1  }
0x56: {  	[tilespmem:s0+$0x4E40] =	vst v15  }
0x57: {  	s2 =	simm.s32 $0x40;
	s0 =	simm.s32 $0x0;
	v15 =	vld [tilespmem:$0x17DD0]  }
.LBB2_12:
0x58: {  	p0 =	sne.s32 s2, $0x4E00;
	v16 =	vld [tilespmem:s0+$0x61D0];
	_ =	sdelay $0x2  }
.Ltmp7:
0x59: {  	(pc) =	sbr.rel @p0 .LBB2_12-.Ltmp7, $3  }
0x5a: {  	_ = 	snop  }
0x5b: {  	v16 =	vmul.f32 v16, v15;
	_ =	sdelay $0x1  }
0x5c: {  	[tilespmem:s0+$0x61D0] =	vst v16;
	s0 =	sshra.s32 s2, $0x2;
	s2 =	sadd.s32 $0x40, s2  }
0x5d: {  	v16 =	vld [tilespmem:s0+$0x61D0];
	_ =	sdelay $0x4  }
0x5e: {  	v15 =	vmul.f32 v16, v15;
	_ =	sdelay $0x1  }
0x5f: {  	[tilespmem:s0+$0x61D0] =	vst v15  }
0x60: {  	s2 =	simm.s32 $0x40;
	s0 =	simm.s32 $0x0;
	v15 =	vld [tilespmem:$0x17DE0]  }
.LBB2_14:
0x61: {  	p0 =	sne.s32 s2, $0x4E00;
	v16 =	vld [tilespmem:s0+$0x7560];
	_ =	sdelay $0x2  }
.Ltmp8:
0x62: {  	(pc) =	sbr.rel @p0 .LBB2_14-.Ltmp8, $3  }
0x63: {  	_ = 	snop  }
0x64: {  	v16 =	vmul.f32 v16, v15;
	_ =	sdelay $0x1  }
0x65: {  	[tilespmem:s0+$0x7560] =	vst v16;
	s0 =	sshra.s32 s2, $0x2;
	s2 =	sadd.s32 $0x40, s2  }
0x66: {  	v16 =	vld [tilespmem:s0+$0x7560];
	_ =	sdelay $0x4  }
0x67: {  	v15 =	vmul.f32 v16, v15;
	_ =	sdelay $0x1  }
0x68: {  	[tilespmem:s0+$0x7560] =	vst v15  }
0x69: {  	s2 =	simm.s32 $0x40;
	s0 =	simm.s32 $0x0;
	v15 =	vld [tilespmem:$0x17DF0]  }
.LBB2_16:
0x6a: {  	p0 =	sne.s32 s2, $0x4E00;
	v16 =	vld [tilespmem:s0+$0x88F0];
	_ =	sdelay $0x2  }
.Ltmp9:
0x6b: {  	(pc) =	sbr.rel @p0 .LBB2_16-.Ltmp9, $3  }
0x6c: {  	_ = 	snop  }
0x6d: {  	v16 =	vmul.f32 v16, v15;
	_ =	sdelay $0x1  }
0x6e: {  	[tilespmem:s0+$0x88F0] =	vst v16;
	s0 =	sshra.s32 s2, $0x2;
	s2 =	sadd.s32 $0x40, s2  }
0x6f: {  	v16 =	vld [tilespmem:s0+$0x88F0];
	_ =	sdelay $0x3  }
.Ltmp10:
0x70: {  	_ = 	snop;
	(pc) =	sbr.rel .LBB2_18-.Ltmp10, $3  }
0x71: {  	v15 =	vmul.f32 v16, v15;
	_ =	sdelay $0x1  }
0x72: {  	s29 =	simm.s32 $0x0;
	s31 =	simm.s32 $0x9C80;
	[tilespmem:s0+$0x88F0] =	vst v15  }
0x73: {  	[tilespmem:s31], [sflag:$0x5] =	stream.linear.gather [hbm4b:s10+s29], $0xC80, $0x38;
	[tilespmem:$0x17E20] =	vst v63  }
.LBB2_26:
0x74: {  	s29 =	sadd.s32 $0x1, s29  }
0x75: {  	p0 =	sne.s32 s29, s11  }
.Ltmp11:
0x76: {  	_ = 	snop;
	(pc) =	sbr.rel @!p0 .LBB2_27-.Ltmp11, $1  }
0x77: {  	_ =	sdelay $0x3  }
.LBB2_18:
0x78: {  	s31 =	sshll.u32 s29, $0x1  }
0x79: {  	p0 =	slt.u32 s31, s8  }
.Ltmp12:
0x7a: {  	_ = 	snop;
	(pc) =	sbr.rel @!p0 .LBB2_22-.Ltmp12, $2  }
0x7b: {  	_ =	sdelay $0x2  }
0x7c: {  	s30 =	sor.u32 $0x1, s31  }
0x7d: {  	s30 =	sor.u32 $0x1, s31  }
0x7e: {  	p0 =	sge.u32 s30, s8  }
0x7f: {  	s0 =	sshll.u32 @!p0 s30, $0x5  }
0x80: {  	s0 =	sor.u32 @!p0 s6, s0  }
0x81: {  	s0 =	smul.u32 @!p0 $0x190, s0;
	_ =	sdelay $0x1  }
0x82: {  	s2 =	simm.s32 @!p0 $0x0;
	s14 =	simm.s32 @!p0 $0xA900;
	s0 =	sadd.s32 @!p0 s1, s0  }
0x83: {  	[tilespmem:s14], [sflag:$0x6] =	stream.linear.gather @!p0 [hbm4b:s0+s2], $0xC80, $0x38;
	[tilespmem:$0x17E20] =	vst v63  }
0x84: {  	_ =	swait.ge [sflag:s17], $0xC80  }
0x85: {  	p0 =	seq.s32 s29, $0x0;
	[sflag:s17] =	ssyncset.done $0x0  }
0x86: {  	s0 =	simm.s32 @!p0 $0x1;
	[sflag:s17] =	ssyncadd.s32 $0xFFFFF380  }
0x87: {  	_ =	swait.ge @!p0 [sflag:s0], $0x3200  }
0x88: {  	[sflag:s0] =	ssyncset.done @!p0 $0x0  }
0x89: {  	s2 =	simm.s32 @!p0 $0x2;
	[sflag:s0] =	ssyncadd.s32 @!p0 $0xFFFFCE00  }
0x8a: {  	s16 =	sshll.u32 s29, $0x6;
	_ =	swait.ge @!p0 [sflag:s2], $0x3200  }
0x8b: {  	s15 =	simm.s32 $0x9CA0;
	s14 =	simm.s32 $0x0;
	[sflag:s2] =	ssyncset.done @!p0 $0x0  }
0x8c: {  	s0 =	sor.u32 s6, s16;
	[sflag:s2] =	ssyncadd.s32 @!p0 $0xFFFFCE00;
	s2 =	simm.s32 $0x30  }
.LBB2_20:
0x8d: {  	v15 =	vld [tilespmem:s15+$0xFFFFFFE0];
	_ =	sdelay $0x4  }
0x8e: {  	v15 =	vmin.f32 v15, v13  }
0x8f: {  	v15 =	vmul.f32 v15, v14;
	_ =	sdelay $0x1  }
0x90: {  	v16 =	vtrunc.f32 v15  }
0x91: {  	v17 =	vcvt.f32.s32 v16;
	vm0 =	vgt.f32 v15, v16  }
0x92: {  	v15 =	vsel vm0, $0x1, v1  }
0x93: {  	v15 =	vadd.s32 v17, v15  }
0x94: {  	vm9 =	vgt.s32 v15, $0x0  }
0x95: {  	v15 =	vnsel vm9, $0x0, v15  }
0x96: {  	v15 =	vmin.u32 v15, $0x1387  }
0x97: {  	s5 =	sadd.s32 $0xFFFFFFD0, s2  }
0x98: {  	s16 =	sand.u32 $0x7C00, s14;
	s5 =	sand.u32 $0x40, s5  }
0x99: {  	s5 =	sor.u32 s5, s16  }
0x9a: {  	v42 =	vor.u32 s5, v0;
	v43 =	vadd.s32 $0x1390, v15  }
0x9b: {  	v16 =	vand.u32 v2, v42;
	v19 =	vand.u32 $0x7, v15;
	v17 =	vand.u32 $0x3FF8, v43;
	v18 =	vld.idx.msk [tilespmem:v15+s4+$0x0], $0xffff  }
0x9c: {  	v17 =	vor.u32 v19, v17;
	_ =	sdelay $0x3  }
0x9d: {  	v44 =	vadd.s32 $0x2720, v15;
	[tilespmem:v16+s18+$0x0] =	vst.idx.msk $0xffff, v18  }
0x9e: {  	v45 =	vor.u32 s5, v3;
	v16 =	vand.u32 $0x7FF8, v44;
	v17 =	vld.idx.msk [tilespmem:v17+s4+$0x0], $0xffff  }
0x9f: {  	v16 =	vor.u32 v19, v16;
	_ =	sdelay $0x3  }
0xa0: {  	v46 =	vadd.s32 $0x3AB0, v15;
	[tilespmem:v45+s18+$0x0] =	vst.idx.msk $0xffff, v17  }
0xa1: {  	v47 =	vor.u32 s5, v4;
	v17 =	vand.u32 $0x7FF8, v46;
	v16 =	vld.idx.msk [tilespmem:v16+s4+$0x0], $0xffff  }
0xa2: {  	v17 =	vor.u32 v19, v17;
	_ =	sdelay $0x3  }
0xa3: {  	v48 =	vadd.s32 $0x4E40, v15;
	[tilespmem:v47+s18+$0x0] =	vst.idx.msk $0xffff, v16  }
0xa4: {  	v49 =	vor.u32 s5, v5;
	v16 =	vand.u32 $0x7FF8, v48;
	v17 =	vld.idx.msk [tilespmem:v17+s4+$0x0], $0xffff  }
0xa5: {  	v16 =	vor.u32 v19, v16;
	_ =	sdelay $0x3  }
0xa6: {  	v50 =	vadd.s32 $0x61D0, v15;
	[tilespmem:v49+s18+$0x0] =	vst.idx.msk $0xffff, v17  }
0xa7: {  	v51 =	vor.u32 s5, v6;
	v17 =	vand.u32 $0xFFF8, v50;
	v16 =	vld.idx.msk [tilespmem:v16+s4+$0x0], $0xffff  }
0xa8: {  	v17 =	vor.u32 v19, v17;
	_ =	sdelay $0x3  }
0xa9: {  	v52 =	vadd.s32 $0x7560, v15;
	[tilespmem:v51+s18+$0x0] =	vst.idx.msk $0xffff, v16  }
0xaa: {  	v53 =	vor.u32 s5, v7;
	v16 =	vand.u32 $0xFFF8, v52;
	v17 =	vld.idx.msk [tilespmem:v17+s4+$0x0], $0xffff  }
0xab: {  	v16 =	vor.u32 v19, v16;
	_ =	sdelay $0x3  }
0xac: {  	v15 =	vadd.s32 $0x88F0, v15;
	[tilespmem:v53+s18+$0x0] =	vst.idx.msk $0xffff, v17  }
0xad: {  	v54 =	vor.u32 s5, v8;
	v15 =	vand.u32 $0xBFF8, v15;
	v16 =	vld.idx.msk [tilespmem:v16+s4+$0x0], $0xffff  }
0xae: {  	v15 =	vor.u32 v19, v15;
	_ =	sdelay $0x3  }
0xaf: {  	[tilespmem:v54+s18+$0x0] =	vst.idx.msk $0xffff, v16  }
0xb0: {  	v55 =	vor.u32 s5, v9;
	v15 =	vld.idx.msk [tilespmem:v15+s4+$0x0], $0xffff;
	_ =	sdelay $0x4  }
0xb1: {  	[tilespmem:v55+s18+$0x0] =	vst.idx.msk $0xffff, v15  }
0xb2: {  	v15 =	vld [tilespmem:s15+$0xFFFFFFF0];
	_ =	sdelay $0x4  }
0xb3: {  	v15 =	vmin.f32 v15, v13  }
0xb4: {  	v15 =	vmul.f32 v15, v14;
	_ =	sdelay $0x1  }
0xb5: {  	v56 =	vtrunc.f32 v15  }
0xb6: {  	v57 =	vcvt.f32.s32 v56;
	vm10 =	vgt.f32 v15, v56  }
0xb7: {  	v15 =	vsel vm10, $0x1, v1  }
0xb8: {  	v15 =	vadd.s32 v57, v15  }
0xb9: {  	vm11 =	vgt.s32 v15, $0x0  }
0xba: {  	v15 =	vnsel vm11, $0x0, v15  }
0xbb: {  	v15 =	vmin.u32 v15, $0x1387  }
0xbc: {  	s5 =	sadd.s32 $0xFFFFFFE0, s2  }
0xbd: {  	s5 =	sand.u32 $0x50, s5  }
0xbe: {  	s5 =	sor.u32 s16, s5  }
0xbf: {  	v58 =	vor.u32 s5, v0;
	v59 =	vadd.s32 $0x1390, v15  }
0xc0: {  	v16 =	vand.u32 v10, v58;
	v60 =	vand.u32 $0x7, v15;
	v17 =	vand.u32 $0x3FF8, v59;
	v18 =	vld.idx.msk [tilespmem:v15+s4+$0x0], $0xffff  }
0xc1: {  	v17 =	vor.u32 v60, v17;
	_ =	sdelay $0x3  }
0xc2: {  	v61 =	vadd.s32 $0x2720, v15;
	[tilespmem:v16+s18+$0x0] =	vst.idx.msk $0xffff, v18  }
0xc3: {  	v62 =	vor.u32 s5, v3;
	v16 =	vand.u32 $0x7FF8, v61;
	v17 =	vld.idx.msk [tilespmem:v17+s4+$0x0], $0xffff  }
0xc4: {  	v16 =	vor.u32 v60, v16;
	_ =	sdelay $0x3  }
0xc5: {  	v63 =	vadd.s32 $0x3AB0, v15;
	[tilespmem:v62+s18+$0x0] =	vst.idx.msk $0xffff, v17  }
0xc6: {  	v21 =	vor.u32 s5, v4;
	v17 =	vand.u32 $0x7FF8, v63;
	v16 =	vld.idx.msk [tilespmem:v16+s4+$0x0], $0xffff  }
0xc7: {  	v17 =	vor.u32 v60, v17;
	_ =	sdelay $0x3  }
0xc8: {  	v22 =	vadd.s32 $0x4E40, v15;
	[tilespmem:v21+s18+$0x0] =	vst.idx.msk $0xffff, v16  }
0xc9: {  	v23 =	vor.u32 s5, v5;
	v16 =	vand.u32 $0x7FF8, v22;
	v17 =	vld.idx.msk [tilespmem:v17+s4+$0x0], $0xffff  }
0xca: {  	v16 =	vor.u32 v60, v16;
	_ =	sdelay $0x3  }
0xcb: {  	v24 =	vadd.s32 $0x61D0, v15;
	[tilespmem:v23+s18+$0x0] =	vst.idx.msk $0xffff, v17  }
0xcc: {  	v25 =	vor.u32 s5, v6;
	v17 =	vand.u32 $0xFFF8, v24;
	v16 =	vld.idx.msk [tilespmem:v16+s4+$0x0], $0xffff  }
0xcd: {  	v17 =	vor.u32 v60, v17;
	_ =	sdelay $0x3  }
0xce: {  	v26 =	vadd.s32 $0x7560, v15;
	[tilespmem:v25+s18+$0x0] =	vst.idx.msk $0xffff, v16  }
0xcf: {  	v27 =	vor.u32 s5, v7;
	v16 =	vand.u32 $0xFFF8, v26;
	v17 =	vld.idx.msk [tilespmem:v17+s4+$0x0], $0xffff  }
0xd0: {  	v16 =	vor.u32 v60, v16;
	_ =	sdelay $0x3  }
0xd1: {  	v15 =	vadd.s32 $0x88F0, v15;
	[tilespmem:v27+s18+$0x0] =	vst.idx.msk $0xffff, v17  }
0xd2: {  	v28 =	vor.u32 s5, v8;
	v15 =	vand.u32 $0xBFF8, v15;
	v16 =	vld.idx.msk [tilespmem:v16+s4+$0x0], $0xffff  }
0xd3: {  	v15 =	vor.u32 v60, v15;
	_ =	sdelay $0x3  }
0xd4: {  	[tilespmem:v28+s18+$0x0] =	vst.idx.msk $0xffff, v16  }
0xd5: {  	v29 =	vor.u32 s5, v9;
	v15 =	vld.idx.msk [tilespmem:v15+s4+$0x0], $0xffff;
	_ =	sdelay $0x4  }
0xd6: {  	[tilespmem:v29+s18+$0x0] =	vst.idx.msk $0xffff, v15  }
0xd7: {  	v15 =	vld [tilespmem:s15+$0x0];
	_ =	sdelay $0x4  }
0xd8: {  	v15 =	vmin.f32 v15, v13  }
0xd9: {  	v15 =	vmul.f32 v15, v14;
	_ =	sdelay $0x1  }
0xda: {  	v30 =	vtrunc.f32 v15  }
0xdb: {  	v31 =	vcvt.f32.s32 v30;
	vm12 =	vgt.f32 v15, v30  }
0xdc: {  	v15 =	vsel vm12, $0x1, v1  }
0xdd: {  	v15 =	vadd.s32 v31, v15  }
0xde: {  	vm13 =	vgt.s32 v15, $0x0  }
0xdf: {  	v15 =	vnsel vm13, $0x0, v15  }
0xe0: {  	v15 =	vmin.u32 v15, $0x1387  }
0xe1: {  	s5 =	sadd.s32 $0xFFFFFFF0, s2  }
0xe2: {  	s5 =	sand.u32 $0x60, s5  }
0xe3: {  	s5 =	sor.u32 s16, s5  }
0xe4: {  	v32 =	vor.u32 s5, v0;
	v33 =	vadd.s32 $0x1390, v15  }
0xe5: {  	v16 =	vand.u32 v11, v32;
	v34 =	vand.u32 $0x7, v15;
	v17 =	vand.u32 $0x3FF8, v33;
	v18 =	vld.idx.msk [tilespmem:v15+s4+$0x0], $0xffff  }
0xe6: {  	v17 =	vor.u32 v34, v17;
	_ =	sdelay $0x3  }
0xe7: {  	v35 =	vadd.s32 $0x2720, v15;
	[tilespmem:v16+s18+$0x0] =	vst.idx.msk $0xffff, v18  }
0xe8: {  	v36 =	vor.u32 s5, v3;
	v16 =	vand.u32 $0x7FF8, v35;
	v17 =	vld.idx.msk [tilespmem:v17+s4+$0x0], $0xffff  }
0xe9: {  	v16 =	vor.u32 v34, v16;
	_ =	sdelay $0x3  }
0xea: {  	v37 =	vadd.s32 $0x3AB0, v15;
	[tilespmem:v36+s18+$0x0] =	vst.idx.msk $0xffff, v17  }
0xeb: {  	v38 =	vor.u32 s5, v4;
	v17 =	vand.u32 $0x7FF8, v37;
	v16 =	vld.idx.msk [tilespmem:v16+s4+$0x0], $0xffff  }
0xec: {  	v17 =	vor.u32 v34, v17;
	_ =	sdelay $0x3  }
0xed: {  	v39 =	vadd.s32 $0x4E40, v15;
	[tilespmem:v38+s18+$0x0] =	vst.idx.msk $0xffff, v16  }
0xee: {  	v40 =	vor.u32 s5, v5;
	v16 =	vand.u32 $0x7FF8, v39;
	v17 =	vld.idx.msk [tilespmem:v17+s4+$0x0], $0xffff  }
0xef: {  	v16 =	vor.u32 v34, v16;
	_ =	sdelay $0x3  }
0xf0: {  	v41 =	vadd.s32 $0x61D0, v15;
	[tilespmem:v40+s18+$0x0] =	vst.idx.msk $0xffff, v17  }
0xf1: {  	v42 =	vor.u32 s5, v6;
	v17 =	vand.u32 $0xFFF8, v41;
	v16 =	vld.idx.msk [tilespmem:v16+s4+$0x0], $0xffff  }
0xf2: {  	v17 =	vor.u32 v34, v17;
	_ =	sdelay $0x3  }
0xf3: {  	v43 =	vadd.s32 $0x7560, v15;
	[tilespmem:v42+s18+$0x0] =	vst.idx.msk $0xffff, v16  }
0xf4: {  	v44 =	vor.u32 s5, v7;
	v16 =	vand.u32 $0xFFF8, v43;
	v17 =	vld.idx.msk [tilespmem:v17+s4+$0x0], $0xffff  }
0xf5: {  	v16 =	vor.u32 v34, v16;
	_ =	sdelay $0x3  }
0xf6: {  	v15 =	vadd.s32 $0x88F0, v15;
	[tilespmem:v44+s18+$0x0] =	vst.idx.msk $0xffff, v17  }
0xf7: {  	v45 =	vor.u32 s5, v8;
	v15 =	vand.u32 $0xBFF8, v15;
	v16 =	vld.idx.msk [tilespmem:v16+s4+$0x0], $0xffff  }
0xf8: {  	v15 =	vor.u32 v34, v15;
	_ =	sdelay $0x3  }
0xf9: {  	[tilespmem:v45+s18+$0x0] =	vst.idx.msk $0xffff, v16  }
0xfa: {  	v46 =	vor.u32 s5, v9;
	v15 =	vld.idx.msk [tilespmem:v15+s4+$0x0], $0xffff;
	_ =	sdelay $0x4  }
0xfb: {  	[tilespmem:v46+s18+$0x0] =	vst.idx.msk $0xffff, v15  }
0xfc: {  	v15 =	vld [tilespmem:s15+$0x10];
	_ =	sdelay $0x4  }
0xfd: {  	v15 =	vmin.f32 v15, v13  }
0xfe: {  	v15 =	vmul.f32 v15, v14;
	_ =	sdelay $0x1  }
0xff: {  	v47 =	vtrunc.f32 v15  }
0x100: {  	v48 =	vcvt.f32.s32 v47;
	vm14 =	vgt.f32 v15, v47  }
0x101: {  	v15 =	vsel vm14, $0x1, v1  }
0x102: {  	v15 =	vadd.s32 v48, v15  }
0x103: {  	vm15 =	vgt.s32 v15, $0x0  }
0x104: {  	v15 =	vnsel vm15, $0x0, v15  }
0x105: {  	v15 =	vmin.u32 v15, $0x1387;
	_ =	sdelay $0x1  }
0x106: {  	s5 =	sand.u32 $0x70, s2  }
0x107: {  	s5 =	sor.u32 s16, s5  }
0x108: {  	v49 =	vor.u32 s5, v0;
	v50 =	vadd.s32 $0x1390, v15  }
0x109: {  	v16 =	vand.u32 v12, v49;
	v51 =	vand.u32 $0x7, v15;
	v17 =	vand.u32 $0x3FF8, v50;
	v18 =	vld.idx.msk [tilespmem:v15+s4+$0x0], $0xffff  }
0x10a: {  	v17 =	vor.u32 v51, v17;
	_ =	sdelay $0x3  }
0x10b: {  	v52 =	vadd.s32 $0x2720, v15;
	[tilespmem:v16+s18+$0x0] =	vst.idx.msk $0xffff, v18  }
0x10c: {  	v53 =	vor.u32 s5, v3;
	v16 =	vand.u32 $0x7FF8, v52;
	v17 =	vld.idx.msk [tilespmem:v17+s4+$0x0], $0xffff  }
0x10d: {  	v16 =	vor.u32 v51, v16;
	_ =	sdelay $0x3  }
0x10e: {  	v54 =	vadd.s32 $0x3AB0, v15;
	[tilespmem:v53+s18+$0x0] =	vst.idx.msk $0xffff, v17  }
0x10f: {  	v55 =	vor.u32 s5, v4;
	v17 =	vand.u32 $0x7FF8, v54;
	v16 =	vld.idx.msk [tilespmem:v16+s4+$0x0], $0xffff  }
0x110: {  	v17 =	vor.u32 v51, v17;
	_ =	sdelay $0x3  }
0x111: {  	v56 =	vadd.s32 $0x4E40, v15;
	[tilespmem:v55+s18+$0x0] =	vst.idx.msk $0xffff, v16  }
0x112: {  	v57 =	vor.u32 s5, v5;
	v16 =	vand.u32 $0x7FF8, v56;
	v17 =	vld.idx.msk [tilespmem:v17+s4+$0x0], $0xffff  }
0x113: {  	v16 =	vor.u32 v51, v16;
	_ =	sdelay $0x3  }
0x114: {  	v58 =	vadd.s32 $0x61D0, v15;
	[tilespmem:v57+s18+$0x0] =	vst.idx.msk $0xffff, v17  }
0x115: {  	v59 =	vor.u32 s5, v6;
	v17 =	vand.u32 $0xFFF8, v58;
	v16 =	vld.idx.msk [tilespmem:v16+s4+$0x0], $0xffff  }
0x116: {  	v17 =	vor.u32 v51, v17;
	_ =	sdelay $0x3  }
0x117: {  	v60 =	vadd.s32 $0x7560, v15;
	[tilespmem:v59+s18+$0x0] =	vst.idx.msk $0xffff, v16  }
0x118: {  	v61 =	vor.u32 s5, v7;
	v16 =	vand.u32 $0xFFF8, v60;
	v17 =	vld.idx.msk [tilespmem:v17+s4+$0x0], $0xffff  }
0x119: {  	v16 =	vor.u32 v51, v16;
	_ =	sdelay $0x3  }
0x11a: {  	v15 =	vadd.s32 $0x88F0, v15;
	[tilespmem:v61+s18+$0x0] =	vst.idx.msk $0xffff, v17  }
0x11b: {  	v62 =	vor.u32 s5, v8;
	v15 =	vand.u32 $0xBFF8, v15;
	v16 =	vld.idx.msk [tilespmem:v16+s4+$0x0], $0xffff  }
0x11c: {  	v15 =	vor.u32 v51, v15;
	_ =	sdelay $0x3  }
0x11d: {  	[tilespmem:v62+s18+$0x0] =	vst.idx.msk $0xffff, v16  }
0x11e: {  	p0 =	sne.s32 s2, $0xC70;
	v63 =	vor.u32 s5, v9;
	v15 =	vld.idx.msk [tilespmem:v15+s4+$0x0], $0xffff  }
.Ltmp13:
0x11f: {  	_ = 	snop;
	(pc) =	sbr.rel @p0 .LBB2_20-.Ltmp13, $2  }
0x120: {  	_ =	sdelay $0x2  }
0x121: {  	s14 =	sadd.s32 $0x200, s14;
	s2 =	sadd.s32 $0x40, s2;
	s15 =	sadd.s32 $0x40, s15;
	[tilespmem:v63+s18+$0x0] =	vst.idx.msk $0xffff, v15  }
0x122: {  	s0 =	smul.u32 $0x6400, s0;
	_ =	sdelay $0x1  }
0x123: {  	s2 =	sshrl.u32 s0, $0x3;
	s0 =	sadd.s32 $0x3200, s0  }
0x124: {  	s2 =	sadd.s32 s3, s2;
	s0 =	sshrl.u32 s0, $0x3  }
0x125: {  	[hbm4b:s2+s4] =	stream.linear.scatter [tilespmem:s18], [sflag:$0x1], $0x3200, $0x38;
	[tilespmem:$0x17E20] =	vst v63  }
0x126: {  	s0 =	sadd.s32 s3, s0  }
0x127: {  	[hbm4b:s0+s4] =	stream.linear.scatter [tilespmem:s19], [sflag:$0x2], $0x3200, $0x38;
	[tilespmem:$0x17E20] =	vst v63  }
.LBB2_22:
0x128: {  	p0 =	sge.u32 s30, s8  }
.Ltmp14:
0x129: {  	_ = 	snop;
	(pc) =	sbr.rel @p0 .LBB2_26-.Ltmp14, $1  }
0x12a: {  	_ =	sdelay $0x3  }
0x12b: {  	s0 =	sadd.s32 $0x2, s31  }
0x12c: {  	p0 =	sge.u32 s0, s8  }
0x12d: {  	s0 =	sshll.u32 @!p0 s0, $0x5  }
0x12e: {  	s0 =	sor.u32 @!p0 s6, s0  }
0x12f: {  	s0 =	smul.u32 @!p0 $0x190, s0;
	_ =	sdelay $0x1  }
0x130: {  	s2 =	simm.s32 @!p0 $0x0;
	s5 =	simm.s32 @!p0 $0x9C80;
	s0 =	sadd.s32 @!p0 s1, s0  }
0x131: {  	[tilespmem:s5], [sflag:$0x5] =	stream.linear.gather @!p0 [hbm4b:s0+s2], $0xC80, $0x38;
	[tilespmem:$0x17E20] =	vst v63  }
0x132: {  	_ =	swait.ge [sflag:s20], $0xC80  }
0x133: {  	p0 =	seq.s32 s29, $0x0;
	[sflag:s20] =	ssyncset.done $0x0  }
0x134: {  	s0 =	simm.s32 @!p0 $0x3;
	[sflag:s20] =	ssyncadd.s32 $0xFFFFF380  }
0x135: {  	_ =	swait.ge @!p0 [sflag:s0], $0x3200  }
0x136: {  	[sflag:s0] =	ssyncset.done @!p0 $0x0  }
0x137: {  	s2 =	simm.s32 @!p0 $0x4;
	[sflag:s0] =	ssyncadd.s32 @!p0 $0xFFFFCE00  }
0x138: {  	s31 =	sshll.u32 s30, $0x5;
	_ =	swait.ge @!p0 [sflag:s2], $0x3200  }
0x139: {  	s14 =	simm.s32 $0x0;
	s15 =	simm.s32 $0xA930;
	[sflag:s2] =	ssyncset.done @!p0 $0x0  }
0x13a: {  	s0 =	sor.u32 s6, s31;
	[sflag:s2] =	ssyncadd.s32 @!p0 $0xFFFFCE00;
	s2 =	simm.s32 $0x30  }
.LBB2_24:
0x13b: {  	v15 =	vld [tilespmem:s15+$0xFFFFFFD0];
	_ =	sdelay $0x4  }
0x13c: {  	v15 =	vmin.f32 v15, v13  }
0x13d: {  	v15 =	vmul.f32 v15, v14;
	_ =	sdelay $0x1  }
0x13e: {  	v16 =	vtrunc.f32 v15  }
0x13f: {  	v17 =	vcvt.f32.s32 v16;
	vm0 =	vgt.f32 v15, v16  }
0x140: {  	v15 =	vsel vm0, $0x1, v1  }
0x141: {  	v15 =	vadd.s32 v17, v15  }
0x142: {  	vm9 =	vgt.s32 v15, $0x0  }
0x143: {  	v15 =	vnsel vm9, $0x0, v15  }
0x144: {  	v15 =	vmin.u32 v15, $0x1387  }
0x145: {  	s5 =	sadd.s32 $0xFFFFFFD0, s2  }
0x146: {  	s16 =	sand.u32 $0x7C00, s14;
	s5 =	sand.u32 $0x40, s5  }
0x147: {  	s5 =	sor.u32 s5, s16  }
0x148: {  	v42 =	vor.u32 s5, v0;
	v43 =	vadd.s32 $0x1390, v15  }
0x149: {  	v16 =	vand.u32 v2, v42;
	v19 =	vand.u32 $0x7, v15;
	v17 =	vand.u32 $0x3FF8, v43;
	v18 =	vld.idx.msk [tilespmem:v15+s4+$0x0], $0xffff  }
0x14a: {  	v17 =	vor.u32 v19, v17;
	_ =	sdelay $0x3  }
0x14b: {  	v44 =	vadd.s32 $0x2720, v15;
	[tilespmem:v16+s21+$0x0] =	vst.idx.msk $0xffff, v18  }
0x14c: {  	v45 =	vor.u32 s5, v3;
	v16 =	vand.u32 $0x7FF8, v44;
	v17 =	vld.idx.msk [tilespmem:v17+s4+$0x0], $0xffff  }
0x14d: {  	v16 =	vor.u32 v19, v16;
	_ =	sdelay $0x3  }
0x14e: {  	v46 =	vadd.s32 $0x3AB0, v15;
	[tilespmem:v45+s21+$0x0] =	vst.idx.msk $0xffff, v17  }
0x14f: {  	v47 =	vor.u32 s5, v4;
	v17 =	vand.u32 $0x7FF8, v46;
	v16 =	vld.idx.msk [tilespmem:v16+s4+$0x0], $0xffff  }
0x150: {  	v17 =	vor.u32 v19, v17;
	_ =	sdelay $0x3  }
0x151: {  	v48 =	vadd.s32 $0x4E40, v15;
	[tilespmem:v47+s21+$0x0] =	vst.idx.msk $0xffff, v16  }
0x152: {  	v49 =	vor.u32 s5, v5;
	v16 =	vand.u32 $0x7FF8, v48;
	v17 =	vld.idx.msk [tilespmem:v17+s4+$0x0], $0xffff  }
0x153: {  	v16 =	vor.u32 v19, v16;
	_ =	sdelay $0x3  }
0x154: {  	v50 =	vadd.s32 $0x61D0, v15;
	[tilespmem:v49+s21+$0x0] =	vst.idx.msk $0xffff, v17  }
0x155: {  	v51 =	vor.u32 s5, v6;
	v17 =	vand.u32 $0xFFF8, v50;
	v16 =	vld.idx.msk [tilespmem:v16+s4+$0x0], $0xffff  }
0x156: {  	v17 =	vor.u32 v19, v17;
	_ =	sdelay $0x3  }
0x157: {  	v52 =	vadd.s32 $0x7560, v15;
	[tilespmem:v51+s21+$0x0] =	vst.idx.msk $0xffff, v16  }
0x158: {  	v53 =	vor.u32 s5, v7;
	v16 =	vand.u32 $0xFFF8, v52;
	v17 =	vld.idx.msk [tilespmem:v17+s4+$0x0], $0xffff  }
0x159: {  	v16 =	vor.u32 v19, v16;
	_ =	sdelay $0x3  }
0x15a: {  	v15 =	vadd.s32 $0x88F0, v15;
	[tilespmem:v53+s21+$0x0] =	vst.idx.msk $0xffff, v17  }
0x15b: {  	v54 =	vor.u32 s5, v8;
	v15 =	vand.u32 $0xBFF8, v15;
	v16 =	vld.idx.msk [tilespmem:v16+s4+$0x0], $0xffff  }
0x15c: {  	v15 =	vor.u32 v19, v15;
	_ =	sdelay $0x3  }
0x15d: {  	[tilespmem:v54+s21+$0x0] =	vst.idx.msk $0xffff, v16  }
0x15e: {  	v55 =	vor.u32 s5, v9;
	v15 =	vld.idx.msk [tilespmem:v15+s4+$0x0], $0xffff;
	_ =	sdelay $0x4  }
0x15f: {  	[tilespmem:v55+s21+$0x0] =	vst.idx.msk $0xffff, v15  }
0x160: {  	v15 =	vld [tilespmem:s15+$0xFFFFFFE0];
	_ =	sdelay $0x4  }
0x161: {  	v15 =	vmin.f32 v15, v13  }
0x162: {  	v15 =	vmul.f32 v15, v14;
	_ =	sdelay $0x1  }
0x163: {  	v56 =	vtrunc.f32 v15  }
0x164: {  	v57 =	vcvt.f32.s32 v56;
	vm10 =	vgt.f32 v15, v56  }
0x165: {  	v15 =	vsel vm10, $0x1, v1  }
0x166: {  	v15 =	vadd.s32 v57, v15  }
0x167: {  	vm11 =	vgt.s32 v15, $0x0  }
0x168: {  	v15 =	vnsel vm11, $0x0, v15  }
0x169: {  	v15 =	vmin.u32 v15, $0x1387  }
0x16a: {  	s31 =	sadd.s32 $0xFFFFFFE0, s2  }
0x16b: {  	s5 =	sand.u32 $0x50, s31  }
0x16c: {  	s5 =	sor.u32 s16, s5  }
0x16d: {  	v58 =	vor.u32 s5, v0;
	v59 =	vadd.s32 $0x1390, v15  }
0x16e: {  	v16 =	vand.u32 v10, v58;
	v60 =	vand.u32 $0x7, v15;
	v17 =	vand.u32 $0x3FF8, v59;
	v18 =	vld.idx.msk [tilespmem:v15+s4+$0x0], $0xffff  }
0x16f: {  	v17 =	vor.u32 v60, v17;
	_ =	sdelay $0x3  }
0x170: {  	v61 =	vadd.s32 $0x2720, v15;
	[tilespmem:v16+s21+$0x0] =	vst.idx.msk $0xffff, v18  }
0x171: {  	v62 =	vor.u32 s5, v3;
	v16 =	vand.u32 $0x7FF8, v61;
	v17 =	vld.idx.msk [tilespmem:v17+s4+$0x0], $0xffff  }
0x172: {  	v16 =	vor.u32 v60, v16;
	_ =	sdelay $0x3  }
0x173: {  	v63 =	vadd.s32 $0x3AB0, v15;
	[tilespmem:v62+s21+$0x0] =	vst.idx.msk $0xffff, v17  }
0x174: {  	v21 =	vor.u32 s5, v4;
	v17 =	vand.u32 $0x7FF8, v63;
	v16 =	vld.idx.msk [tilespmem:v16+s4+$0x0], $0xffff  }
0x175: {  	v17 =	vor.u32 v60, v17;
	_ =	sdelay $0x3  }
0x176: {  	v22 =	vadd.s32 $0x4E40, v15;
	[tilespmem:v21+s21+$0x0] =	vst.idx.msk $0xffff, v16  }
0x177: {  	v23 =	vor.u32 s5, v5;
	v16 =	vand.u32 $0x7FF8, v22;
	v17 =	vld.idx.msk [tilespmem:v17+s4+$0x0], $0xffff  }
0x178: {  	v16 =	vor.u32 v60, v16;
	_ =	sdelay $0x3  }
0x179: {  	v24 =	vadd.s32 $0x61D0, v15;
	[tilespmem:v23+s21+$0x0] =	vst.idx.msk $0xffff, v17  }
0x17a: {  	v25 =	vor.u32 s5, v6;
	v17 =	vand.u32 $0xFFF8, v24;
	v16 =	vld.idx.msk [tilespmem:v16+s4+$0x0], $0xffff  }
0x17b: {  	v17 =	vor.u32 v60, v17;
	_ =	sdelay $0x3  }
0x17c: {  	v26 =	vadd.s32 $0x7560, v15;
	[tilespmem:v25+s21+$0x0] =	vst.idx.msk $0xffff, v16  }
0x17d: {  	v27 =	vor.u32 s5, v7;
	v16 =	vand.u32 $0xFFF8, v26;
	v17 =	vld.idx.msk [tilespmem:v17+s4+$0x0], $0xffff  }
0x17e: {  	v16 =	vor.u32 v60, v16;
	_ =	sdelay $0x3  }
0x17f: {  	v15 =	vadd.s32 $0x88F0, v15;
	[tilespmem:v27+s21+$0x0] =	vst.idx.msk $0xffff, v17  }
0x180: {  	v28 =	vor.u32 s5, v8;
	v15 =	vand.u32 $0xBFF8, v15;
	v16 =	vld.idx.msk [tilespmem:v16+s4+$0x0], $0xffff  }
0x181: {  	v15 =	vor.u32 v60, v15;
	_ =	sdelay $0x3  }
0x182: {  	[tilespmem:v28+s21+$0x0] =	vst.idx.msk $0xffff, v16  }
0x183: {  	v29 =	vor.u32 s5, v9;
	v15 =	vld.idx.msk [tilespmem:v15+s4+$0x0], $0xffff;
	_ =	sdelay $0x4  }
0x184: {  	[tilespmem:v29+s21+$0x0] =	vst.idx.msk $0xffff, v15  }
0x185: {  	v15 =	vld [tilespmem:s15+$0xFFFFFFF0];
	_ =	sdelay $0x4  }
0x186: {  	v15 =	vmin.f32 v15, v13  }
0x187: {  	v15 =	vmul.f32 v15, v14;
	_ =	sdelay $0x1  }
0x188: {  	v30 =	vtrunc.f32 v15  }
0x189: {  	v31 =	vcvt.f32.s32 v30;
	vm12 =	vgt.f32 v15, v30  }
0x18a: {  	v15 =	vsel vm12, $0x1, v1  }
0x18b: {  	v15 =	vadd.s32 v31, v15  }
0x18c: {  	vm13 =	vgt.s32 v15, $0x0  }
0x18d: {  	v15 =	vnsel vm13, $0x0, v15  }
0x18e: {  	v15 =	vmin.u32 v15, $0x1387  }
0x18f: {  	s30 =	sadd.s32 $0xFFFFFFF0, s2  }
0x190: {  	s5 =	sand.u32 $0x60, s30  }
0x191: {  	s5 =	sor.u32 s16, s5  }
0x192: {  	v32 =	vor.u32 s5, v0;
	v33 =	vadd.s32 $0x1390, v15  }
0x193: {  	v16 =	vand.u32 v11, v32;
	v34 =	vand.u32 $0x7, v15;
	v17 =	vand.u32 $0x3FF8, v33;
	v18 =	vld.idx.msk [tilespmem:v15+s4+$0x0], $0xffff  }
0x194: {  	v17 =	vor.u32 v34, v17;
	_ =	sdelay $0x3  }
0x195: {  	v35 =	vadd.s32 $0x2720, v15;
	[tilespmem:v16+s21+$0x0] =	vst.idx.msk $0xffff, v18  }
0x196: {  	v36 =	vor.u32 s5, v3;
	v16 =	vand.u32 $0x7FF8, v35;
	v17 =	vld.idx.msk [tilespmem:v17+s4+$0x0], $0xffff  }
0x197: {  	v16 =	vor.u32 v34, v16;
	_ =	sdelay $0x3  }
0x198: {  	v37 =	vadd.s32 $0x3AB0, v15;
	[tilespmem:v36+s21+$0x0] =	vst.idx.msk $0xffff, v17  }
0x199: {  	v38 =	vor.u32 s5, v4;
	v17 =	vand.u32 $0x7FF8, v37;
	v16 =	vld.idx.msk [tilespmem:v16+s4+$0x0], $0xffff  }
0x19a: {  	v17 =	vor.u32 v34, v17;
	_ =	sdelay $0x3  }
0x19b: {  	v39 =	vadd.s32 $0x4E40, v15;
	[tilespmem:v38+s21+$0x0] =	vst.idx.msk $0xffff, v16  }
0x19c: {  	v40 =	vor.u32 s5, v5;
	v16 =	vand.u32 $0x7FF8, v39;
	v17 =	vld.idx.msk [tilespmem:v17+s4+$0x0], $0xffff  }
0x19d: {  	v16 =	vor.u32 v34, v16;
	_ =	sdelay $0x3  }
0x19e: {  	v41 =	vadd.s32 $0x61D0, v15;
	[tilespmem:v40+s21+$0x0] =	vst.idx.msk $0xffff, v17  }
0x19f: {  	v42 =	vor.u32 s5, v6;
	v17 =	vand.u32 $0xFFF8, v41;
	v16 =	vld.idx.msk [tilespmem:v16+s4+$0x0], $0xffff  }
0x1a0: {  	v17 =	vor.u32 v34, v17;
	_ =	sdelay $0x3  }
0x1a1: {  	v43 =	vadd.s32 $0x7560, v15;
	[tilespmem:v42+s21+$0x0] =	vst.idx.msk $0xffff, v16  }
0x1a2: {  	v44 =	vor.u32 s5, v7;
	v16 =	vand.u32 $0xFFF8, v43;
	v17 =	vld.idx.msk [tilespmem:v17+s4+$0x0], $0xffff  }
0x1a3: {  	v16 =	vor.u32 v34, v16;
	_ =	sdelay $0x3  }
0x1a4: {  	v15 =	vadd.s32 $0x88F0, v15;
	[tilespmem:v44+s21+$0x0] =	vst.idx.msk $0xffff, v17  }
0x1a5: {  	v45 =	vor.u32 s5, v8;
	v15 =	vand.u32 $0xBFF8, v15;
	v16 =	vld.idx.msk [tilespmem:v16+s4+$0x0], $0xffff  }
0x1a6: {  	v15 =	vor.u32 v34, v15;
	_ =	sdelay $0x3  }
0x1a7: {  	[tilespmem:v45+s21+$0x0] =	vst.idx.msk $0xffff, v16  }
0x1a8: {  	v46 =	vor.u32 s5, v9;
	v15 =	vld.idx.msk [tilespmem:v15+s4+$0x0], $0xffff;
	_ =	sdelay $0x4  }
0x1a9: {  	[tilespmem:v46+s21+$0x0] =	vst.idx.msk $0xffff, v15  }
0x1aa: {  	v15 =	vld [tilespmem:s15+$0x0];
	_ =	sdelay $0x4  }
0x1ab: {  	v15 =	vmin.f32 v15, v13  }
0x1ac: {  	v15 =	vmul.f32 v15, v14;
	_ =	sdelay $0x1  }
0x1ad: {  	v47 =	vtrunc.f32 v15  }
0x1ae: {  	v48 =	vcvt.f32.s32 v47;
	vm14 =	vgt.f32 v15, v47  }
0x1af: {  	v15 =	vsel vm14, $0x1, v1  }
0x1b0: {  	v15 =	vadd.s32 v48, v15  }
0x1b1: {  	vm15 =	vgt.s32 v15, $0x0  }
0x1b2: {  	v15 =	vnsel vm15, $0x0, v15  }
0x1b3: {  	v15 =	vmin.u32 v15, $0x1387;
	_ =	sdelay $0x1  }
0x1b4: {  	s31 =	sand.u32 $0x70, s2  }
0x1b5: {  	s5 =	sor.u32 s16, s31  }
0x1b6: {  	v49 =	vor.u32 s5, v0;
	v50 =	vadd.s32 $0x1390, v15  }
0x1b7: {  	v16 =	vand.u32 v12, v49;
	v51 =	vand.u32 $0x7, v15;
	v17 =	vand.u32 $0x3FF8, v50;
	v18 =	vld.idx.msk [tilespmem:v15+s4+$0x0], $0xffff  }
0x1b8: {  	v17 =	vor.u32 v51, v17;
	_ =	sdelay $0x3  }
0x1b9: {  	v52 =	vadd.s32 $0x2720, v15;
	[tilespmem:v16+s21+$0x0] =	vst.idx.msk $0xffff, v18  }
0x1ba: {  	v53 =	vor.u32 s5, v3;
	v16 =	vand.u32 $0x7FF8, v52;
	v17 =	vld.idx.msk [tilespmem:v17+s4+$0x0], $0xffff  }
0x1bb: {  	v16 =	vor.u32 v51, v16;
	_ =	sdelay $0x3  }
0x1bc: {  	v54 =	vadd.s32 $0x3AB0, v15;
	[tilespmem:v53+s21+$0x0] =	vst.idx.msk $0xffff, v17  }
0x1bd: {  	v55 =	vor.u32 s5, v4;
	v17 =	vand.u32 $0x7FF8, v54;
	v16 =	vld.idx.msk [tilespmem:v16+s4+$0x0], $0xffff  }
0x1be: {  	v17 =	vor.u32 v51, v17;
	_ =	sdelay $0x3  }
0x1bf: {  	v56 =	vadd.s32 $0x4E40, v15;
	[tilespmem:v55+s21+$0x0] =	vst.idx.msk $0xffff, v16  }
0x1c0: {  	v57 =	vor.u32 s5, v5;
	v16 =	vand.u32 $0x7FF8, v56;
	v17 =	vld.idx.msk [tilespmem:v17+s4+$0x0], $0xffff  }
0x1c1: {  	v16 =	vor.u32 v51, v16;
	_ =	sdelay $0x3  }
0x1c2: {  	v58 =	vadd.s32 $0x61D0, v15;
	[tilespmem:v57+s21+$0x0] =	vst.idx.msk $0xffff, v17  }
0x1c3: {  	v59 =	vor.u32 s5, v6;
	v17 =	vand.u32 $0xFFF8, v58;
	v16 =	vld.idx.msk [tilespmem:v16+s4+$0x0], $0xffff  }
0x1c4: {  	v17 =	vor.u32 v51, v17;
	_ =	sdelay $0x3  }
0x1c5: {  	v60 =	vadd.s32 $0x7560, v15;
	[tilespmem:v59+s21+$0x0] =	vst.idx.msk $0xffff, v16  }
0x1c6: {  	v61 =	vor.u32 s5, v7;
	v16 =	vand.u32 $0xFFF8, v60;
	v17 =	vld.idx.msk [tilespmem:v17+s4+$0x0], $0xffff  }
0x1c7: {  	v16 =	vor.u32 v51, v16;
	_ =	sdelay $0x3  }
0x1c8: {  	v15 =	vadd.s32 $0x88F0, v15;
	[tilespmem:v61+s21+$0x0] =	vst.idx.msk $0xffff, v17  }
0x1c9: {  	v62 =	vor.u32 s5, v8;
	v15 =	vand.u32 $0xBFF8, v15;
	v16 =	vld.idx.msk [tilespmem:v16+s4+$0x0], $0xffff  }
0x1ca: {  	v15 =	vor.u32 v51, v15;
	_ =	sdelay $0x3  }
0x1cb: {  	[tilespmem:v62+s21+$0x0] =	vst.idx.msk $0xffff, v16  }
0x1cc: {  	p0 =	sne.s32 s2, $0xC70;
	v63 =	vor.u32 s5, v9;
	v15 =	vld.idx.msk [tilespmem:v15+s4+$0x0], $0xffff  }
.Ltmp15:
0x1cd: {  	_ = 	snop;
	(pc) =	sbr.rel @p0 .LBB2_24-.Ltmp15, $2  }
0x1ce: {  	_ =	sdelay $0x2  }
0x1cf: {  	s14 =	sadd.s32 $0x200, s14;
	s2 =	sadd.s32 $0x40, s2;
	s15 =	sadd.s32 $0x40, s15;
	[tilespmem:v63+s21+$0x0] =	vst.idx.msk $0xffff, v15  }
0x1d0: {  	s0 =	smul.u32 $0x6400, s0;
	_ =	sdelay $0x1  }
.Ltmp16:
0x1d1: {  	s0 =	sshrl.u32 s0, $0x3;
	(pc) =	sbr.rel .LBB2_26-.Ltmp16, $4  }
0x1d2: {  	s0 =	sadd.s32 s3, s0  }
0x1d3: {  	[hbm4b:s0+s4] =	stream.linear.scatter [tilespmem:s21], [sflag:$0x3], $0x3200, $0x38;
	[tilespmem:$0x17E20] =	vst v63  }
0x1d4: {  	s0 =	sadd.s32 $0x640, s0  }
0x1d5: {  	[hbm4b:s0+s4] =	stream.linear.scatter [tilespmem:s22], [sflag:$0x4], $0x3200, $0x38;
	[tilespmem:$0x17E20] =	vst v63  }
.LBB2_28:
0x1d6: {  	_ =	sfence.sel $0x180000  }
0x1d7: {  	[bflag:$0x0] =	sbarrier.arrive $0xFFFF  }
0x1d8: {  	_ =	strace $0x90000047  }
0x1d9: {  	s0 =	stileid.u32;
	[bflag:$0x2] =	sbarrier.arrive $0xFFFF  }
0x1da: {  	p0 =	sne.s32 s0, $0x0;
	s0 =	rddreg [dreg:$0x3]  }
0x1db: {  	s0 =	sadd.s32 @!p0 $0x100000, s0  }
0x1dc: {  	[sflag:s0] =	ssyncadd.tile.s32 @!p0 $0x1;
	_ =	shalt  }
.Lfunc_end2:
_tile_overlayer_lowered:
.L_overlay_start_2:
0x1dd: {  	(tag) =	ssettag $0x2  }
0x1de: {  	s0 =	rddreg [dreg:$0x0];
	s2 =	stileid.u32  }
0x1df: {  	s1 =	rddreg [dreg:$0x1];
	p0 =	sne.s32 s2, $0x0  }
0x1e0: {  	s3 =	rddreg [dreg:$0x2];
	[bflag:$0x3] =	sbarrier.arrive $0xFFFF;
	s2 =	simm.s32 @!p0 $0x1C07  }
0x1e1: {  	[timem:s3], [sflag:s2] =	dma.local @!p0 [hbm:s0], s1  }
0x1e2: {  	s0 =	simm.s32 @!p0 $0x7  }
0x1e3: {  	_ =	swait.ge @!p0 [sflag:s0], s1  }
0x1e4: {  	s1 =	ssub.s32 @!p0 $0x0, s1;
	[sflag:s0] =	ssyncset.done @!p0 $0x0  }
0x1e5: {  	[sflag:s0] =	ssyncadd.s32 @!p0 s1  }
0x1e6: {  	[bflag:$0x3] =	sbarrier.arrive $0xFFFF  }
0x1e7: {  	_ =	shalt  }

</sc_bundles>
